<compile_context>
chip_gen: v7x
topology: tpu7x:2x2x1
jax: 0.10.2.dev20260603
libtpu: 0.0.44.dev20260713+nightly
codegen_flags: <defaults>
</compile_context>

<pallas_src>
import functools

import jax
import jax.numpy as jnp
from jax import lax
from jax.experimental import pallas as pl
from jax.experimental.pallas import tpu as pltpu
from jax.experimental.pallas import tpu_sc as plsc

N = 10000
E = 320000
F_IN = 128
P = 12
NC = 2
NS = 16
CHUNK = 80
DEG_ITERS = E // (NC * NS) // CHUNK
AGG_ITERS = E // NS // CHUNK
NPT = N // NS
FH = 144

_f32 = jnp.float32


def _deg_body(dst_hbm, zeros_hbm, deg_out, didx, ones_v, acc, sem):
    cid = lax.axis_index("c")
    sid = lax.axis_index("s")
    wid = sid * NC + cid
    for i in range(CHUNK // 16):
        ones_v[pl.ds(i * 16, 16)] = jnp.full((16,), 1.0, _f32)

    @pl.when(sid == 0)
    def _():
        pltpu.sync_copy(zeros_hbm, acc)

    pltpu.sync_copy(dst_hbm.at[wid], didx)
    plsc.subcore_barrier()

    def body(i, carry):
        pltpu.sync_copy(ones_v, acc.at[didx.at[i]], add=True)
        return carry

    lax.fori_loop(0, DEG_ITERS, body, 0)
    plsc.subcore_barrier()

    @pl.when(sid == 0)
    def _():
        pltpu.sync_copy(acc, deg_out.at[cid])


def _sc_deg(dst3, zeros_n):
    mesh = plsc.VectorSubcoreMesh(core_axis_name="c", subcore_axis_name="s")
    return pl.kernel(
        _deg_body,
        mesh=mesh,
        out_type=jax.ShapeDtypeStruct((NC, N), _f32),
        scratch_types=[
            pltpu.VMEM((DEG_ITERS, CHUNK), jnp.int32),
            pltpu.VMEM((CHUNK,), _f32),
            pltpu.VMEM_SHARED((N,), _f32),
            pltpu.SemaphoreType.DMA,
        ],
    )(dst3, zeros_n)


SUP = 10
NSUP = AGG_ITERS // SUP


def _agg_body(src_hbm, dst_hbm, vtab_hbm, out_hbm,
              sidx, didx, gidx, rows0, rows1, acc, sem0, sem1):
    cid = lax.axis_index("c")
    sid = lax.axis_index("s")
    rows = (rows0, rows1)
    sems = (sem0, sem1)

    for h in range(2):
        off = (cid * 2 + h) * N
        pltpu.sync_copy(vtab_hbm.at[pl.ds(off + sid * NPT, NPT)],
                        acc.at[pl.ds(sid * NPT, NPT)])
        plsc.subcore_barrier()

        def sblock(s, carry):
            pltpu.sync_copy(src_hbm.at[sid, pl.ds(s * SUP, SUP)], sidx)
            pltpu.sync_copy(dst_hbm.at[sid, pl.ds(s * SUP, SUP)], didx)
            for b in range(SUP):
                for j in range(CHUNK // 16):
                    sl = pl.ds(j * 16, 16)
                    gidx[b, sl] = sidx[b, sl] + off
            g = [None, None]
            g[0] = pltpu.async_copy(vtab_hbm.at[gidx.at[0]], rows[0], sems[0])
            for b in range(SUP):
                j = b % 2
                nj = (b + 1) % 2
                if b + 1 < SUP:
                    g[nj] = pltpu.async_copy(vtab_hbm.at[gidx.at[b + 1]],
                                             rows[nj], sems[nj])
                g[j].wait()
                pltpu.sync_copy(rows[j], acc.at[didx.at[b]], add=True)
            return carry

        lax.fori_loop(0, NSUP, sblock, 0)
        plsc.subcore_barrier()
        pltpu.sync_copy(acc.at[pl.ds(sid * NPT, NPT)],
                        out_hbm.at[cid, h, pl.ds(sid * NPT, NPT)])
        plsc.subcore_barrier()


def _sc_agg(src3, dst3, vtab):
    mesh = plsc.VectorSubcoreMesh(core_axis_name="c", subcore_axis_name="s")
    return pl.kernel(
        _agg_body,
        mesh=mesh,
        compiler_params=pltpu.CompilerParams(use_tc_tiling_on_sc=False),
        out_type=jax.ShapeDtypeStruct((NC, 2, N, FH), _f32),
        scratch_types=[
            pltpu.VMEM((SUP, CHUNK), jnp.int32),
            pltpu.VMEM((SUP, CHUNK), jnp.int32),
            pltpu.VMEM((SUP, CHUNK), jnp.int32),
            pltpu.VMEM((CHUNK, FH), _f32),
            pltpu.VMEM((CHUNK, FH), _f32),
            pltpu.VMEM_SHARED((N, FH), _f32),
            pltpu.SemaphoreType.DMA,
            pltpu.SemaphoreType.DMA,
        ],
    )(src3, dst3, vtab)


_RT = 200


def _mm_kernel(x_ref, w_ref, d0_ref, d1_ref, out_ref):
    dinv = lax.rsqrt(d0_ref[...] + d1_ref[...] + 1.0)
    u = jnp.dot(x_ref[...], w_ref[0], preferred_element_type=_f32)
    out_ref[...] = u * dinv


def _tc_matmul(xr, w_bd, d0, d1):
    nrt = N // _RT
    return pl.pallas_call(
        _mm_kernel,
        grid=(2 * nrt, 2),
        in_specs=[
            pl.BlockSpec((_RT, F_IN * P), lambda i, h: (i, 0)),
            pl.BlockSpec((1, F_IN * P, FH), lambda i, h: (h, 0, 0)),
            pl.BlockSpec((_RT, 1), lambda i, h: (i % nrt, 0)),
            pl.BlockSpec((_RT, 1), lambda i, h: (i % nrt, 0)),
        ],
        out_specs=pl.BlockSpec(
            (_RT, FH), lambda i, h: ((i // nrt) * 2 * nrt + h * nrt + i % nrt, 0)),
        out_shape=jax.ShapeDtypeStruct((2 * 2 * N, FH), _f32),
    )(xr, w_bd, d0, d1)


_NT = 1000


def _fin_kernel(agg_ref, x0_ref, d0_ref, d1_ref, bias_ref, wsel_ref,
                ow_ref, ob_ref, out_ref):
    dinv = lax.rsqrt(d0_ref[...] + d1_ref[...] + 1.0)
    acc = jnp.zeros((_NT, P), _f32)
    for h in range(2):
        u = agg_ref[0, h] * dinv + bias_ref[...]
        sig = jax.nn.sigmoid(u)
        th = jnp.tanh(u)
        thr = jnp.concatenate([th[:, 12:], th[:, :12]], axis=1)
        prod = (1.0 - sig) * thr
        acc = acc + jnp.dot(prod, wsel_ref[h], preferred_element_type=_f32)
    hrelu = jnp.maximum(acc + x0_ref[0], 0.0)
    out_ref[0] = jnp.dot(hrelu, ow_ref[...],
                         preferred_element_type=_f32) + ob_ref[...]


def _tc_final(agg, x0, d0, d1, bias144, wsel, ow, ob):
    return pl.pallas_call(
        _fin_kernel,
        grid=(2, N // _NT),
        in_specs=[
            pl.BlockSpec((1, 2, _NT, FH), lambda b, j: (b, 0, j, 0)),
            pl.BlockSpec((1, _NT, P), lambda b, j: (b, j, 0)),
            pl.BlockSpec((_NT, 1), lambda b, j: (j, 0)),
            pl.BlockSpec((_NT, 1), lambda b, j: (j, 0)),
            pl.BlockSpec((1, FH), lambda b, j: (0, 0)),
            pl.BlockSpec((2, FH, P), lambda b, j: (0, 0, 0)),
            pl.BlockSpec((P, P), lambda b, j: (0, 0)),
            pl.BlockSpec((1, P), lambda b, j: (0, 0)),
        ],
        out_specs=pl.BlockSpec((1, _NT, P), lambda b, j: (b, j, 0)),
        out_shape=jax.ShapeDtypeStruct((2, N, P), _f32),
    )(agg, x0, d0, d1, bias144, wsel, ow, ob)


def kernel(x, edge_index, attention, conv_z_W, conv_z_b, conv_r_W, conv_r_b,
           conv_h_W, conv_h_b, lin_z_W, lin_z_b, lin_r_W, lin_r_b,
           lin_h_W, lin_h_b, out_W, out_b):
    src = edge_index[0]
    dst = edge_index[1]
    dst_deg = dst.reshape(NC * NS, DEG_ITERS, CHUNK)
    src3 = src.reshape(NS, AGG_ITERS, CHUNK)
    dst3 = dst.reshape(NS, AGG_ITERS, CHUNK)

    deg2 = _sc_deg(dst_deg, jnp.zeros((N,), _f32))
    d0 = deg2[0].reshape(N, 1)
    d1 = deg2[1].reshape(N, 1)

    Az = conv_z_W @ lin_z_W[:P]
    Ah = conv_h_W @ lin_h_W[:P]
    Acat = jnp.concatenate([Az, Ah], axis=1)
    w_bd = (Acat[:, None, None, :] *
            jnp.eye(P, dtype=_f32)[None, :, :, None]).reshape(F_IN * P, P * 24)
    w_bd = w_bd.reshape(F_IN * P, 2, FH).transpose(1, 0, 2)

    xr = x.reshape(2 * N, F_IN * P)
    vtab = _tc_matmul(xr, w_bd, d0, d1)
    agg = _sc_agg(src3, dst3, vtab)

    x0 = x[:, :, 0, :]
    probs = jax.nn.softmax(attention)
    czc = conv_z_b @ lin_z_W[:P] + lin_z_b
    chc = conv_h_b @ lin_h_W[:P] + lin_h_b
    bias144 = jnp.tile(jnp.concatenate([czc, chc]), 6).reshape(1, FH)
    base = jnp.concatenate([jnp.eye(P, dtype=_f32),
                            jnp.zeros((P, P), _f32)], axis=0)
    wsel = (probs.reshape(2, 6)[:, :, None, None] *
            base[None, None]).reshape(2, FH, P)
    return _tc_final(agg, x0, d0, d1, bias144, wsel, out_W,
                     out_b.reshape(1, P))

# --- scband reference (transcript-rebuilt; emitter-appended) ---
"""Pipeline reference for scband-temporal-gnn-a3t-66314295050285 (READ-ONLY COPY).

The authoritative reference and input builder live on the scoring server;
editing this copy changes nothing except your own understanding.
"""

import jax, jax.numpy as jnp
import numpy as np

B = 2
N_NODES = 10000
N_EDGES = 320000
F_IN = 128
PERIODS = 12
OUT_PERIODS = 12


def setup_inputs(seed: int = 0) -> dict:
    key = jax.random.key(seed)
    ks = jax.random.split(key, 24)
    def param(k, shape, scale=0.1):
        return jax.random.normal(k, shape, dtype=jnp.float32) * scale
    inp = {}
    inp["x"] = jax.random.normal(ks[0], (B, N_NODES, F_IN, PERIODS), dtype=jnp.float32)
    inp["edge_index"] = jax.random.randint(ks[1], (2, N_EDGES), 0, N_NODES, dtype=jnp.int32)
    # A3TGCN2 attention over periods
    inp["attention"] = jax.random.uniform(ks[2], (PERIODS,), dtype=jnp.float32)
    # TGCN2 GCNConv weights (in_channels=F_IN, out_channels=PERIODS) + bias
    inp["conv_z_W"] = param(ks[3], (F_IN, PERIODS))
    inp["conv_z_b"] = jnp.zeros((PERIODS,), jnp.float32)
    inp["conv_r_W"] = param(ks[4], (F_IN, PERIODS))
    inp["conv_r_b"] = jnp.zeros((PERIODS,), jnp.float32)
    inp["conv_h_W"] = param(ks[5], (F_IN, PERIODS))
    inp["conv_h_b"] = jnp.zeros((PERIODS,), jnp.float32)
    # TGCN2 gate linears: Linear(2*out, out)
    inp["lin_z_W"] = param(ks[6], (2 * PERIODS, PERIODS))
    inp["lin_z_b"] = param(ks[7], (PERIODS,))
    inp["lin_r_W"] = param(ks[8], (2 * PERIODS, PERIODS))
    inp["lin_r_b"] = param(ks[9], (PERIODS,))
    inp["lin_h_W"] = param(ks[10], (2 * PERIODS, PERIODS))
    inp["lin_h_b"] = param(ks[11], (PERIODS,))
    # final Linear(in_periods, out_periods)
    inp["out_W"] = param(ks[12], (PERIODS, OUT_PERIODS))
    inp["out_b"] = param(ks[13], (OUT_PERIODS,))
    return inp


def _gcn(x, src, dst, norm, W, b):
    # GCNConv: transform then normalized scatter-add aggregation (source_to_target)
    xw = x @ W  # [B, N, out]
    msg = xw[:, src, :] * norm[None, :, None]  # gather + scale
    out = jnp.zeros_like(xw).at[:, dst, :].add(msg)  # scatter-add
    return out + b


def reference(x, edge_index, attention, conv_z_W, conv_z_b, conv_r_W, conv_r_b,
              conv_h_W, conv_h_b, lin_z_W, lin_z_b, lin_r_W, lin_r_b,
              lin_h_W, lin_h_b, out_W, out_b):
    n = x.shape[1]
    # add self loops + symmetric GCN normalization
    loop = jnp.arange(n, dtype=edge_index.dtype)
    src = jnp.concatenate([edge_index[0], loop])
    dst = jnp.concatenate([edge_index[1], loop])
    ew = jnp.ones(src.shape[0], dtype=x.dtype)
    deg = jnp.zeros((n,), x.dtype).at[dst].add(ew)
    dinv = jnp.where(deg > 0, 1.0 / jnp.sqrt(deg), 0.0)
    norm = dinv[src] * ew * dinv[dst]

    probs = jax.nn.softmax(attention)
    H0 = jnp.zeros((x.shape[0], n, PERIODS), x.dtype)  # TGCN2 hidden (H=None -> zeros each period)
    H_accum = jnp.zeros_like(H0)
    for p in range(PERIODS):
        xt = x[:, :, :, p]
        cz = _gcn(xt, src, dst, norm, conv_z_W, conv_z_b)
        Z = jax.nn.sigmoid(jnp.concatenate([cz, H0], axis=2) @ lin_z_W + lin_z_b)
        cr = _gcn(xt, src, dst, norm, conv_r_W, conv_r_b)
        R = jax.nn.sigmoid(jnp.concatenate([cr, H0], axis=2) @ lin_r_W + lin_r_b)
        ch = _gcn(xt, src, dst, norm, conv_h_W, conv_h_b)
        Ht = jnp.tanh(jnp.concatenate([ch, H0 * R], axis=2) @ lin_h_W + lin_h_b)
        Hp = Z * H0 + (1.0 - Z) * Ht
        H_accum = H_accum + probs[p] * Hp
    h = H_accum + x[:, :, 0, :]
    h = jax.nn.relu(h)
    return h @ out_W + out_b

if __name__ == "__main__":
    import jax
    _d = setup_inputs()
    print(jax.jit(kernel)(*tuple(_d.values())))

</pallas_src>

<mosaic_0001>
#map = affine_map<(d0, d1) -> (0, 0, 0)>
#map1 = affine_map<(d0, d1) -> (0)>
#map2 = affine_map<(d0, d1) -> (0, 0)>
module attributes {stable_mosaic.version = 14 : i64} {
  func.func @_deg_body(%arg0: i32, %arg1: i32, %arg2: memref<32x125x80xi32, #tpu.memory_space<hbm>>, %arg3: memref<10000xf32, #tpu.memory_space<hbm>>, %arg4: memref<2x10000xf32, #tpu.memory_space<hbm>>, %arg5: memref<125x80xi32, #tpu.memory_space<vmem>>, %arg6: memref<80xf32, #tpu.memory_space<vmem>>, %arg7: memref<10000xf32, #tpu.memory_space<vmem_shared>>, %arg8: memref<!tpu.dma_semaphore, #tpu.memory_space<semaphore_mem>>) attributes {dimension_semantics = [#tpu.dimension_semantics<core_parallel>, #tpu.dimension_semantics<subcore_parallel>], iteration_bounds = array<i64: 2, 16>, scalar_prefetch = 0 : i64, scratch_operands = 4 : i64, tpu.core_type = #tpu.core_type<sc_vector_subcore>, window_params = [{transform_indices = #map}, {transform_indices = #map1}, {transform_indices = #map2}]} {
    %mul3A = arith.constant 2 : i32
    %mul3A_0 = arith.muli %arg1, %mul3A : i32
    %add3A = arith.addi %mul3A_0, %arg0 : i32
    %broadcast_in_dim3A = arith.constant 1.000000e+00 : f32
    %broadcast_in_dim3A_1 = vector.broadcast %broadcast_in_dim3A : f32 to vector<16xf32>
    %swap3A = arith.constant 0 : index
    %swap3A_2 = tpu.vector_load %arg6[%swap3A] {strides = array<i32>} : memref<80xf32, #tpu.memory_space<vmem>>, vector<16xf32>,
    %swap3A_3 = vector.shape_cast %swap3A_2 : vector<16xf32> to vector<16xf32>
    %swap3A_4 = vector.shape_cast %broadcast_in_dim3A_1 : vector<16xf32> to vector<16xf32>
    tpu.vector_store %arg6[%swap3A], %swap3A_4 {strides = array<i32>} : memref<80xf32, #tpu.memory_space<vmem>>, vector<16xf32>,
    %broadcast_in_dim3A_5 = arith.constant 1.000000e+00 : f32
    %broadcast_in_dim3A_6 = vector.broadcast %broadcast_in_dim3A_5 : f32 to vector<16xf32>
    %swap3A_7 = arith.constant 16 : index
    %swap3A_8 = tpu.vector_load %arg6[%swap3A_7] {strides = array<i32>} : memref<80xf32, #tpu.memory_space<vmem>>, vector<16xf32>,
    %swap3A_9 = vector.shape_cast %swap3A_8 : vector<16xf32> to vector<16xf32>
    %swap3A_10 = vector.shape_cast %broadcast_in_dim3A_6 : vector<16xf32> to vector<16xf32>
    tpu.vector_store %arg6[%swap3A_7], %swap3A_10 {strides = array<i32>} : memref<80xf32, #tpu.memory_space<vmem>>, vector<16xf32>,
    %broadcast_in_dim3A_11 = arith.constant 1.000000e+00 : f32
    %broadcast_in_dim3A_12 = vector.broadcast %broadcast_in_dim3A_11 : f32 to vector<16xf32>
    %swap3A_13 = arith.constant 32 : index
    %swap3A_14 = tpu.vector_load %arg6[%swap3A_13] {strides = array<i32>} : memref<80xf32, #tpu.memory_space<vmem>>, vector<16xf32>,
    %swap3A_15 = vector.shape_cast %swap3A_14 : vector<16xf32> to vector<16xf32>
    %swap3A_16 = vector.shape_cast %broadcast_in_dim3A_12 : vector<16xf32> to vector<16xf32>
    tpu.vector_store %arg6[%swap3A_13], %swap3A_16 {strides = array<i32>} : memref<80xf32, #tpu.memory_space<vmem>>, vector<16xf32>,
    %broadcast_in_dim3A_17 = arith.constant 1.000000e+00 : f32
    %broadcast_in_dim3A_18 = vector.broadcast %broadcast_in_dim3A_17 : f32 to vector<16xf32>
    %swap3A_19 = arith.constant 48 : index
    %swap3A_20 = tpu.vector_load %arg6[%swap3A_19] {strides = array<i32>} : memref<80xf32, #tpu.memory_space<vmem>>, vector<16xf32>,
    %swap3A_21 = vector.shape_cast %swap3A_20 : vector<16xf32> to vector<16xf32>
    %swap3A_22 = vector.shape_cast %broadcast_in_dim3A_18 : vector<16xf32> to vector<16xf32>
    tpu.vector_store %arg6[%swap3A_19], %swap3A_22 {strides = array<i32>} : memref<80xf32, #tpu.memory_space<vmem>>, vector<16xf32>,
    %broadcast_in_dim3A_23 = arith.constant 1.000000e+00 : f32
    %broadcast_in_dim3A_24 = vector.broadcast %broadcast_in_dim3A_23 : f32 to vector<16xf32>
    %swap3A_25 = arith.constant 64 : index
    %swap3A_26 = tpu.vector_load %arg6[%swap3A_25] {strides = array<i32>} : memref<80xf32, #tpu.memory_space<vmem>>, vector<16xf32>,
    %swap3A_27 = vector.shape_cast %swap3A_26 : vector<16xf32> to vector<16xf32>
    %swap3A_28 = vector.shape_cast %broadcast_in_dim3A_24 : vector<16xf32> to vector<16xf32>
    tpu.vector_store %arg6[%swap3A_25], %swap3A_28 {strides = array<i32>} : memref<80xf32, #tpu.memory_space<vmem>>, vector<16xf32>,
    %eq3A = arith.constant 0 : i32
    %eq3A_29 = arith.cmpi eq, %arg1, %eq3A : i32
    %convert_element_type3A = arith.extui %eq3A_29 : i1 to i32
    %cond3A = arith.constant 0 : i32
    %cond3A_30 = arith.cmpi ne, %convert_element_type3A, %cond3A : i32
    scf.if %cond3A_30 {
      "tpu.region"() ({
        %run_scoped3A = tpu.sem_alloc : memref<!tpu.dma_semaphore, #tpu.memory_space<semaphore_mem>>
        tpu.enqueue_dma source(%arg3 : memref<10000xf32, #tpu.memory_space<hbm>>) target(%arg7 : memref<10000xf32, #tpu.memory_space<vmem_shared>>) target_semaphore(%run_scoped3A : memref<!tpu.dma_semaphore, #tpu.memory_space<semaphore_mem>>)
        tpu.wait_dma2 semaphore(%run_scoped3A : memref<!tpu.dma_semaphore, #tpu.memory_space<semaphore_mem>>) src(%arg3 : memref<10000xf32, #tpu.memory_space<hbm>>) dst(%arg7 : memref<10000xf32, #tpu.memory_space<vmem_shared>>)
        tpu.yield
      }) : () -> ()
    } else {
    }
    "tpu.region"() ({
      %run_scoped3A = tpu.sem_alloc : memref<!tpu.dma_semaphore, #tpu.memory_space<semaphore_mem>>
      %dma_start3A = arith.constant 0 : i32
      %dma_start3A_42 = arith.constant 0 : i32
      %dma_start3A_43 = tpu.memref_slice %arg2[%add3A, %dma_start3A, %dma_start3A_42] : memref<32x125x80xi32, #tpu.memory_space<hbm>> -> memref<1x125x80xi32, #tpu.memory_space<hbm>>
      %dma_start3A_44 = tpu.memref_squeeze %dma_start3A_43 : memref<1x125x80xi32, #tpu.memory_space<hbm>> -> memref<125x80xi32, #tpu.memory_space<hbm>>
      %dma_start3A_45 = arith.constant 0 : i32
      %dma_start3A_46 = arith.constant 0 : i32
      %dma_start3A_47 = tpu.memref_slice %arg2[%add3A, %dma_start3A_45, %dma_start3A_46] : memref<32x125x80xi32, #tpu.memory_space<hbm>> -> memref<1x125x80xi32, #tpu.memory_space<hbm>>
      %dma_start3A_48 = tpu.memref_squeeze %dma_start3A_47 : memref<1x125x80xi32, #tpu.memory_space<hbm>> -> memref<125x80xi32, #tpu.memory_space<hbm>>
      tpu.enqueue_dma source(%dma_start3A_48 : memref<125x80xi32, #tpu.memory_space<hbm>>) target(%arg5 : memref<125x80xi32, #tpu.memory_space<vmem>>) target_semaphore(%run_scoped3A : memref<!tpu.dma_semaphore, #tpu.memory_space<semaphore_mem>>)
      %dma_wait3A = arith.constant 0 : i32
      %dma_wait3A_49 = arith.constant 0 : i32
      %dma_wait3A_50 = tpu.memref_slice %arg2[%add3A, %dma_wait3A, %dma_wait3A_49] : memref<32x125x80xi32, #tpu.memory_space<hbm>> -> memref<1x125x80xi32, #tpu.memory_space<hbm>>
      %dma_wait3A_51 = tpu.memref_squeeze %dma_wait3A_50 : memref<1x125x80xi32, #tpu.memory_space<hbm>> -> memref<125x80xi32, #tpu.memory_space<hbm>>
      %dma_wait3A_52 = arith.constant 0 : i32
      %dma_wait3A_53 = arith.constant 0 : i32
      %dma_wait3A_54 = tpu.memref_slice %arg2[%add3A, %dma_wait3A_52, %dma_wait3A_53] : memref<32x125x80xi32, #tpu.memory_space<hbm>> -> memref<1x125x80xi32, #tpu.memory_space<hbm>>
      %dma_wait3A_55 = tpu.memref_squeeze %dma_wait3A_54 : memref<1x125x80xi32, #tpu.memory_space<hbm>> -> memref<125x80xi32, #tpu.memory_space<hbm>>
      tpu.wait_dma2 semaphore(%run_scoped3A : memref<!tpu.dma_semaphore, #tpu.memory_space<semaphore_mem>>) src(%dma_wait3A_55 : memref<125x80xi32, #tpu.memory_space<hbm>>) dst(%arg5 : memref<125x80xi32, #tpu.memory_space<vmem>>)
      tpu.yield
    }) : () -> ()
    %barrier3A = arith.constant 0 : index
    tpu.barrier barrier_id(%barrier3A)
    %scan3A = arith.constant 0 : i32
    %scan3A_31 = arith.constant 0 : i32
    %scan3A_32 = arith.constant 125 : i32
    %scan3A_33 = arith.addi %scan3A_31, %scan3A_32 : i32
    %scan3A_34 = arith.constant 1 : i32
    scf.for %scan3A_42 = %scan3A_31 to %scan3A_33 step %scan3A_34  : i32 {
      "tpu.region"() ({
        %run_scoped3A = tpu.sem_alloc : memref<!tpu.dma_semaphore, #tpu.memory_space<semaphore_mem>>
        %dma_start3A = arith.constant 0 : i32
        %dma_start3A_43 = tpu.memref_slice %arg5[%scan3A_42, %dma_start3A] : memref<125x80xi32, #tpu.memory_space<vmem>> -> memref<1x80xi32, #tpu.memory_space<vmem>>
        %dma_start3A_44 = tpu.memref_squeeze %dma_start3A_43 : memref<1x80xi32, #tpu.memory_space<vmem>> -> memref<80xi32, #tpu.memory_space<vmem>>
        %dma_start3A_45 = arith.constant 0 : i32
        %dma_start3A_46 = tpu.memref_slice %arg7[%dma_start3A_45] : memref<10000xf32, #tpu.memory_space<vmem_shared>> -> memref<10000xf32, #tpu.memory_space<vmem_shared>>
        tpu.enqueue_indirect_dma source(%arg6 : memref<80xf32, #tpu.memory_space<vmem>>) target(%dma_start3A_46 : memref<10000xf32, #tpu.memory_space<vmem_shared>>) offsets(%dma_start3A_44 : memref<80xi32, #tpu.memory_space<vmem>>) semaphore(%run_scoped3A : memref<!tpu.dma_semaphore, #tpu.memory_space<semaphore_mem>>) {add = true}
        %dma_wait3A = arith.constant 0 : i32
        %dma_wait3A_47 = tpu.memref_slice %arg5[%scan3A_42, %dma_wait3A] : memref<125x80xi32, #tpu.memory_space<vmem>> -> memref<1x80xi32, #tpu.memory_space<vmem>>
        %dma_wait3A_48 = tpu.memref_squeeze %dma_wait3A_47 : memref<1x80xi32, #tpu.memory_space<vmem>> -> memref<80xi32, #tpu.memory_space<vmem>>
        %dma_wait3A_49 = arith.constant 0 : i32
        %dma_wait3A_50 = tpu.memref_slice %arg7[%dma_wait3A_49] : memref<10000xf32, #tpu.memory_space<vmem_shared>> -> memref<10000xf32, #tpu.memory_space<vmem_shared>>
        tpu.wait_indirect_dma semaphore(%run_scoped3A : memref<!tpu.dma_semaphore, #tpu.memory_space<semaphore_mem>>) src(%arg6 : memref<80xf32, #tpu.memory_space<vmem>>) dst(%dma_wait3A_50 : memref<10000xf32, #tpu.memory_space<vmem_shared>>)
        tpu.yield
      }) : () -> ()
    }
    %scan3A_35 = arith.constant 125 : i32
    %barrier3A_36 = arith.constant 0 : index
    tpu.barrier barrier_id(%barrier3A_36)
    %eq3A_37 = arith.constant 0 : i32
    %eq3A_38 = arith.cmpi eq, %arg1, %eq3A_37 : i32
    %convert_element_type3A_39 = arith.extui %eq3A_38 : i1 to i32
    %cond3A_40 = arith.constant 0 : i32
    %cond3A_41 = arith.cmpi ne, %convert_element_type3A_39, %cond3A_40 : i32
    scf.if %cond3A_41 {
      "tpu.region"() ({
        %run_scoped3A = tpu.sem_alloc : memref<!tpu.dma_semaphore, #tpu.memory_space<semaphore_mem>>
        %dma_start3A = arith.constant 0 : i32
        %dma_start3A_42 = tpu.memref_slice %arg4[%arg0, %dma_start3A] : memref<2x10000xf32, #tpu.memory_space<hbm>> -> memref<1x10000xf32, #tpu.memory_space<hbm>>
        %dma_start3A_43 = tpu.memref_squeeze %dma_start3A_42 : memref<1x10000xf32, #tpu.memory_space<hbm>> -> memref<10000xf32, #tpu.memory_space<hbm>>
        tpu.enqueue_dma source(%arg7 : memref<10000xf32, #tpu.memory_space<vmem_shared>>) target(%dma_start3A_43 : memref<10000xf32, #tpu.memory_space<hbm>>) target_semaphore(%run_scoped3A : memref<!tpu.dma_semaphore, #tpu.memory_space<semaphore_mem>>)
        %dma_wait3A = arith.constant 0 : i32
        %dma_wait3A_44 = tpu.memref_slice %arg4[%arg0, %dma_wait3A] : memref<2x10000xf32, #tpu.memory_space<hbm>> -> memref<1x10000xf32, #tpu.memory_space<hbm>>
        %dma_wait3A_45 = tpu.memref_squeeze %dma_wait3A_44 : memref<1x10000xf32, #tpu.memory_space<hbm>> -> memref<10000xf32, #tpu.memory_space<hbm>>
        tpu.wait_dma2 semaphore(%run_scoped3A : memref<!tpu.dma_semaphore, #tpu.memory_space<semaphore_mem>>) src(%arg7 : memref<10000xf32, #tpu.memory_space<vmem_shared>>) dst(%dma_wait3A_45 : memref<10000xf32, #tpu.memory_space<hbm>>)
        tpu.yield
      }) : () -> ()
    } else {
    }
    return
  }
}

#map = affine_map<(d0, d1) -> (0, 0, 0)>
#map1 = affine_map<(d0, d1) -> (0, 0)>
#map2 = affine_map<(d0, d1) -> (0, 0, 0, 0)>
module attributes {stable_mosaic.version = 14 : i64} {
  func.func @_agg_body(%arg0: i32, %arg1: i32, %arg2: memref<16x250x80xi32, #tpu.memory_space<hbm>>, %arg3: memref<16x250x80xi32, #tpu.memory_space<hbm>>, %arg4: memref<40000x144xf32, #tpu.memory_space<hbm>>, %arg5: memref<2x2x10000x144xf32, #tpu.memory_space<hbm>>, %arg6: memref<10x80xi32, #tpu.memory_space<vmem>>, %arg7: memref<10x80xi32, #tpu.memory_space<vmem>>, %arg8: memref<10x80xi32, #tpu.memory_space<vmem>>, %arg9: memref<80x144xf32, #tpu.memory_space<vmem>>, %arg10: memref<80x144xf32, #tpu.memory_space<vmem>>, %arg11: memref<10000x144xf32, #tpu.memory_space<vmem_shared>>, %arg12: memref<!tpu.dma_semaphore, #tpu.memory_space<semaphore_mem>>, %arg13: memref<!tpu.dma_semaphore, #tpu.memory_space<semaphore_mem>>) attributes {dimension_semantics = [#tpu.dimension_semantics<core_parallel>, #tpu.dimension_semantics<subcore_parallel>], iteration_bounds = array<i64: 2, 16>, scalar_prefetch = 0 : i64, scratch_operands = 8 : i64, tpu.core_type = #tpu.core_type<sc_vector_subcore>, window_params = [{transform_indices = #map}, {transform_indices = #map}, {transform_indices = #map1}, {transform_indices = #map2}]} {
    %mul3A = arith.constant 2 : i32
    %mul3A_0 = arith.muli %arg0, %mul3A : i32
    %add3A = arith.constant 0 : i32
    %add3A_1 = arith.addi %mul3A_0, %add3A : i32
    %mul3A_2 = arith.constant 10000 : i32
    %mul3A_3 = arith.muli %add3A_1, %mul3A_2 : i32
    %mul3A_4 = arith.constant 625 : i32
    %mul3A_5 = arith.muli %arg1, %mul3A_4 : i32
    %add3A_6 = arith.addi %mul3A_3, %mul3A_5 : i32
    %mul3A_7 = arith.constant 625 : i32
    %mul3A_8 = arith.muli %arg1, %mul3A_7 : i32
    "tpu.region"() ({
      %run_scoped3A_45 = tpu.sem_alloc : memref<!tpu.dma_semaphore, #tpu.memory_space<semaphore_mem>>
      %dma_start3A = arith.constant 0 : i32
      %dma_start3A_46 = tpu.memref_slice %arg11[%mul3A_8, %dma_start3A] : memref<10000x144xf32, #tpu.memory_space<vmem_shared>> -> memref<625x144xf32, #tpu.memory_space<vmem_shared>>
      %dma_start3A_47 = arith.constant 0 : i32
      %dma_start3A_48 = tpu.memref_slice %arg4[%add3A_6, %dma_start3A_47] : memref<40000x144xf32, #tpu.memory_space<hbm>> -> memref<625x144xf32, #tpu.memory_space<hbm>>
      tpu.enqueue_dma source(%dma_start3A_48 : memref<625x144xf32, #tpu.memory_space<hbm>>) target(%dma_start3A_46 : memref<625x144xf32, #tpu.memory_space<vmem_shared>>) target_semaphore(%run_scoped3A_45 : memref<!tpu.dma_semaphore, #tpu.memory_space<semaphore_mem>>)
      %dma_wait3A = arith.constant 0 : i32
      %dma_wait3A_49 = tpu.memref_slice %arg11[%mul3A_8, %dma_wait3A] : memref<10000x144xf32, #tpu.memory_space<vmem_shared>> -> memref<625x144xf32, #tpu.memory_space<vmem_shared>>
      %dma_wait3A_50 = arith.constant 0 : i32
      %dma_wait3A_51 = tpu.memref_slice %arg4[%add3A_6, %dma_wait3A_50] : memref<40000x144xf32, #tpu.memory_space<hbm>> -> memref<625x144xf32, #tpu.memory_space<hbm>>
      tpu.wait_dma2 semaphore(%run_scoped3A_45 : memref<!tpu.dma_semaphore, #tpu.memory_space<semaphore_mem>>) src(%dma_wait3A_51 : memref<625x144xf32, #tpu.memory_space<hbm>>) dst(%dma_wait3A_49 : memref<625x144xf32, #tpu.memory_space<vmem_shared>>)
      tpu.yield
    }) : () -> ()
    %barrier3A = arith.constant 0 : index
    tpu.barrier barrier_id(%barrier3A)
    %scan3A = arith.constant 0 : i32
    %scan3A_9 = arith.constant 0 : i32
    %scan3A_10 = arith.constant 25 : i32
    %scan3A_11 = arith.addi %scan3A_9, %scan3A_10 : i32
    %scan3A_12 = arith.constant 1 : i32
    scf.for %scan3A_45 = %scan3A_9 to %scan3A_11 step %scan3A_12  : i32 {
      %mul3A_46 = arith.constant 10 : i32
      %mul3A_47 = arith.muli %scan3A_45, %mul3A_46 : i32
      "tpu.region"() ({
        %run_scoped3A_846 = tpu.sem_alloc : memref<!tpu.dma_semaphore, #tpu.memory_space<semaphore_mem>>
        %dma_start3A_847 = arith.constant 0 : i32
        %dma_start3A_848 = tpu.memref_slice %arg2[%arg1, %mul3A_47, %dma_start3A_847] : memref<16x250x80xi32, #tpu.memory_space<hbm>> -> memref<1x10x80xi32, #tpu.memory_space<hbm>>
        %dma_start3A_849 = tpu.memref_squeeze %dma_start3A_848 : memref<1x10x80xi32, #tpu.memory_space<hbm>> -> memref<10x80xi32, #tpu.memory_space<hbm>>
        %dma_start3A_850 = arith.constant 0 : i32
        %dma_start3A_851 = tpu.memref_slice %arg2[%arg1, %mul3A_47, %dma_start3A_850] : memref<16x250x80xi32, #tpu.memory_space<hbm>> -> memref<1x10x80xi32, #tpu.memory_space<hbm>>
        %dma_start3A_852 = tpu.memref_squeeze %dma_start3A_851 : memref<1x10x80xi32, #tpu.memory_space<hbm>> -> memref<10x80xi32, #tpu.memory_space<hbm>>
        tpu.enqueue_dma source(%dma_start3A_852 : memref<10x80xi32, #tpu.memory_space<hbm>>) target(%arg6 : memref<10x80xi32, #tpu.memory_space<vmem>>) target_semaphore(%run_scoped3A_846 : memref<!tpu.dma_semaphore, #tpu.memory_space<semaphore_mem>>)
        %dma_wait3A_853 = arith.constant 0 : i32
        %dma_wait3A_854 = tpu.memref_slice %arg2[%arg1, %mul3A_47, %dma_wait3A_853] : memref<16x250x80xi32, #tpu.memory_space<hbm>> -> memref<1x10x80xi32, #tpu.memory_space<hbm>>
        %dma_wait3A_855 = tpu.memref_squeeze %dma_wait3A_854 : memref<1x10x80xi32, #tpu.memory_space<hbm>> -> memref<10x80xi32, #tpu.memory_space<hbm>>
        %dma_wait3A_856 = arith.constant 0 : i32
        %dma_wait3A_857 = tpu.memref_slice %arg2[%arg1, %mul3A_47, %dma_wait3A_856] : memref<16x250x80xi32, #tpu.memory_space<hbm>> -> memref<1x10x80xi32, #tpu.memory_space<hbm>>
        %dma_wait3A_858 = tpu.memref_squeeze %dma_wait3A_857 : memref<1x10x80xi32, #tpu.memory_space<hbm>> -> memref<10x80xi32, #tpu.memory_space<hbm>>
        tpu.wait_dma2 semaphore(%run_scoped3A_846 : memref<!tpu.dma_semaphore, #tpu.memory_space<semaphore_mem>>) src(%dma_wait3A_858 : memref<10x80xi32, #tpu.memory_space<hbm>>) dst(%arg6 : memref<10x80xi32, #tpu.memory_space<vmem>>)
        tpu.yield
      }) : () -> ()
      %mul3A_48 = arith.constant 10 : i32
      %mul3A_49 = arith.muli %scan3A_45, %mul3A_48 : i32
      "tpu.region"() ({
        %run_scoped3A_846 = tpu.sem_alloc : memref<!tpu.dma_semaphore, #tpu.memory_space<semaphore_mem>>
        %dma_start3A_847 = arith.constant 0 : i32
        %dma_start3A_848 = tpu.memref_slice %arg3[%arg1, %mul3A_49, %dma_start3A_847] : memref<16x250x80xi32, #tpu.memory_space<hbm>> -> memref<1x10x80xi32, #tpu.memory_space<hbm>>
        %dma_start3A_849 = tpu.memref_squeeze %dma_start3A_848 : memref<1x10x80xi32, #tpu.memory_space<hbm>> -> memref<10x80xi32, #tpu.memory_space<hbm>>
        %dma_start3A_850 = arith.constant 0 : i32
        %dma_start3A_851 = tpu.memref_slice %arg3[%arg1, %mul3A_49, %dma_start3A_850] : memref<16x250x80xi32, #tpu.memory_space<hbm>> -> memref<1x10x80xi32, #tpu.memory_space<hbm>>
        %dma_start3A_852 = tpu.memref_squeeze %dma_start3A_851 : memref<1x10x80xi32, #tpu.memory_space<hbm>> -> memref<10x80xi32, #tpu.memory_space<hbm>>
        tpu.enqueue_dma source(%dma_start3A_852 : memref<10x80xi32, #tpu.memory_space<hbm>>) target(%arg7 : memref<10x80xi32, #tpu.memory_space<vmem>>) target_semaphore(%run_scoped3A_846 : memref<!tpu.dma_semaphore, #tpu.memory_space<semaphore_mem>>)
        %dma_wait3A_853 = arith.constant 0 : i32
        %dma_wait3A_854 = tpu.memref_slice %arg3[%arg1, %mul3A_49, %dma_wait3A_853] : memref<16x250x80xi32, #tpu.memory_space<hbm>> -> memref<1x10x80xi32, #tpu.memory_space<hbm>>
        %dma_wait3A_855 = tpu.memref_squeeze %dma_wait3A_854 : memref<1x10x80xi32, #tpu.memory_space<hbm>> -> memref<10x80xi32, #tpu.memory_space<hbm>>
        %dma_wait3A_856 = arith.constant 0 : i32
        %dma_wait3A_857 = tpu.memref_slice %arg3[%arg1, %mul3A_49, %dma_wait3A_856] : memref<16x250x80xi32, #tpu.memory_space<hbm>> -> memref<1x10x80xi32, #tpu.memory_space<hbm>>
        %dma_wait3A_858 = tpu.memref_squeeze %dma_wait3A_857 : memref<1x10x80xi32, #tpu.memory_space<hbm>> -> memref<10x80xi32, #tpu.memory_space<hbm>>
        tpu.wait_dma2 semaphore(%run_scoped3A_846 : memref<!tpu.dma_semaphore, #tpu.memory_space<semaphore_mem>>) src(%dma_wait3A_858 : memref<10x80xi32, #tpu.memory_space<hbm>>) dst(%arg7 : memref<10x80xi32, #tpu.memory_space<vmem>>)
        tpu.yield
      }) : () -> ()
      %get3A = arith.constant 0 : i32
      %get3A_50 = arith.index_cast %get3A : i32 to index
      %get3A_51 = arith.constant 0 : index
      %get3A_52 = tpu.vector_load %arg6[%get3A_50, %get3A_51] {strides = array<i32>} : memref<10x80xi32, #tpu.memory_space<vmem>>, vector<1x16xi32>,
      %get3A_53 = vector.shape_cast %get3A_52 : vector<1x16xi32> to vector<16xi32>
      %add3A_54 = vector.broadcast %mul3A_3 : i32 to vector<16xi32>
      %add3A_55 = arith.addi %get3A_53, %add3A_54 : vector<16xi32>
      %swap3A = arith.constant 0 : i32
      %swap3A_56 = arith.index_cast %swap3A : i32 to index
      %swap3A_57 = arith.constant 0 : index
      %swap3A_58 = tpu.vector_load %arg8[%swap3A_56, %swap3A_57] {strides = array<i32>} : memref<10x80xi32, #tpu.memory_space<vmem>>, vector<1x16xi32>,
      %swap3A_59 = vector.shape_cast %swap3A_58 : vector<1x16xi32> to vector<16xi32>
      %swap3A_60 = vector.shape_cast %add3A_55 : vector<16xi32> to vector<1x16xi32>
      tpu.vector_store %arg8[%swap3A_56, %swap3A_57], %swap3A_60 {strides = array<i32>} : memref<10x80xi32, #tpu.memory_space<vmem>>, vector<1x16xi32>,
      %get3A_61 = arith.constant 0 : i32
      %get3A_62 = arith.index_cast %get3A_61 : i32 to index
      %get3A_63 = arith.constant 16 : index
      %get3A_64 = tpu.vector_load %arg6[%get3A_62, %get3A_63] {strides = array<i32>} : memref<10x80xi32, #tpu.memory_space<vmem>>, vector<1x16xi32>,
      %get3A_65 = vector.shape_cast %get3A_64 : vector<1x16xi32> to vector<16xi32>
      %add3A_66 = vector.broadcast %mul3A_3 : i32 to vector<16xi32>
      %add3A_67 = arith.addi %get3A_65, %add3A_66 : vector<16xi32>
      %swap3A_68 = arith.constant 0 : i32
      %swap3A_69 = arith.index_cast %swap3A_68 : i32 to index
      %swap3A_70 = arith.constant 16 : index
      %swap3A_71 = tpu.vector_load %arg8[%swap3A_69, %swap3A_70] {strides = array<i32>} : memref<10x80xi32, #tpu.memory_space<vmem>>, vector<1x16xi32>,
      %swap3A_72 = vector.shape_cast %swap3A_71 : vector<1x16xi32> to vector<16xi32>
      %swap3A_73 = vector.shape_cast %add3A_67 : vector<16xi32> to vector<1x16xi32>
      tpu.vector_store %arg8[%swap3A_69, %swap3A_70], %swap3A_73 {strides = array<i32>} : memref<10x80xi32, #tpu.memory_space<vmem>>, vector<1x16xi32>,
      %get3A_74 = arith.constant 0 : i32
      %get3A_75 = arith.index_cast %get3A_74 : i32 to index
      %get3A_76 = arith.constant 32 : index
      %get3A_77 = tpu.vector_load %arg6[%get3A_75, %get3A_76] {strides = array<i32>} : memref<10x80xi32, #tpu.memory_space<vmem>>, vector<1x16xi32>,
      %get3A_78 = vector.shape_cast %get3A_77 : vector<1x16xi32> to vector<16xi32>
      %add3A_79 = vector.broadcast %mul3A_3 : i32 to vector<16xi32>
      %add3A_80 = arith.addi %get3A_78, %add3A_79 : vector<16xi32>
      %swap3A_81 = arith.constant 0 : i32
      %swap3A_82 = arith.index_cast %swap3A_81 : i32 to index
      %swap3A_83 = arith.constant 32 : index
      %swap3A_84 = tpu.vector_load %arg8[%swap3A_82, %swap3A_83] {strides = array<i32>} : memref<10x80xi32, #tpu.memory_space<vmem>>, vector<1x16xi32>,
      %swap3A_85 = vector.shape_cast %swap3A_84 : vector<1x16xi32> to vector<16xi32>
      %swap3A_86 = vector.shape_cast %add3A_80 : vector<16xi32> to vector<1x16xi32>
      tpu.vector_store %arg8[%swap3A_82, %swap3A_83], %swap3A_86 {strides = array<i32>} : memref<10x80xi32, #tpu.memory_space<vmem>>, vector<1x16xi32>,
      %get3A_87 = arith.constant 0 : i32
      %get3A_88 = arith.index_cast %get3A_87 : i32 to index
      %get3A_89 = arith.constant 48 : index
      %get3A_90 = tpu.vector_load %arg6[%get3A_88, %get3A_89] {strides = array<i32>} : memref<10x80xi32, #tpu.memory_space<vmem>>, vector<1x16xi32>,
      %get3A_91 = vector.shape_cast %get3A_90 : vector<1x16xi32> to vector<16xi32>
      %add3A_92 = vector.broadcast %mul3A_3 : i32 to vector<16xi32>
      %add3A_93 = arith.addi %get3A_91, %add3A_92 : vector<16xi32>
      %swap3A_94 = arith.constant 0 : i32
      %swap3A_95 = arith.index_cast %swap3A_94 : i32 to index
      %swap3A_96 = arith.constant 48 : index
      %swap3A_97 = tpu.vector_load %arg8[%swap3A_95, %swap3A_96] {strides = array<i32>} : memref<10x80xi32, #tpu.memory_space<vmem>>, vector<1x16xi32>,
      %swap3A_98 = vector.shape_cast %swap3A_97 : vector<1x16xi32> to vector<16xi32>
      %swap3A_99 = vector.shape_cast %add3A_93 : vector<16xi32> to vector<1x16xi32>
      tpu.vector_store %arg8[%swap3A_95, %swap3A_96], %swap3A_99 {strides = array<i32>} : memref<10x80xi32, #tpu.memory_space<vmem>>, vector<1x16xi32>,
      %get3A_100 = arith.constant 0 : i32
      %get3A_101 = arith.index_cast %get3A_100 : i32 to index
      %get3A_102 = arith.constant 64 : index
      %get3A_103 = tpu.vector_load %arg6[%get3A_101, %get3A_102] {strides = array<i32>} : memref<10x80xi32, #tpu.memory_space<vmem>>, vector<1x16xi32>,
      %get3A_104 = vector.shape_cast %get3A_103 : vector<1x16xi32> to vector<16xi32>
      %add3A_105 = vector.broadcast %mul3A_3 : i32 to vector<16xi32>
      %add3A_106 = arith.addi %get3A_104, %add3A_105 : vector<16xi32>
      %swap3A_107 = arith.constant 0 : i32
      %swap3A_108 = arith.index_cast %swap3A_107 : i32 to index
      %swap3A_109 = arith.constant 64 : index
      %swap3A_110 = tpu.vector_load %arg8[%swap3A_108, %swap3A_109] {strides = array<i32>} : memref<10x80xi32, #tpu.memory_space<vmem>>, vector<1x16xi32>,
      %swap3A_111 = vector.shape_cast %swap3A_110 : vector<1x16xi32> to vector<16xi32>
      %swap3A_112 = vector.shape_cast %add3A_106 : vector<16xi32> to vector<1x16xi32>
      tpu.vector_store %arg8[%swap3A_108, %swap3A_109], %swap3A_112 {strides = array<i32>} : memref<10x80xi32, #tpu.memory_space<vmem>>, vector<1x16xi32>,
      %get3A_113 = arith.constant 1 : i32
      %get3A_114 = arith.index_cast %get3A_113 : i32 to index
      %get3A_115 = arith.constant 0 : index
      %get3A_116 = tpu.vector_load %arg6[%get3A_114, %get3A_115] {strides = array<i32>} : memref<10x80xi32, #tpu.memory_space<vmem>>, vector<1x16xi32>,
      %get3A_117 = vector.shape_cast %get3A_116 : vector<1x16xi32> to vector<16xi32>
      %add3A_118 = vector.broadcast %mul3A_3 : i32 to vector<16xi32>
      %add3A_119 = arith.addi %get3A_117, %add3A_118 : vector<16xi32>
      %swap3A_120 = arith.constant 1 : i32
      %swap3A_121 = arith.index_cast %swap3A_120 : i32 to index
      %swap3A_122 = arith.constant 0 : index
      %swap3A_123 = tpu.vector_load %arg8[%swap3A_121, %swap3A_122] {strides = array<i32>} : memref<10x80xi32, #tpu.memory_space<vmem>>, vector<1x16xi32>,
      %swap3A_124 = vector.shape_cast %swap3A_123 : vector<1x16xi32> to vector<16xi32>
      %swap3A_125 = vector.shape_cast %add3A_119 : vector<16xi32> to vector<1x16xi32>
      tpu.vector_store %arg8[%swap3A_121, %swap3A_122], %swap3A_125 {strides = array<i32>} : memref<10x80xi32, #tpu.memory_space<vmem>>, vector<1x16xi32>,
      %get3A_126 = arith.constant 1 : i32
      %get3A_127 = arith.index_cast %get3A_126 : i32 to index
      %get3A_128 = arith.constant 16 : index
      %get3A_129 = tpu.vector_load %arg6[%get3A_127, %get3A_128] {strides = array<i32>} : memref<10x80xi32, #tpu.memory_space<vmem>>, vector<1x16xi32>,
      %get3A_130 = vector.shape_cast %get3A_129 : vector<1x16xi32> to vector<16xi32>
      %add3A_131 = vector.broadcast %mul3A_3 : i32 to vector<16xi32>
      %add3A_132 = arith.addi %get3A_130, %add3A_131 : vector<16xi32>
      %swap3A_133 = arith.constant 1 : i32
      %swap3A_134 = arith.index_cast %swap3A_133 : i32 to index
      %swap3A_135 = arith.constant 16 : index
      %swap3A_136 = tpu.vector_load %arg8[%swap3A_134, %swap3A_135] {strides = array<i32>} : memref<10x80xi32, #tpu.memory_space<vmem>>, vector<1x16xi32>,
      %swap3A_137 = vector.shape_cast %swap3A_136 : vector<1x16xi32> to vector<16xi32>
      %swap3A_138 = vector.shape_cast %add3A_132 : vector<16xi32> to vector<1x16xi32>
      tpu.vector_store %arg8[%swap3A_134, %swap3A_135], %swap3A_138 {strides = array<i32>} : memref<10x80xi32, #tpu.memory_space<vmem>>, vector<1x16xi32>,
      %get3A_139 = arith.constant 1 : i32
      %get3A_140 = arith.index_cast %get3A_139 : i32 to index
      %get3A_141 = arith.constant 32 : index
      %get3A_142 = tpu.vector_load %arg6[%get3A_140, %get3A_141] {strides = array<i32>} : memref<10x80xi32, #tpu.memory_space<vmem>>, vector<1x16xi32>,
      %get3A_143 = vector.shape_cast %get3A_142 : vector<1x16xi32> to vector<16xi32>
      %add3A_144 = vector.broadcast %mul3A_3 : i32 to vector<16xi32>
      %add3A_145 = arith.addi %get3A_143, %add3A_144 : vector<16xi32>
      %swap3A_146 = arith.constant 1 : i32
      %swap3A_147 = arith.index_cast %swap3A_146 : i32 to index
      %swap3A_148 = arith.constant 32 : index
      %swap3A_149 = tpu.vector_load %arg8[%swap3A_147, %swap3A_148] {strides = array<i32>} : memref<10x80xi32, #tpu.memory_space<vmem>>, vector<1x16xi32>,
      %swap3A_150 = vector.shape_cast %swap3A_149 : vector<1x16xi32> to vector<16xi32>
      %swap3A_151 = vector.shape_cast %add3A_145 : vector<16xi32> to vector<1x16xi32>
      tpu.vector_store %arg8[%swap3A_147, %swap3A_148], %swap3A_151 {strides = array<i32>} : memref<10x80xi32, #tpu.memory_space<vmem>>, vector<1x16xi32>,
      %get3A_152 = arith.constant 1 : i32
      %get3A_153 = arith.index_cast %get3A_152 : i32 to index
      %get3A_154 = arith.constant 48 : index
      %get3A_155 = tpu.vector_load %arg6[%get3A_153, %get3A_154] {strides = array<i32>} : memref<10x80xi32, #tpu.memory_space<vmem>>, vector<1x16xi32>,
      %get3A_156 = vector.shape_cast %get3A_155 : vector<1x16xi32> to vector<16xi32>
      %add3A_157 = vector.broadcast %mul3A_3 : i32 to vector<16xi32>
      %add3A_158 = arith.addi %get3A_156, %add3A_157 : vector<16xi32>
      %swap3A_159 = arith.constant 1 : i32
      %swap3A_160 = arith.index_cast %swap3A_159 : i32 to index
      %swap3A_161 = arith.constant 48 : index
      %swap3A_162 = tpu.vector_load %arg8[%swap3A_160, %swap3A_161] {strides = array<i32>} : memref<10x80xi32, #tpu.memory_space<vmem>>, vector<1x16xi32>,
      %swap3A_163 = vector.shape_cast %swap3A_162 : vector<1x16xi32> to vector<16xi32>
      %swap3A_164 = vector.shape_cast %add3A_158 : vector<16xi32> to vector<1x16xi32>
      tpu.vector_store %arg8[%swap3A_160, %swap3A_161], %swap3A_164 {strides = array<i32>} : memref<10x80xi32, #tpu.memory_space<vmem>>, vector<1x16xi32>,
      %get3A_165 = arith.constant 1 : i32
      %get3A_166 = arith.index_cast %get3A_165 : i32 to index
      %get3A_167 = arith.constant 64 : index
      %get3A_168 = tpu.vector_load %arg6[%get3A_166, %get3A_167] {strides = array<i32>} : memref<10x80xi32, #tpu.memory_space<vmem>>, vector<1x16xi32>,
      %get3A_169 = vector.shape_cast %get3A_168 : vector<1x16xi32> to vector<16xi32>
      %add3A_170 = vector.broadcast %mul3A_3 : i32 to vector<16xi32>
      %add3A_171 = arith.addi %get3A_169, %add3A_170 : vector<16xi32>
      %swap3A_172 = arith.constant 1 : i32
      %swap3A_173 = arith.index_cast %swap3A_172 : i32 to index
      %swap3A_174 = arith.constant 64 : index
      %swap3A_175 = tpu.vector_load %arg8[%swap3A_173, %swap3A_174] {strides = array<i32>} : memref<10x80xi32, #tpu.memory_space<vmem>>, vector<1x16xi32>,
      %swap3A_176 = vector.shape_cast %swap3A_175 : vector<1x16xi32> to vector<16xi32>
      %swap3A_177 = vector.shape_cast %add3A_171 : vector<16xi32> to vector<1x16xi32>
      tpu.vector_store %arg8[%swap3A_173, %swap3A_174], %swap3A_177 {strides = array<i32>} : memref<10x80xi32, #tpu.memory_space<vmem>>, vector<1x16xi32>,
      %get3A_178 = arith.constant 2 : i32
      %get3A_179 = arith.index_cast %get3A_178 : i32 to index
      %get3A_180 = arith.constant 0 : index
      %get3A_181 = tpu.vector_load %arg6[%get3A_179, %get3A_180] {strides = array<i32>} : memref<10x80xi32, #tpu.memory_space<vmem>>, vector<1x16xi32>,
      %get3A_182 = vector.shape_cast %get3A_181 : vector<1x16xi32> to vector<16xi32>
      %add3A_183 = vector.broadcast %mul3A_3 : i32 to vector<16xi32>
      %add3A_184 = arith.addi %get3A_182, %add3A_183 : vector<16xi32>
      %swap3A_185 = arith.constant 2 : i32
      %swap3A_186 = arith.index_cast %swap3A_185 : i32 to index
      %swap3A_187 = arith.constant 0 : index
      %swap3A_188 = tpu.vector_load %arg8[%swap3A_186, %swap3A_187] {strides = array<i32>} : memref<10x80xi32, #tpu.memory_space<vmem>>, vector<1x16xi32>,
      %swap3A_189 = vector.shape_cast %swap3A_188 : vector<1x16xi32> to vector<16xi32>
      %swap3A_190 = vector.shape_cast %add3A_184 : vector<16xi32> to vector<1x16xi32>
      tpu.vector_store %arg8[%swap3A_186, %swap3A_187], %swap3A_190 {strides = array<i32>} : memref<10x80xi32, #tpu.memory_space<vmem>>, vector<1x16xi32>,
      %get3A_191 = arith.constant 2 : i32
      %get3A_192 = arith.index_cast %get3A_191 : i32 to index
      %get3A_193 = arith.constant 16 : index
      %get3A_194 = tpu.vector_load %arg6[%get3A_192, %get3A_193] {strides = array<i32>} : memref<10x80xi32, #tpu.memory_space<vmem>>, vector<1x16xi32>,
      %get3A_195 = vector.shape_cast %get3A_194 : vector<1x16xi32> to vector<16xi32>
      %add3A_196 = vector.broadcast %mul3A_3 : i32 to vector<16xi32>
      %add3A_197 = arith.addi %get3A_195, %add3A_196 : vector<16xi32>
      %swap3A_198 = arith.constant 2 : i32
      %swap3A_199 = arith.index_cast %swap3A_198 : i32 to index
      %swap3A_200 = arith.constant 16 : index
      %swap3A_201 = tpu.vector_load %arg8[%swap3A_199, %swap3A_200] {strides = array<i32>} : memref<10x80xi32, #tpu.memory_space<vmem>>, vector<1x16xi32>,
      %swap3A_202 = vector.shape_cast %swap3A_201 : vector<1x16xi32> to vector<16xi32>
      %swap3A_203 = vector.shape_cast %add3A_197 : vector<16xi32> to vector<1x16xi32>
      tpu.vector_store %arg8[%swap3A_199, %swap3A_200], %swap3A_203 {strides = array<i32>} : memref<10x80xi32, #tpu.memory_space<vmem>>, vector<1x16xi32>,
      %get3A_204 = arith.constant 2 : i32
      %get3A_205 = arith.index_cast %get3A_204 : i32 to index
      %get3A_206 = arith.constant 32 : index
      %get3A_207 = tpu.vector_load %arg6[%get3A_205, %get3A_206] {strides = array<i32>} : memref<10x80xi32, #tpu.memory_space<vmem>>, vector<1x16xi32>,
      %get3A_208 = vector.shape_cast %get3A_207 : vector<1x16xi32> to vector<16xi32>
      %add3A_209 = vector.broadcast %mul3A_3 : i32 to vector<16xi32>
      %add3A_210 = arith.addi %get3A_208, %add3A_209 : vector<16xi32>
      %swap3A_211 = arith.constant 2 : i32
      %swap3A_212 = arith.index_cast %swap3A_211 : i32 to index
      %swap3A_213 = arith.constant 32 : index
      %swap3A_214 = tpu.vector_load %arg8[%swap3A_212, %swap3A_213] {strides = array<i32>} : memref<10x80xi32, #tpu.memory_space<vmem>>, vector<1x16xi32>,
      %swap3A_215 = vector.shape_cast %swap3A_214 : vector<1x16xi32> to vector<16xi32>
      %swap3A_216 = vector.shape_cast %add3A_210 : vector<16xi32> to vector<1x16xi32>
      tpu.vector_store %arg8[%swap3A_212, %swap3A_213], %swap3A_216 {strides = array<i32>} : memref<10x80xi32, #tpu.memory_space<vmem>>, vector<1x16xi32>,
      %get3A_217 = arith.constant 2 : i32
      %get3A_218 = arith.index_cast %get3A_217 : i32 to index
      %get3A_219 = arith.constant 48 : index
      %get3A_220 = tpu.vector_load %arg6[%get3A_218, %get3A_219] {strides = array<i32>} : memref<10x80xi32, #tpu.memory_space<vmem>>, vector<1x16xi32>,
      %get3A_221 = vector.shape_cast %get3A_220 : vector<1x16xi32> to vector<16xi32>
      %add3A_222 = vector.broadcast %mul3A_3 : i32 to vector<16xi32>
      %add3A_223 = arith.addi %get3A_221, %add3A_222 : vector<16xi32>
      %swap3A_224 = arith.constant 2 : i32
      %swap3A_225 = arith.index_cast %swap3A_224 : i32 to index
      %swap3A_226 = arith.constant 48 : index
      %swap3A_227 = tpu.vector_load %arg8[%swap3A_225, %swap3A_226] {strides = array<i32>} : memref<10x80xi32, #tpu.memory_space<vmem>>, vector<1x16xi32>,
      %swap3A_228 = vector.shape_cast %swap3A_227 : vector<1x16xi32> to vector<16xi32>
      %swap3A_229 = vector.shape_cast %add3A_223 : vector<16xi32> to vector<1x16xi32>
      tpu.vector_store %arg8[%swap3A_225, %swap3A_226], %swap3A_229 {strides = array<i32>} : memref<10x80xi32, #tpu.memory_space<vmem>>, vector<1x16xi32>,
      %get3A_230 = arith.constant 2 : i32
      %get3A_231 = arith.index_cast %get3A_230 : i32 to index
      %get3A_232 = arith.constant 64 : index
      %get3A_233 = tpu.vector_load %arg6[%get3A_231, %get3A_232] {strides = array<i32>} : memref<10x80xi32, #tpu.memory_space<vmem>>, vector<1x16xi32>,
      %get3A_234 = vector.shape_cast %get3A_233 : vector<1x16xi32> to vector<16xi32>
      %add3A_235 = vector.broadcast %mul3A_3 : i32 to vector<16xi32>
      %add3A_236 = arith.addi %get3A_234, %add3A_235 : vector<16xi32>
      %swap3A_237 = arith.constant 2 : i32
      %swap3A_238 = arith.index_cast %swap3A_237 : i32 to index
      %swap3A_239 = arith.constant 64 : index
      %swap3A_240 = tpu.vector_load %arg8[%swap3A_238, %swap3A_239] {strides = array<i32>} : memref<10x80xi32, #tpu.memory_space<vmem>>, vector<1x16xi32>,
      %swap3A_241 = vector.shape_cast %swap3A_240 : vector<1x16xi32> to vector<16xi32>
      %swap3A_242 = vector.shape_cast %add3A_236 : vector<16xi32> to vector<1x16xi32>
      tpu.vector_store %arg8[%swap3A_238, %swap3A_239], %swap3A_242 {strides = array<i32>} : memref<10x80xi32, #tpu.memory_space<vmem>>, vector<1x16xi32>,
      %get3A_243 = arith.constant 3 : i32
      %get3A_244 = arith.index_cast %get3A_243 : i32 to index
      %get3A_245 = arith.constant 0 : index
      %get3A_246 = tpu.vector_load %arg6[%get3A_244, %get3A_245] {strides = array<i32>} : memref<10x80xi32, #tpu.memory_space<vmem>>, vector<1x16xi32>,
      %get3A_247 = vector.shape_cast %get3A_246 : vector<1x16xi32> to vector<16xi32>
      %add3A_248 = vector.broadcast %mul3A_3 : i32 to vector<16xi32>
      %add3A_249 = arith.addi %get3A_247, %add3A_248 : vector<16xi32>
      %swap3A_250 = arith.constant 3 : i32
      %swap3A_251 = arith.index_cast %swap3A_250 : i32 to index
      %swap3A_252 = arith.constant 0 : index
      %swap3A_253 = tpu.vector_load %arg8[%swap3A_251, %swap3A_252] {strides = array<i32>} : memref<10x80xi32, #tpu.memory_space<vmem>>, vector<1x16xi32>,
      %swap3A_254 = vector.shape_cast %swap3A_253 : vector<1x16xi32> to vector<16xi32>
      %swap3A_255 = vector.shape_cast %add3A_249 : vector<16xi32> to vector<1x16xi32>
      tpu.vector_store %arg8[%swap3A_251, %swap3A_252], %swap3A_255 {strides = array<i32>} : memref<10x80xi32, #tpu.memory_space<vmem>>, vector<1x16xi32>,
      %get3A_256 = arith.constant 3 : i32
      %get3A_257 = arith.index_cast %get3A_256 : i32 to index
      %get3A_258 = arith.constant 16 : index
      %get3A_259 = tpu.vector_load %arg6[%get3A_257, %get3A_258] {strides = array<i32>} : memref<10x80xi32, #tpu.memory_space<vmem>>, vector<1x16xi32>,
      %get3A_260 = vector.shape_cast %get3A_259 : vector<1x16xi32> to vector<16xi32>
      %add3A_261 = vector.broadcast %mul3A_3 : i32 to vector<16xi32>
      %add3A_262 = arith.addi %get3A_260, %add3A_261 : vector<16xi32>
      %swap3A_263 = arith.constant 3 : i32
      %swap3A_264 = arith.index_cast %swap3A_263 : i32 to index
      %swap3A_265 = arith.constant 16 : index
      %swap3A_266 = tpu.vector_load %arg8[%swap3A_264, %swap3A_265] {strides = array<i32>} : memref<10x80xi32, #tpu.memory_space<vmem>>, vector<1x16xi32>,
      %swap3A_267 = vector.shape_cast %swap3A_266 : vector<1x16xi32> to vector<16xi32>
      %swap3A_268 = vector.shape_cast %add3A_262 : vector<16xi32> to vector<1x16xi32>
      tpu.vector_store %arg8[%swap3A_264, %swap3A_265], %swap3A_268 {strides = array<i32>} : memref<10x80xi32, #tpu.memory_space<vmem>>, vector<1x16xi32>,
      %get3A_269 = arith.constant 3 : i32
      %get3A_270 = arith.index_cast %get3A_269 : i32 to index
      %get3A_271 = arith.constant 32 : index
      %get3A_272 = tpu.vector_load %arg6[%get3A_270, %get3A_271] {strides = array<i32>} : memref<10x80xi32, #tpu.memory_space<vmem>>, vector<1x16xi32>,
      %get3A_273 = vector.shape_cast %get3A_272 : vector<1x16xi32> to vector<16xi32>
      %add3A_274 = vector.broadcast %mul3A_3 : i32 to vector<16xi32>
      %add3A_275 = arith.addi %get3A_273, %add3A_274 : vector<16xi32>
      %swap3A_276 = arith.constant 3 : i32
      %swap3A_277 = arith.index_cast %swap3A_276 : i32 to index
      %swap3A_278 = arith.constant 32 : index
      %swap3A_279 = tpu.vector_load %arg8[%swap3A_277, %swap3A_278] {strides = array<i32>} : memref<10x80xi32, #tpu.memory_space<vmem>>, vector<1x16xi32>,
      %swap3A_280 = vector.shape_cast %swap3A_279 : vector<1x16xi32> to vector<16xi32>
      %swap3A_281 = vector.shape_cast %add3A_275 : vector<16xi32> to vector<1x16xi32>
      tpu.vector_store %arg8[%swap3A_277, %swap3A_278], %swap3A_281 {strides = array<i32>} : memref<10x80xi32, #tpu.memory_space<vmem>>, vector<1x16xi32>,
      %get3A_282 = arith.constant 3 : i32
      %get3A_283 = arith.index_cast %get3A_282 : i32 to index
      %get3A_284 = arith.constant 48 : index
      %get3A_285 = tpu.vector_load %arg6[%get3A_283, %get3A_284] {strides = array<i32>} : memref<10x80xi32, #tpu.memory_space<vmem>>, vector<1x16xi32>,
      %get3A_286 = vector.shape_cast %get3A_285 : vector<1x16xi32> to vector<16xi32>
      %add3A_287 = vector.broadcast %mul3A_3 : i32 to vector<16xi32>
      %add3A_288 = arith.addi %get3A_286, %add3A_287 : vector<16xi32>
      %swap3A_289 = arith.constant 3 : i32
      %swap3A_290 = arith.index_cast %swap3A_289 : i32 to index
      %swap3A_291 = arith.constant 48 : index
      %swap3A_292 = tpu.vector_load %arg8[%swap3A_290, %swap3A_291] {strides = array<i32>} : memref<10x80xi32, #tpu.memory_space<vmem>>, vector<1x16xi32>,
      %swap3A_293 = vector.shape_cast %swap3A_292 : vector<1x16xi32> to vector<16xi32>
      %swap3A_294 = vector.shape_cast %add3A_288 : vector<16xi32> to vector<1x16xi32>
      tpu.vector_store %arg8[%swap3A_290, %swap3A_291], %swap3A_294 {strides = array<i32>} : memref<10x80xi32, #tpu.memory_space<vmem>>, vector<1x16xi32>,
      %get3A_295 = arith.constant 3 : i32
      %get3A_296 = arith.index_cast %get3A_295 : i32 to index
      %get3A_297 = arith.constant 64 : index
      %get3A_298 = tpu.vector_load %arg6[%get3A_296, %get3A_297] {strides = array<i32>} : memref<10x80xi32, #tpu.memory_space<vmem>>, vector<1x16xi32>,
      %get3A_299 = vector.shape_cast %get3A_298 : vector<1x16xi32> to vector<16xi32>
      %add3A_300 = vector.broadcast %mul3A_3 : i32 to vector<16xi32>
      %add3A_301 = arith.addi %get3A_299, %add3A_300 : vector<16xi32>
      %swap3A_302 = arith.constant 3 : i32
      %swap3A_303 = arith.index_cast %swap3A_302 : i32 to index
      %swap3A_304 = arith.constant 64 : index
      %swap3A_305 = tpu.vector_load %arg8[%swap3A_303, %swap3A_304] {strides = array<i32>} : memref<10x80xi32, #tpu.memory_space<vmem>>, vector<1x16xi32>,
      %swap3A_306 = vector.shape_cast %swap3A_305 : vector<1x16xi32> to vector<16xi32>
      %swap3A_307 = vector.shape_cast %add3A_301 : vector<16xi32> to vector<1x16xi32>
      tpu.vector_store %arg8[%swap3A_303, %swap3A_304], %swap3A_307 {strides = array<i32>} : memref<10x80xi32, #tpu.memory_space<vmem>>, vector<1x16xi32>,
      %get3A_308 = arith.constant 4 : i32
      %get3A_309 = arith.index_cast %get3A_308 : i32 to index
      %get3A_310 = arith.constant 0 : index
      %get3A_311 = tpu.vector_load %arg6[%get3A_309, %get3A_310] {strides = array<i32>} : memref<10x80xi32, #tpu.memory_space<vmem>>, vector<1x16xi32>,
      %get3A_312 = vector.shape_cast %get3A_311 : vector<1x16xi32> to vector<16xi32>
      %add3A_313 = vector.broadcast %mul3A_3 : i32 to vector<16xi32>
      %add3A_314 = arith.addi %get3A_312, %add3A_313 : vector<16xi32>
      %swap3A_315 = arith.constant 4 : i32
      %swap3A_316 = arith.index_cast %swap3A_315 : i32 to index
      %swap3A_317 = arith.constant 0 : index
      %swap3A_318 = tpu.vector_load %arg8[%swap3A_316, %swap3A_317] {strides = array<i32>} : memref<10x80xi32, #tpu.memory_space<vmem>>, vector<1x16xi32>,
      %swap3A_319 = vector.shape_cast %swap3A_318 : vector<1x16xi32> to vector<16xi32>
      %swap3A_320 = vector.shape_cast %add3A_314 : vector<16xi32> to vector<1x16xi32>
      tpu.vector_store %arg8[%swap3A_316, %swap3A_317], %swap3A_320 {strides = array<i32>} : memref<10x80xi32, #tpu.memory_space<vmem>>, vector<1x16xi32>,
      %get3A_321 = arith.constant 4 : i32
      %get3A_322 = arith.index_cast %get3A_321 : i32 to index
      %get3A_323 = arith.constant 16 : index
      %get3A_324 = tpu.vector_load %arg6[%get3A_322, %get3A_323] {strides = array<i32>} : memref<10x80xi32, #tpu.memory_space<vmem>>, vector<1x16xi32>,
      %get3A_325 = vector.shape_cast %get3A_324 : vector<1x16xi32> to vector<16xi32>
      %add3A_326 = vector.broadcast %mul3A_3 : i32 to vector<16xi32>
      %add3A_327 = arith.addi %get3A_325, %add3A_326 : vector<16xi32>
      %swap3A_328 = arith.constant 4 : i32
      %swap3A_329 = arith.index_cast %swap3A_328 : i32 to index
      %swap3A_330 = arith.constant 16 : index
      %swap3A_331 = tpu.vector_load %arg8[%swap3A_329, %swap3A_330] {strides = array<i32>} : memref<10x80xi32, #tpu.memory_space<vmem>>, vector<1x16xi32>,
      %swap3A_332 = vector.shape_cast %swap3A_331 : vector<1x16xi32> to vector<16xi32>
      %swap3A_333 = vector.shape_cast %add3A_327 : vector<16xi32> to vector<1x16xi32>
      tpu.vector_store %arg8[%swap3A_329, %swap3A_330], %swap3A_333 {strides = array<i32>} : memref<10x80xi32, #tpu.memory_space<vmem>>, vector<1x16xi32>,
      %get3A_334 = arith.constant 4 : i32
      %get3A_335 = arith.index_cast %get3A_334 : i32 to index
      %get3A_336 = arith.constant 32 : index
      %get3A_337 = tpu.vector_load %arg6[%get3A_335, %get3A_336] {strides = array<i32>} : memref<10x80xi32, #tpu.memory_space<vmem>>, vector<1x16xi32>,
      %get3A_338 = vector.shape_cast %get3A_337 : vector<1x16xi32> to vector<16xi32>
      %add3A_339 = vector.broadcast %mul3A_3 : i32 to vector<16xi32>
      %add3A_340 = arith.addi %get3A_338, %add3A_339 : vector<16xi32>
      %swap3A_341 = arith.constant 4 : i32
      %swap3A_342 = arith.index_cast %swap3A_341 : i32 to index
      %swap3A_343 = arith.constant 32 : index
      %swap3A_344 = tpu.vector_load %arg8[%swap3A_342, %swap3A_343] {strides = array<i32>} : memref<10x80xi32, #tpu.memory_space<vmem>>, vector<1x16xi32>,
      %swap3A_345 = vector.shape_cast %swap3A_344 : vector<1x16xi32> to vector<16xi32>
      %swap3A_346 = vector.shape_cast %add3A_340 : vector<16xi32> to vector<1x16xi32>
      tpu.vector_store %arg8[%swap3A_342, %swap3A_343], %swap3A_346 {strides = array<i32>} : memref<10x80xi32, #tpu.memory_space<vmem>>, vector<1x16xi32>,
      %get3A_347 = arith.constant 4 : i32
      %get3A_348 = arith.index_cast %get3A_347 : i32 to index
      %get3A_349 = arith.constant 48 : index
      %get3A_350 = tpu.vector_load %arg6[%get3A_348, %get3A_349] {strides = array<i32>} : memref<10x80xi32, #tpu.memory_space<vmem>>, vector<1x16xi32>,
      %get3A_351 = vector.shape_cast %get3A_350 : vector<1x16xi32> to vector<16xi32>
      %add3A_352 = vector.broadcast %mul3A_3 : i32 to vector<16xi32>
      %add3A_353 = arith.addi %get3A_351, %add3A_352 : vector<16xi32>
      %swap3A_354 = arith.constant 4 : i32
      %swap3A_355 = arith.index_cast %swap3A_354 : i32 to index
      %swap3A_356 = arith.constant 48 : index
      %swap3A_357 = tpu.vector_load %arg8[%swap3A_355, %swap3A_356] {strides = array<i32>} : memref<10x80xi32, #tpu.memory_space<vmem>>, vector<1x16xi32>,
      %swap3A_358 = vector.shape_cast %swap3A_357 : vector<1x16xi32> to vector<16xi32>
      %swap3A_359 = vector.shape_cast %add3A_353 : vector<16xi32> to vector<1x16xi32>
      tpu.vector_store %arg8[%swap3A_355, %swap3A_356], %swap3A_359 {strides = array<i32>} : memref<10x80xi32, #tpu.memory_space<vmem>>, vector<1x16xi32>,
      %get3A_360 = arith.constant 4 : i32
      %get3A_361 = arith.index_cast %get3A_360 : i32 to index
      %get3A_362 = arith.constant 64 : index
      %get3A_363 = tpu.vector_load %arg6[%get3A_361, %get3A_362] {strides = array<i32>} : memref<10x80xi32, #tpu.memory_space<vmem>>, vector<1x16xi32>,
      %get3A_364 = vector.shape_cast %get3A_363 : vector<1x16xi32> to vector<16xi32>
      %add3A_365 = vector.broadcast %mul3A_3 : i32 to vector<16xi32>
      %add3A_366 = arith.addi %get3A_364, %add3A_365 : vector<16xi32>
      %swap3A_367 = arith.constant 4 : i32
      %swap3A_368 = arith.index_cast %swap3A_367 : i32 to index
      %swap3A_369 = arith.constant 64 : index
      %swap3A_370 = tpu.vector_load %arg8[%swap3A_368, %swap3A_369] {strides = array<i32>} : memref<10x80xi32, #tpu.memory_space<vmem>>, vector<1x16xi32>,
      %swap3A_371 = vector.shape_cast %swap3A_370 : vector<1x16xi32> to vector<16xi32>
      %swap3A_372 = vector.shape_cast %add3A_366 : vector<16xi32> to vector<1x16xi32>
      tpu.vector_store %arg8[%swap3A_368, %swap3A_369], %swap3A_372 {strides = array<i32>} : memref<10x80xi32, #tpu.memory_space<vmem>>, vector<1x16xi32>,
      %get3A_373 = arith.constant 5 : i32
      %get3A_374 = arith.index_cast %get3A_373 : i32 to index
      %get3A_375 = arith.constant 0 : index
      %get3A_376 = tpu.vector_load %arg6[%get3A_374, %get3A_375] {strides = array<i32>} : memref<10x80xi32, #tpu.memory_space<vmem>>, vector<1x16xi32>,
      %get3A_377 = vector.shape_cast %get3A_376 : vector<1x16xi32> to vector<16xi32>
      %add3A_378 = vector.broadcast %mul3A_3 : i32 to vector<16xi32>
      %add3A_379 = arith.addi %get3A_377, %add3A_378 : vector<16xi32>
      %swap3A_380 = arith.constant 5 : i32
      %swap3A_381 = arith.index_cast %swap3A_380 : i32 to index
      %swap3A_382 = arith.constant 0 : index
      %swap3A_383 = tpu.vector_load %arg8[%swap3A_381, %swap3A_382] {strides = array<i32>} : memref<10x80xi32, #tpu.memory_space<vmem>>, vector<1x16xi32>,
      %swap3A_384 = vector.shape_cast %swap3A_383 : vector<1x16xi32> to vector<16xi32>
      %swap3A_385 = vector.shape_cast %add3A_379 : vector<16xi32> to vector<1x16xi32>
      tpu.vector_store %arg8[%swap3A_381, %swap3A_382], %swap3A_385 {strides = array<i32>} : memref<10x80xi32, #tpu.memory_space<vmem>>, vector<1x16xi32>,
      %get3A_386 = arith.constant 5 : i32
      %get3A_387 = arith.index_cast %get3A_386 : i32 to index
      %get3A_388 = arith.constant 16 : index
      %get3A_389 = tpu.vector_load %arg6[%get3A_387, %get3A_388] {strides = array<i32>} : memref<10x80xi32, #tpu.memory_space<vmem>>, vector<1x16xi32>,
      %get3A_390 = vector.shape_cast %get3A_389 : vector<1x16xi32> to vector<16xi32>
      %add3A_391 = vector.broadcast %mul3A_3 : i32 to vector<16xi32>
      %add3A_392 = arith.addi %get3A_390, %add3A_391 : vector<16xi32>
      %swap3A_393 = arith.constant 5 : i32
      %swap3A_394 = arith.index_cast %swap3A_393 : i32 to index
      %swap3A_395 = arith.constant 16 : index
      %swap3A_396 = tpu.vector_load %arg8[%swap3A_394, %swap3A_395] {strides = array<i32>} : memref<10x80xi32, #tpu.memory_space<vmem>>, vector<1x16xi32>,
      %swap3A_397 = vector.shape_cast %swap3A_396 : vector<1x16xi32> to vector<16xi32>
      %swap3A_398 = vector.shape_cast %add3A_392 : vector<16xi32> to vector<1x16xi32>
      tpu.vector_store %arg8[%swap3A_394, %swap3A_395], %swap3A_398 {strides = array<i32>} : memref<10x80xi32, #tpu.memory_space<vmem>>, vector<1x16xi32>,
      %get3A_399 = arith.constant 5 : i32
      %get3A_400 = arith.index_cast %get3A_399 : i32 to index
      %get3A_401 = arith.constant 32 : index
      %get3A_402 = tpu.vector_load %arg6[%get3A_400, %get3A_401] {strides = array<i32>} : memref<10x80xi32, #tpu.memory_space<vmem>>, vector<1x16xi32>,
      %get3A_403 = vector.shape_cast %get3A_402 : vector<1x16xi32> to vector<16xi32>
      %add3A_404 = vector.broadcast %mul3A_3 : i32 to vector<16xi32>
      %add3A_405 = arith.addi %get3A_403, %add3A_404 : vector<16xi32>
      %swap3A_406 = arith.constant 5 : i32
      %swap3A_407 = arith.index_cast %swap3A_406 : i32 to index
      %swap3A_408 = arith.constant 32 : index
      %swap3A_409 = tpu.vector_load %arg8[%swap3A_407, %swap3A_408] {strides = array<i32>} : memref<10x80xi32, #tpu.memory_space<vmem>>, vector<1x16xi32>,
      %swap3A_410 = vector.shape_cast %swap3A_409 : vector<1x16xi32> to vector<16xi32>
      %swap3A_411 = vector.shape_cast %add3A_405 : vector<16xi32> to vector<1x16xi32>
      tpu.vector_store %arg8[%swap3A_407, %swap3A_408], %swap3A_411 {strides = array<i32>} : memref<10x80xi32, #tpu.memory_space<vmem>>, vector<1x16xi32>,
      %get3A_412 = arith.constant 5 : i32
      %get3A_413 = arith.index_cast %get3A_412 : i32 to index
      %get3A_414 = arith.constant 48 : index
      %get3A_415 = tpu.vector_load %arg6[%get3A_413, %get3A_414] {strides = array<i32>} : memref<10x80xi32, #tpu.memory_space<vmem>>, vector<1x16xi32>,
      %get3A_416 = vector.shape_cast %get3A_415 : vector<1x16xi32> to vector<16xi32>
      %add3A_417 = vector.broadcast %mul3A_3 : i32 to vector<16xi32>
      %add3A_418 = arith.addi %get3A_416, %add3A_417 : vector<16xi32>
      %swap3A_419 = arith.constant 5 : i32
      %swap3A_420 = arith.index_cast %swap3A_419 : i32 to index
      %swap3A_421 = arith.constant 48 : index
      %swap3A_422 = tpu.vector_load %arg8[%swap3A_420, %swap3A_421] {strides = array<i32>} : memref<10x80xi32, #tpu.memory_space<vmem>>, vector<1x16xi32>,
      %swap3A_423 = vector.shape_cast %swap3A_422 : vector<1x16xi32> to vector<16xi32>
      %swap3A_424 = vector.shape_cast %add3A_418 : vector<16xi32> to vector<1x16xi32>
      tpu.vector_store %arg8[%swap3A_420, %swap3A_421], %swap3A_424 {strides = array<i32>} : memref<10x80xi32, #tpu.memory_space<vmem>>, vector<1x16xi32>,
      %get3A_425 = arith.constant 5 : i32
      %get3A_426 = arith.index_cast %get3A_425 : i32 to index
      %get3A_427 = arith.constant 64 : index
      %get3A_428 = tpu.vector_load %arg6[%get3A_426, %get3A_427] {strides = array<i32>} : memref<10x80xi32, #tpu.memory_space<vmem>>, vector<1x16xi32>,
      %get3A_429 = vector.shape_cast %get3A_428 : vector<1x16xi32> to vector<16xi32>
      %add3A_430 = vector.broadcast %mul3A_3 : i32 to vector<16xi32>
      %add3A_431 = arith.addi %get3A_429, %add3A_430 : vector<16xi32>
      %swap3A_432 = arith.constant 5 : i32
      %swap3A_433 = arith.index_cast %swap3A_432 : i32 to index
      %swap3A_434 = arith.constant 64 : index
      %swap3A_435 = tpu.vector_load %arg8[%swap3A_433, %swap3A_434] {strides = array<i32>} : memref<10x80xi32, #tpu.memory_space<vmem>>, vector<1x16xi32>,
      %swap3A_436 = vector.shape_cast %swap3A_435 : vector<1x16xi32> to vector<16xi32>
      %swap3A_437 = vector.shape_cast %add3A_431 : vector<16xi32> to vector<1x16xi32>
      tpu.vector_store %arg8[%swap3A_433, %swap3A_434], %swap3A_437 {strides = array<i32>} : memref<10x80xi32, #tpu.memory_space<vmem>>, vector<1x16xi32>,
      %get3A_438 = arith.constant 6 : i32
      %get3A_439 = arith.index_cast %get3A_438 : i32 to index
      %get3A_440 = arith.constant 0 : index
      %get3A_441 = tpu.vector_load %arg6[%get3A_439, %get3A_440] {strides = array<i32>} : memref<10x80xi32, #tpu.memory_space<vmem>>, vector<1x16xi32>,
      %get3A_442 = vector.shape_cast %get3A_441 : vector<1x16xi32> to vector<16xi32>
      %add3A_443 = vector.broadcast %mul3A_3 : i32 to vector<16xi32>
      %add3A_444 = arith.addi %get3A_442, %add3A_443 : vector<16xi32>
      %swap3A_445 = arith.constant 6 : i32
      %swap3A_446 = arith.index_cast %swap3A_445 : i32 to index
      %swap3A_447 = arith.constant 0 : index
      %swap3A_448 = tpu.vector_load %arg8[%swap3A_446, %swap3A_447] {strides = array<i32>} : memref<10x80xi32, #tpu.memory_space<vmem>>, vector<1x16xi32>,
      %swap3A_449 = vector.shape_cast %swap3A_448 : vector<1x16xi32> to vector<16xi32>
      %swap3A_450 = vector.shape_cast %add3A_444 : vector<16xi32> to vector<1x16xi32>
      tpu.vector_store %arg8[%swap3A_446, %swap3A_447], %swap3A_450 {strides = array<i32>} : memref<10x80xi32, #tpu.memory_space<vmem>>, vector<1x16xi32>,
      %get3A_451 = arith.constant 6 : i32
      %get3A_452 = arith.index_cast %get3A_451 : i32 to index
      %get3A_453 = arith.constant 16 : index
      %get3A_454 = tpu.vector_load %arg6[%get3A_452, %get3A_453] {strides = array<i32>} : memref<10x80xi32, #tpu.memory_space<vmem>>, vector<1x16xi32>,
      %get3A_455 = vector.shape_cast %get3A_454 : vector<1x16xi32> to vector<16xi32>
      %add3A_456 = vector.broadcast %mul3A_3 : i32 to vector<16xi32>
      %add3A_457 = arith.addi %get3A_455, %add3A_456 : vector<16xi32>
      %swap3A_458 = arith.constant 6 : i32
      %swap3A_459 = arith.index_cast %swap3A_458 : i32 to index
      %swap3A_460 = arith.constant 16 : index
      %swap3A_461 = tpu.vector_load %arg8[%swap3A_459, %swap3A_460] {strides = array<i32>} : memref<10x80xi32, #tpu.memory_space<vmem>>, vector<1x16xi32>,
      %swap3A_462 = vector.shape_cast %swap3A_461 : vector<1x16xi32> to vector<16xi32>
      %swap3A_463 = vector.shape_cast %add3A_457 : vector<16xi32> to vector<1x16xi32>
      tpu.vector_store %arg8[%swap3A_459, %swap3A_460], %swap3A_463 {strides = array<i32>} : memref<10x80xi32, #tpu.memory_space<vmem>>, vector<1x16xi32>,
      %get3A_464 = arith.constant 6 : i32
      %get3A_465 = arith.index_cast %get3A_464 : i32 to index
      %get3A_466 = arith.constant 32 : index
      %get3A_467 = tpu.vector_load %arg6[%get3A_465, %get3A_466] {strides = array<i32>} : memref<10x80xi32, #tpu.memory_space<vmem>>, vector<1x16xi32>,
      %get3A_468 = vector.shape_cast %get3A_467 : vector<1x16xi32> to vector<16xi32>
      %add3A_469 = vector.broadcast %mul3A_3 : i32 to vector<16xi32>
      %add3A_470 = arith.addi %get3A_468, %add3A_469 : vector<16xi32>
      %swap3A_471 = arith.constant 6 : i32
      %swap3A_472 = arith.index_cast %swap3A_471 : i32 to index
      %swap3A_473 = arith.constant 32 : index
      %swap3A_474 = tpu.vector_load %arg8[%swap3A_472, %swap3A_473] {strides = array<i32>} : memref<10x80xi32, #tpu.memory_space<vmem>>, vector<1x16xi32>,
      %swap3A_475 = vector.shape_cast %swap3A_474 : vector<1x16xi32> to vector<16xi32>
      %swap3A_476 = vector.shape_cast %add3A_470 : vector<16xi32> to vector<1x16xi32>
      tpu.vector_store %arg8[%swap3A_472, %swap3A_473], %swap3A_476 {strides = array<i32>} : memref<10x80xi32, #tpu.memory_space<vmem>>, vector<1x16xi32>,
      %get3A_477 = arith.constant 6 : i32
      %get3A_478 = arith.index_cast %get3A_477 : i32 to index
      %get3A_479 = arith.constant 48 : index
      %get3A_480 = tpu.vector_load %arg6[%get3A_478, %get3A_479] {strides = array<i32>} : memref<10x80xi32, #tpu.memory_space<vmem>>, vector<1x16xi32>,
      %get3A_481 = vector.shape_cast %get3A_480 : vector<1x16xi32> to vector<16xi32>
      %add3A_482 = vector.broadcast %mul3A_3 : i32 to vector<16xi32>
      %add3A_483 = arith.addi %get3A_481, %add3A_482 : vector<16xi32>
      %swap3A_484 = arith.constant 6 : i32
      %swap3A_485 = arith.index_cast %swap3A_484 : i32 to index
      %swap3A_486 = arith.constant 48 : index
      %swap3A_487 = tpu.vector_load %arg8[%swap3A_485, %swap3A_486] {strides = array<i32>} : memref<10x80xi32, #tpu.memory_space<vmem>>, vector<1x16xi32>,
      %swap3A_488 = vector.shape_cast %swap3A_487 : vector<1x16xi32> to vector<16xi32>
      %swap3A_489 = vector.shape_cast %add3A_483 : vector<16xi32> to vector<1x16xi32>
      tpu.vector_store %arg8[%swap3A_485, %swap3A_486], %swap3A_489 {strides = array<i32>} : memref<10x80xi32, #tpu.memory_space<vmem>>, vector<1x16xi32>,
      %get3A_490 = arith.constant 6 : i32
      %get3A_491 = arith.index_cast %get3A_490 : i32 to index
      %get3A_492 = arith.constant 64 : index
      %get3A_493 = tpu.vector_load %arg6[%get3A_491, %get3A_492] {strides = array<i32>} : memref<10x80xi32, #tpu.memory_space<vmem>>, vector<1x16xi32>,
      %get3A_494 = vector.shape_cast %get3A_493 : vector<1x16xi32> to vector<16xi32>
      %add3A_495 = vector.broadcast %mul3A_3 : i32 to vector<16xi32>
      %add3A_496 = arith.addi %get3A_494, %add3A_495 : vector<16xi32>
      %swap3A_497 = arith.constant 6 : i32
      %swap3A_498 = arith.index_cast %swap3A_497 : i32 to index
      %swap3A_499 = arith.constant 64 : index
      %swap3A_500 = tpu.vector_load %arg8[%swap3A_498, %swap3A_499] {strides = array<i32>} : memref<10x80xi32, #tpu.memory_space<vmem>>, vector<1x16xi32>,
      %swap3A_501 = vector.shape_cast %swap3A_500 : vector<1x16xi32> to vector<16xi32>
      %swap3A_502 = vector.shape_cast %add3A_496 : vector<16xi32> to vector<1x16xi32>
      tpu.vector_store %arg8[%swap3A_498, %swap3A_499], %swap3A_502 {strides = array<i32>} : memref<10x80xi32, #tpu.memory_space<vmem>>, vector<1x16xi32>,
      %get3A_503 = arith.constant 7 : i32
      %get3A_504 = arith.index_cast %get3A_503 : i32 to index
      %get3A_505 = arith.constant 0 : index
      %get3A_506 = tpu.vector_load %arg6[%get3A_504, %get3A_505] {strides = array<i32>} : memref<10x80xi32, #tpu.memory_space<vmem>>, vector<1x16xi32>,
      %get3A_507 = vector.shape_cast %get3A_506 : vector<1x16xi32> to vector<16xi32>
      %add3A_508 = vector.broadcast %mul3A_3 : i32 to vector<16xi32>
      %add3A_509 = arith.addi %get3A_507, %add3A_508 : vector<16xi32>
      %swap3A_510 = arith.constant 7 : i32
      %swap3A_511 = arith.index_cast %swap3A_510 : i32 to index
      %swap3A_512 = arith.constant 0 : index
      %swap3A_513 = tpu.vector_load %arg8[%swap3A_511, %swap3A_512] {strides = array<i32>} : memref<10x80xi32, #tpu.memory_space<vmem>>, vector<1x16xi32>,
      %swap3A_514 = vector.shape_cast %swap3A_513 : vector<1x16xi32> to vector<16xi32>
      %swap3A_515 = vector.shape_cast %add3A_509 : vector<16xi32> to vector<1x16xi32>
      tpu.vector_store %arg8[%swap3A_511, %swap3A_512], %swap3A_515 {strides = array<i32>} : memref<10x80xi32, #tpu.memory_space<vmem>>, vector<1x16xi32>,
      %get3A_516 = arith.constant 7 : i32
      %get3A_517 = arith.index_cast %get3A_516 : i32 to index
      %get3A_518 = arith.constant 16 : index
      %get3A_519 = tpu.vector_load %arg6[%get3A_517, %get3A_518] {strides = array<i32>} : memref<10x80xi32, #tpu.memory_space<vmem>>, vector<1x16xi32>,
      %get3A_520 = vector.shape_cast %get3A_519 : vector<1x16xi32> to vector<16xi32>
      %add3A_521 = vector.broadcast %mul3A_3 : i32 to vector<16xi32>
      %add3A_522 = arith.addi %get3A_520, %add3A_521 : vector<16xi32>
      %swap3A_523 = arith.constant 7 : i32
      %swap3A_524 = arith.index_cast %swap3A_523 : i32 to index
      %swap3A_525 = arith.constant 16 : index
      %swap3A_526 = tpu.vector_load %arg8[%swap3A_524, %swap3A_525] {strides = array<i32>} : memref<10x80xi32, #tpu.memory_space<vmem>>, vector<1x16xi32>,
      %swap3A_527 = vector.shape_cast %swap3A_526 : vector<1x16xi32> to vector<16xi32>
      %swap3A_528 = vector.shape_cast %add3A_522 : vector<16xi32> to vector<1x16xi32>
      tpu.vector_store %arg8[%swap3A_524, %swap3A_525], %swap3A_528 {strides = array<i32>} : memref<10x80xi32, #tpu.memory_space<vmem>>, vector<1x16xi32>,
      %get3A_529 = arith.constant 7 : i32
      %get3A_530 = arith.index_cast %get3A_529 : i32 to index
      %get3A_531 = arith.constant 32 : index
      %get3A_532 = tpu.vector_load %arg6[%get3A_530, %get3A_531] {strides = array<i32>} : memref<10x80xi32, #tpu.memory_space<vmem>>, vector<1x16xi32>,
      %get3A_533 = vector.shape_cast %get3A_532 : vector<1x16xi32> to vector<16xi32>
      %add3A_534 = vector.broadcast %mul3A_3 : i32 to vector<16xi32>
      %add3A_535 = arith.addi %get3A_533, %add3A_534 : vector<16xi32>
      %swap3A_536 = arith.constant 7 : i32
      %swap3A_537 = arith.index_cast %swap3A_536 : i32 to index
      %swap3A_538 = arith.constant 32 : index
      %swap3A_539 = tpu.vector_load %arg8[%swap3A_537, %swap3A_538] {strides = array<i32>} : memref<10x80xi32, #tpu.memory_space<vmem>>, vector<1x16xi32>,
      %swap3A_540 = vector.shape_cast %swap3A_539 : vector<1x16xi32> to vector<16xi32>
      %swap3A_541 = vector.shape_cast %add3A_535 : vector<16xi32> to vector<1x16xi32>
      tpu.vector_store %arg8[%swap3A_537, %swap3A_538], %swap3A_541 {strides = array<i32>} : memref<10x80xi32, #tpu.memory_space<vmem>>, vector<1x16xi32>,
      %get3A_542 = arith.constant 7 : i32
      %get3A_543 = arith.index_cast %get3A_542 : i32 to index
      %get3A_544 = arith.constant 48 : index
      %get3A_545 = tpu.vector_load %arg6[%get3A_543, %get3A_544] {strides = array<i32>} : memref<10x80xi32, #tpu.memory_space<vmem>>, vector<1x16xi32>,
      %get3A_546 = vector.shape_cast %get3A_545 : vector<1x16xi32> to vector<16xi32>
      %add3A_547 = vector.broadcast %mul3A_3 : i32 to vector<16xi32>
      %add3A_548 = arith.addi %get3A_546, %add3A_547 : vector<16xi32>
      %swap3A_549 = arith.constant 7 : i32
      %swap3A_550 = arith.index_cast %swap3A_549 : i32 to index
      %swap3A_551 = arith.constant 48 : index
      %swap3A_552 = tpu.vector_load %arg8[%swap3A_550, %swap3A_551] {strides = array<i32>} : memref<10x80xi32, #tpu.memory_space<vmem>>, vector<1x16xi32>,
      %swap3A_553 = vector.shape_cast %swap3A_552 : vector<1x16xi32> to vector<16xi32>
      %swap3A_554 = vector.shape_cast %add3A_548 : vector<16xi32> to vector<1x16xi32>
      tpu.vector_store %arg8[%swap3A_550, %swap3A_551], %swap3A_554 {strides = array<i32>} : memref<10x80xi32, #tpu.memory_space<vmem>>, vector<1x16xi32>,
      %get3A_555 = arith.constant 7 : i32
      %get3A_556 = arith.index_cast %get3A_555 : i32 to index
      %get3A_557 = arith.constant 64 : index
      %get3A_558 = tpu.vector_load %arg6[%get3A_556, %get3A_557] {strides = array<i32>} : memref<10x80xi32, #tpu.memory_space<vmem>>, vector<1x16xi32>,
      %get3A_559 = vector.shape_cast %get3A_558 : vector<1x16xi32> to vector<16xi32>
      %add3A_560 = vector.broadcast %mul3A_3 : i32 to vector<16xi32>
      %add3A_561 = arith.addi %get3A_559, %add3A_560 : vector<16xi32>
      %swap3A_562 = arith.constant 7 : i32
      %swap3A_563 = arith.index_cast %swap3A_562 : i32 to index
      %swap3A_564 = arith.constant 64 : index
      %swap3A_565 = tpu.vector_load %arg8[%swap3A_563, %swap3A_564] {strides = array<i32>} : memref<10x80xi32, #tpu.memory_space<vmem>>, vector<1x16xi32>,
      %swap3A_566 = vector.shape_cast %swap3A_565 : vector<1x16xi32> to vector<16xi32>
      %swap3A_567 = vector.shape_cast %add3A_561 : vector<16xi32> to vector<1x16xi32>
      tpu.vector_store %arg8[%swap3A_563, %swap3A_564], %swap3A_567 {strides = array<i32>} : memref<10x80xi32, #tpu.memory_space<vmem>>, vector<1x16xi32>,
      %get3A_568 = arith.constant 8 : i32
      %get3A_569 = arith.index_cast %get3A_568 : i32 to index
      %get3A_570 = arith.constant 0 : index
      %get3A_571 = tpu.vector_load %arg6[%get3A_569, %get3A_570] {strides = array<i32>} : memref<10x80xi32, #tpu.memory_space<vmem>>, vector<1x16xi32>,
      %get3A_572 = vector.shape_cast %get3A_571 : vector<1x16xi32> to vector<16xi32>
      %add3A_573 = vector.broadcast %mul3A_3 : i32 to vector<16xi32>
      %add3A_574 = arith.addi %get3A_572, %add3A_573 : vector<16xi32>
      %swap3A_575 = arith.constant 8 : i32
      %swap3A_576 = arith.index_cast %swap3A_575 : i32 to index
      %swap3A_577 = arith.constant 0 : index
      %swap3A_578 = tpu.vector_load %arg8[%swap3A_576, %swap3A_577] {strides = array<i32>} : memref<10x80xi32, #tpu.memory_space<vmem>>, vector<1x16xi32>,
      %swap3A_579 = vector.shape_cast %swap3A_578 : vector<1x16xi32> to vector<16xi32>
      %swap3A_580 = vector.shape_cast %add3A_574 : vector<16xi32> to vector<1x16xi32>
      tpu.vector_store %arg8[%swap3A_576, %swap3A_577], %swap3A_580 {strides = array<i32>} : memref<10x80xi32, #tpu.memory_space<vmem>>, vector<1x16xi32>,
      %get3A_581 = arith.constant 8 : i32
      %get3A_582 = arith.index_cast %get3A_581 : i32 to index
      %get3A_583 = arith.constant 16 : index
      %get3A_584 = tpu.vector_load %arg6[%get3A_582, %get3A_583] {strides = array<i32>} : memref<10x80xi32, #tpu.memory_space<vmem>>, vector<1x16xi32>,
      %get3A_585 = vector.shape_cast %get3A_584 : vector<1x16xi32> to vector<16xi32>
      %add3A_586 = vector.broadcast %mul3A_3 : i32 to vector<16xi32>
      %add3A_587 = arith.addi %get3A_585, %add3A_586 : vector<16xi32>
      %swap3A_588 = arith.constant 8 : i32
      %swap3A_589 = arith.index_cast %swap3A_588 : i32 to index
      %swap3A_590 = arith.constant 16 : index
      %swap3A_591 = tpu.vector_load %arg8[%swap3A_589, %swap3A_590] {strides = array<i32>} : memref<10x80xi32, #tpu.memory_space<vmem>>, vector<1x16xi32>,
      %swap3A_592 = vector.shape_cast %swap3A_591 : vector<1x16xi32> to vector<16xi32>
      %swap3A_593 = vector.shape_cast %add3A_587 : vector<16xi32> to vector<1x16xi32>
      tpu.vector_store %arg8[%swap3A_589, %swap3A_590], %swap3A_593 {strides = array<i32>} : memref<10x80xi32, #tpu.memory_space<vmem>>, vector<1x16xi32>,
      %get3A_594 = arith.constant 8 : i32
      %get3A_595 = arith.index_cast %get3A_594 : i32 to index
      %get3A_596 = arith.constant 32 : index
      %get3A_597 = tpu.vector_load %arg6[%get3A_595, %get3A_596] {strides = array<i32>} : memref<10x80xi32, #tpu.memory_space<vmem>>, vector<1x16xi32>,
      %get3A_598 = vector.shape_cast %get3A_597 : vector<1x16xi32> to vector<16xi32>
      %add3A_599 = vector.broadcast %mul3A_3 : i32 to vector<16xi32>
      %add3A_600 = arith.addi %get3A_598, %add3A_599 : vector<16xi32>
      %swap3A_601 = arith.constant 8 : i32
      %swap3A_602 = arith.index_cast %swap3A_601 : i32 to index
      %swap3A_603 = arith.constant 32 : index
      %swap3A_604 = tpu.vector_load %arg8[%swap3A_602, %swap3A_603] {strides = array<i32>} : memref<10x80xi32, #tpu.memory_space<vmem>>, vector<1x16xi32>,
      %swap3A_605 = vector.shape_cast %swap3A_604 : vector<1x16xi32> to vector<16xi32>
      %swap3A_606 = vector.shape_cast %add3A_600 : vector<16xi32> to vector<1x16xi32>
      tpu.vector_store %arg8[%swap3A_602, %swap3A_603], %swap3A_606 {strides = array<i32>} : memref<10x80xi32, #tpu.memory_space<vmem>>, vector<1x16xi32>,
      %get3A_607 = arith.constant 8 : i32
      %get3A_608 = arith.index_cast %get3A_607 : i32 to index
      %get3A_609 = arith.constant 48 : index
      %get3A_610 = tpu.vector_load %arg6[%get3A_608, %get3A_609] {strides = array<i32>} : memref<10x80xi32, #tpu.memory_space<vmem>>, vector<1x16xi32>,
      %get3A_611 = vector.shape_cast %get3A_610 : vector<1x16xi32> to vector<16xi32>
      %add3A_612 = vector.broadcast %mul3A_3 : i32 to vector<16xi32>
      %add3A_613 = arith.addi %get3A_611, %add3A_612 : vector<16xi32>
      %swap3A_614 = arith.constant 8 : i32
      %swap3A_615 = arith.index_cast %swap3A_614 : i32 to index
      %swap3A_616 = arith.constant 48 : index
      %swap3A_617 = tpu.vector_load %arg8[%swap3A_615, %swap3A_616] {strides = array<i32>} : memref<10x80xi32, #tpu.memory_space<vmem>>, vector<1x16xi32>,
      %swap3A_618 = vector.shape_cast %swap3A_617 : vector<1x16xi32> to vector<16xi32>
      %swap3A_619 = vector.shape_cast %add3A_613 : vector<16xi32> to vector<1x16xi32>
      tpu.vector_store %arg8[%swap3A_615, %swap3A_616], %swap3A_619 {strides = array<i32>} : memref<10x80xi32, #tpu.memory_space<vmem>>, vector<1x16xi32>,
      %get3A_620 = arith.constant 8 : i32
      %get3A_621 = arith.index_cast %get3A_620 : i32 to index
      %get3A_622 = arith.constant 64 : index
      %get3A_623 = tpu.vector_load %arg6[%get3A_621, %get3A_622] {strides = array<i32>} : memref<10x80xi32, #tpu.memory_space<vmem>>, vector<1x16xi32>,
      %get3A_624 = vector.shape_cast %get3A_623 : vector<1x16xi32> to vector<16xi32>
      %add3A_625 = vector.broadcast %mul3A_3 : i32 to vector<16xi32>
      %add3A_626 = arith.addi %get3A_624, %add3A_625 : vector<16xi32>
      %swap3A_627 = arith.constant 8 : i32
      %swap3A_628 = arith.index_cast %swap3A_627 : i32 to index
      %swap3A_629 = arith.constant 64 : index
      %swap3A_630 = tpu.vector_load %arg8[%swap3A_628, %swap3A_629] {strides = array<i32>} : memref<10x80xi32, #tpu.memory_space<vmem>>, vector<1x16xi32>,
      %swap3A_631 = vector.shape_cast %swap3A_630 : vector<1x16xi32> to vector<16xi32>
      %swap3A_632 = vector.shape_cast %add3A_626 : vector<16xi32> to vector<1x16xi32>
      tpu.vector_store %arg8[%swap3A_628, %swap3A_629], %swap3A_632 {strides = array<i32>} : memref<10x80xi32, #tpu.memory_space<vmem>>, vector<1x16xi32>,
      %get3A_633 = arith.constant 9 : i32
      %get3A_634 = arith.index_cast %get3A_633 : i32 to index
      %get3A_635 = arith.constant 0 : index
      %get3A_636 = tpu.vector_load %arg6[%get3A_634, %get3A_635] {strides = array<i32>} : memref<10x80xi32, #tpu.memory_space<vmem>>, vector<1x16xi32>,
      %get3A_637 = vector.shape_cast %get3A_636 : vector<1x16xi32> to vector<16xi32>
      %add3A_638 = vector.broadcast %mul3A_3 : i32 to vector<16xi32>
      %add3A_639 = arith.addi %get3A_637, %add3A_638 : vector<16xi32>
      %swap3A_640 = arith.constant 9 : i32
      %swap3A_641 = arith.index_cast %swap3A_640 : i32 to index
      %swap3A_642 = arith.constant 0 : index
      %swap3A_643 = tpu.vector_load %arg8[%swap3A_641, %swap3A_642] {strides = array<i32>} : memref<10x80xi32, #tpu.memory_space<vmem>>, vector<1x16xi32>,
      %swap3A_644 = vector.shape_cast %swap3A_643 : vector<1x16xi32> to vector<16xi32>
      %swap3A_645 = vector.shape_cast %add3A_639 : vector<16xi32> to vector<1x16xi32>
      tpu.vector_store %arg8[%swap3A_641, %swap3A_642], %swap3A_645 {strides = array<i32>} : memref<10x80xi32, #tpu.memory_space<vmem>>, vector<1x16xi32>,
      %get3A_646 = arith.constant 9 : i32
      %get3A_647 = arith.index_cast %get3A_646 : i32 to index
      %get3A_648 = arith.constant 16 : index
      %get3A_649 = tpu.vector_load %arg6[%get3A_647, %get3A_648] {strides = array<i32>} : memref<10x80xi32, #tpu.memory_space<vmem>>, vector<1x16xi32>,
      %get3A_650 = vector.shape_cast %get3A_649 : vector<1x16xi32> to vector<16xi32>
      %add3A_651 = vector.broadcast %mul3A_3 : i32 to vector<16xi32>
      %add3A_652 = arith.addi %get3A_650, %add3A_651 : vector<16xi32>
      %swap3A_653 = arith.constant 9 : i32
      %swap3A_654 = arith.index_cast %swap3A_653 : i32 to index
      %swap3A_655 = arith.constant 16 : index
      %swap3A_656 = tpu.vector_load %arg8[%swap3A_654, %swap3A_655] {strides = array<i32>} : memref<10x80xi32, #tpu.memory_space<vmem>>, vector<1x16xi32>,
      %swap3A_657 = vector.shape_cast %swap3A_656 : vector<1x16xi32> to vector<16xi32>
      %swap3A_658 = vector.shape_cast %add3A_652 : vector<16xi32> to vector<1x16xi32>
      tpu.vector_store %arg8[%swap3A_654, %swap3A_655], %swap3A_658 {strides = array<i32>} : memref<10x80xi32, #tpu.memory_space<vmem>>, vector<1x16xi32>,
      %get3A_659 = arith.constant 9 : i32
      %get3A_660 = arith.index_cast %get3A_659 : i32 to index
      %get3A_661 = arith.constant 32 : index
      %get3A_662 = tpu.vector_load %arg6[%get3A_660, %get3A_661] {strides = array<i32>} : memref<10x80xi32, #tpu.memory_space<vmem>>, vector<1x16xi32>,
      %get3A_663 = vector.shape_cast %get3A_662 : vector<1x16xi32> to vector<16xi32>
      %add3A_664 = vector.broadcast %mul3A_3 : i32 to vector<16xi32>
      %add3A_665 = arith.addi %get3A_663, %add3A_664 : vector<16xi32>
      %swap3A_666 = arith.constant 9 : i32
      %swap3A_667 = arith.index_cast %swap3A_666 : i32 to index
      %swap3A_668 = arith.constant 32 : index
      %swap3A_669 = tpu.vector_load %arg8[%swap3A_667, %swap3A_668] {strides = array<i32>} : memref<10x80xi32, #tpu.memory_space<vmem>>, vector<1x16xi32>,
      %swap3A_670 = vector.shape_cast %swap3A_669 : vector<1x16xi32> to vector<16xi32>
      %swap3A_671 = vector.shape_cast %add3A_665 : vector<16xi32> to vector<1x16xi32>
      tpu.vector_store %arg8[%swap3A_667, %swap3A_668], %swap3A_671 {strides = array<i32>} : memref<10x80xi32, #tpu.memory_space<vmem>>, vector<1x16xi32>,
      %get3A_672 = arith.constant 9 : i32
      %get3A_673 = arith.index_cast %get3A_672 : i32 to index
      %get3A_674 = arith.constant 48 : index
      %get3A_675 = tpu.vector_load %arg6[%get3A_673, %get3A_674] {strides = array<i32>} : memref<10x80xi32, #tpu.memory_space<vmem>>, vector<1x16xi32>,
      %get3A_676 = vector.shape_cast %get3A_675 : vector<1x16xi32> to vector<16xi32>
      %add3A_677 = vector.broadcast %mul3A_3 : i32 to vector<16xi32>
      %add3A_678 = arith.addi %get3A_676, %add3A_677 : vector<16xi32>
      %swap3A_679 = arith.constant 9 : i32
      %swap3A_680 = arith.index_cast %swap3A_679 : i32 to index
      %swap3A_681 = arith.constant 48 : index
      %swap3A_682 = tpu.vector_load %arg8[%swap3A_680, %swap3A_681] {strides = array<i32>} : memref<10x80xi32, #tpu.memory_space<vmem>>, vector<1x16xi32>,
      %swap3A_683 = vector.shape_cast %swap3A_682 : vector<1x16xi32> to vector<16xi32>
      %swap3A_684 = vector.shape_cast %add3A_678 : vector<16xi32> to vector<1x16xi32>
      tpu.vector_store %arg8[%swap3A_680, %swap3A_681], %swap3A_684 {strides = array<i32>} : memref<10x80xi32, #tpu.memory_space<vmem>>, vector<1x16xi32>,
      %get3A_685 = arith.constant 9 : i32
      %get3A_686 = arith.index_cast %get3A_685 : i32 to index
      %get3A_687 = arith.constant 64 : index
      %get3A_688 = tpu.vector_load %arg6[%get3A_686, %get3A_687] {strides = array<i32>} : memref<10x80xi32, #tpu.memory_space<vmem>>, vector<1x16xi32>,
      %get3A_689 = vector.shape_cast %get3A_688 : vector<1x16xi32> to vector<16xi32>
      %add3A_690 = vector.broadcast %mul3A_3 : i32 to vector<16xi32>
      %add3A_691 = arith.addi %get3A_689, %add3A_690 : vector<16xi32>
      %swap3A_692 = arith.constant 9 : i32
      %swap3A_693 = arith.index_cast %swap3A_692 : i32 to index
      %swap3A_694 = arith.constant 64 : index
      %swap3A_695 = tpu.vector_load %arg8[%swap3A_693, %swap3A_694] {strides = array<i32>} : memref<10x80xi32, #tpu.memory_space<vmem>>, vector<1x16xi32>,
      %swap3A_696 = vector.shape_cast %swap3A_695 : vector<1x16xi32> to vector<16xi32>
      %swap3A_697 = vector.shape_cast %add3A_691 : vector<16xi32> to vector<1x16xi32>
      tpu.vector_store %arg8[%swap3A_693, %swap3A_694], %swap3A_697 {strides = array<i32>} : memref<10x80xi32, #tpu.memory_space<vmem>>, vector<1x16xi32>,
      %dma_start3A = arith.constant 0 : i32
      %dma_start3A_698 = arith.constant 0 : i32
      %dma_start3A_699 = tpu.memref_slice %arg8[%dma_start3A, %dma_start3A_698] : memref<10x80xi32, #tpu.memory_space<vmem>> -> memref<1x80xi32, #tpu.memory_space<vmem>>
      %dma_start3A_700 = tpu.memref_squeeze %dma_start3A_699 : memref<1x80xi32, #tpu.memory_space<vmem>> -> memref<80xi32, #tpu.memory_space<vmem>>
      %dma_start3A_701 = arith.constant 0 : i32
      %dma_start3A_702 = arith.constant 0 : i32
      %dma_start3A_703 = tpu.memref_slice %arg4[%dma_start3A_701, %dma_start3A_702] : memref<40000x144xf32, #tpu.memory_space<hbm>> -> memref<40000x144xf32, #tpu.memory_space<hbm>>
      tpu.enqueue_indirect_dma source(%dma_start3A_703 : memref<40000x144xf32, #tpu.memory_space<hbm>>) target(%arg9 : memref<80x144xf32, #tpu.memory_space<vmem>>) offsets(%dma_start3A_700 : memref<80xi32, #tpu.memory_space<vmem>>) semaphore(%arg12 : memref<!tpu.dma_semaphore, #tpu.memory_space<semaphore_mem>>)
      %dma_start3A_704 = arith.constant 1 : i32
      %dma_start3A_705 = arith.constant 0 : i32
      %dma_start3A_706 = tpu.memref_slice %arg8[%dma_start3A_704, %dma_start3A_705] : memref<10x80xi32, #tpu.memory_space<vmem>> -> memref<1x80xi32, #tpu.memory_space<vmem>>
      %dma_start3A_707 = tpu.memref_squeeze %dma_start3A_706 : memref<1x80xi32, #tpu.memory_space<vmem>> -> memref<80xi32, #tpu.memory_space<vmem>>
      %dma_start3A_708 = arith.constant 0 : i32
      %dma_start3A_709 = arith.constant 0 : i32
      %dma_start3A_710 = tpu.memref_slice %arg4[%dma_start3A_708, %dma_start3A_709] : memref<40000x144xf32, #tpu.memory_space<hbm>> -> memref<40000x144xf32, #tpu.memory_space<hbm>>
      tpu.enqueue_indirect_dma source(%dma_start3A_710 : memref<40000x144xf32, #tpu.memory_space<hbm>>) target(%arg10 : memref<80x144xf32, #tpu.memory_space<vmem>>) offsets(%dma_start3A_707 : memref<80xi32, #tpu.memory_space<vmem>>) semaphore(%arg13 : memref<!tpu.dma_semaphore, #tpu.memory_space<semaphore_mem>>)
      %dma_wait3A = arith.constant 0 : i32
      %dma_wait3A_711 = arith.constant 0 : i32
      %dma_wait3A_712 = tpu.memref_slice %arg8[%dma_wait3A, %dma_wait3A_711] : memref<10x80xi32, #tpu.memory_space<vmem>> -> memref<1x80xi32, #tpu.memory_space<vmem>>
      %dma_wait3A_713 = tpu.memref_squeeze %dma_wait3A_712 : memref<1x80xi32, #tpu.memory_space<vmem>> -> memref<80xi32, #tpu.memory_space<vmem>>
      %dma_wait3A_714 = arith.constant 0 : i32
      %dma_wait3A_715 = arith.constant 0 : i32
      %dma_wait3A_716 = tpu.memref_slice %arg4[%dma_wait3A_714, %dma_wait3A_715] : memref<40000x144xf32, #tpu.memory_space<hbm>> -> memref<40000x144xf32, #tpu.memory_space<hbm>>
      tpu.wait_indirect_dma semaphore(%arg12 : memref<!tpu.dma_semaphore, #tpu.memory_space<semaphore_mem>>) src(%dma_wait3A_716 : memref<40000x144xf32, #tpu.memory_space<hbm>>) dst(%arg9 : memref<80x144xf32, #tpu.memory_space<vmem>>)
      %run_scoped3A_717 = arith.constant 0 : i32
      "tpu.region"() ({
        %run_scoped3A_846 = tpu.sem_alloc : memref<!tpu.dma_semaphore, #tpu.memory_space<semaphore_mem>>
        %dma_start3A_847 = arith.constant 0 : i32
        %dma_start3A_848 = tpu.memref_slice %arg7[%run_scoped3A_717, %dma_start3A_847] : memref<10x80xi32, #tpu.memory_space<vmem>> -> memref<1x80xi32, #tpu.memory_space<vmem>>
        %dma_start3A_849 = tpu.memref_squeeze %dma_start3A_848 : memref<1x80xi32, #tpu.memory_space<vmem>> -> memref<80xi32, #tpu.memory_space<vmem>>
        %dma_start3A_850 = arith.constant 0 : i32
        %dma_start3A_851 = arith.constant 0 : i32
        %dma_start3A_852 = tpu.memref_slice %arg11[%dma_start3A_850, %dma_start3A_851] : memref<10000x144xf32, #tpu.memory_space<vmem_shared>> -> memref<10000x144xf32, #tpu.memory_space<vmem_shared>>
        tpu.enqueue_indirect_dma source(%arg9 : memref<80x144xf32, #tpu.memory_space<vmem>>) target(%dma_start3A_852 : memref<10000x144xf32, #tpu.memory_space<vmem_shared>>) offsets(%dma_start3A_849 : memref<80xi32, #tpu.memory_space<vmem>>) semaphore(%run_scoped3A_846 : memref<!tpu.dma_semaphore, #tpu.memory_space<semaphore_mem>>) {add = true}
        %dma_wait3A_853 = arith.constant 0 : i32
        %dma_wait3A_854 = tpu.memref_slice %arg7[%run_scoped3A_717, %dma_wait3A_853] : memref<10x80xi32, #tpu.memory_space<vmem>> -> memref<1x80xi32, #tpu.memory_space<vmem>>
        %dma_wait3A_855 = tpu.memref_squeeze %dma_wait3A_854 : memref<1x80xi32, #tpu.memory_space<vmem>> -> memref<80xi32, #tpu.memory_space<vmem>>
        %dma_wait3A_856 = arith.constant 0 : i32
        %dma_wait3A_857 = arith.constant 0 : i32
        %dma_wait3A_858 = tpu.memref_slice %arg11[%dma_wait3A_856, %dma_wait3A_857] : memref<10000x144xf32, #tpu.memory_space<vmem_shared>> -> memref<10000x144xf32, #tpu.memory_space<vmem_shared>>
        tpu.wait_indirect_dma semaphore(%run_scoped3A_846 : memref<!tpu.dma_semaphore, #tpu.memory_space<semaphore_mem>>) src(%arg9 : memref<80x144xf32, #tpu.memory_space<vmem>>) dst(%dma_wait3A_858 : memref<10000x144xf32, #tpu.memory_space<vmem_shared>>)
        tpu.yield
      }) : () -> ()
      %dma_start3A_718 = arith.constant 2 : i32
      %dma_start3A_719 = arith.constant 0 : i32
      %dma_start3A_720 = tpu.memref_slice %arg8[%dma_start3A_718, %dma_start3A_719] : memref<10x80xi32, #tpu.memory_space<vmem>> -> memref<1x80xi32, #tpu.memory_space<vmem>>
      %dma_start3A_721 = tpu.memref_squeeze %dma_start3A_720 : memref<1x80xi32, #tpu.memory_space<vmem>> -> memref<80xi32, #tpu.memory_space<vmem>>
      %dma_start3A_722 = arith.constant 0 : i32
      %dma_start3A_723 = arith.constant 0 : i32
      %dma_start3A_724 = tpu.memref_slice %arg4[%dma_start3A_722, %dma_start3A_723] : memref<40000x144xf32, #tpu.memory_space<hbm>> -> memref<40000x144xf32, #tpu.memory_space<hbm>>
      tpu.enqueue_indirect_dma source(%dma_start3A_724 : memref<40000x144xf32, #tpu.memory_space<hbm>>) target(%arg9 : memref<80x144xf32, #tpu.memory_space<vmem>>) offsets(%dma_start3A_721 : memref<80xi32, #tpu.memory_space<vmem>>) semaphore(%arg12 : memref<!tpu.dma_semaphore, #tpu.memory_space<semaphore_mem>>)
      %dma_wait3A_725 = arith.constant 1 : i32
      %dma_wait3A_726 = arith.constant 0 : i32
      %dma_wait3A_727 = tpu.memref_slice %arg8[%dma_wait3A_725, %dma_wait3A_726] : memref<10x80xi32, #tpu.memory_space<vmem>> -> memref<1x80xi32, #tpu.memory_space<vmem>>
      %dma_wait3A_728 = tpu.memref_squeeze %dma_wait3A_727 : memref<1x80xi32, #tpu.memory_space<vmem>> -> memref<80xi32, #tpu.memory_space<vmem>>
      %dma_wait3A_729 = arith.constant 0 : i32
      %dma_wait3A_730 = arith.constant 0 : i32
      %dma_wait3A_731 = tpu.memref_slice %arg4[%dma_wait3A_729, %dma_wait3A_730] : memref<40000x144xf32, #tpu.memory_space<hbm>> -> memref<40000x144xf32, #tpu.memory_space<hbm>>
      tpu.wait_indirect_dma semaphore(%arg13 : memref<!tpu.dma_semaphore, #tpu.memory_space<semaphore_mem>>) src(%dma_wait3A_731 : memref<40000x144xf32, #tpu.memory_space<hbm>>) dst(%arg10 : memref<80x144xf32, #tpu.memory_space<vmem>>)
      %run_scoped3A_732 = arith.constant 1 : i32
      "tpu.region"() ({
        %run_scoped3A_846 = tpu.sem_alloc : memref<!tpu.dma_semaphore, #tpu.memory_space<semaphore_mem>>
        %dma_start3A_847 = arith.constant 0 : i32
        %dma_start3A_848 = tpu.memref_slice %arg7[%run_scoped3A_732, %dma_start3A_847] : memref<10x80xi32, #tpu.memory_space<vmem>> -> memref<1x80xi32, #tpu.memory_space<vmem>>
        %dma_start3A_849 = tpu.memref_squeeze %dma_start3A_848 : memref<1x80xi32, #tpu.memory_space<vmem>> -> memref<80xi32, #tpu.memory_space<vmem>>
        %dma_start3A_850 = arith.constant 0 : i32
        %dma_start3A_851 = arith.constant 0 : i32
        %dma_start3A_852 = tpu.memref_slice %arg11[%dma_start3A_850, %dma_start3A_851] : memref<10000x144xf32, #tpu.memory_space<vmem_shared>> -> memref<10000x144xf32, #tpu.memory_space<vmem_shared>>
        tpu.enqueue_indirect_dma source(%arg10 : memref<80x144xf32, #tpu.memory_space<vmem>>) target(%dma_start3A_852 : memref<10000x144xf32, #tpu.memory_space<vmem_shared>>) offsets(%dma_start3A_849 : memref<80xi32, #tpu.memory_space<vmem>>) semaphore(%run_scoped3A_846 : memref<!tpu.dma_semaphore, #tpu.memory_space<semaphore_mem>>) {add = true}
        %dma_wait3A_853 = arith.constant 0 : i32
        %dma_wait3A_854 = tpu.memref_slice %arg7[%run_scoped3A_732, %dma_wait3A_853] : memref<10x80xi32, #tpu.memory_space<vmem>> -> memref<1x80xi32, #tpu.memory_space<vmem>>
        %dma_wait3A_855 = tpu.memref_squeeze %dma_wait3A_854 : memref<1x80xi32, #tpu.memory_space<vmem>> -> memref<80xi32, #tpu.memory_space<vmem>>
        %dma_wait3A_856 = arith.constant 0 : i32
        %dma_wait3A_857 = arith.constant 0 : i32
        %dma_wait3A_858 = tpu.memref_slice %arg11[%dma_wait3A_856, %dma_wait3A_857] : memref<10000x144xf32, #tpu.memory_space<vmem_shared>> -> memref<10000x144xf32, #tpu.memory_space<vmem_shared>>
        tpu.wait_indirect_dma semaphore(%run_scoped3A_846 : memref<!tpu.dma_semaphore, #tpu.memory_space<semaphore_mem>>) src(%arg10 : memref<80x144xf32, #tpu.memory_space<vmem>>) dst(%dma_wait3A_858 : memref<10000x144xf32, #tpu.memory_space<vmem_shared>>)
        tpu.yield
      }) : () -> ()
      %dma_start3A_733 = arith.constant 3 : i32
      %dma_start3A_734 = arith.constant 0 : i32
      %dma_start3A_735 = tpu.memref_slice %arg8[%dma_start3A_733, %dma_start3A_734] : memref<10x80xi32, #tpu.memory_space<vmem>> -> memref<1x80xi32, #tpu.memory_space<vmem>>
      %dma_start3A_736 = tpu.memref_squeeze %dma_start3A_735 : memref<1x80xi32, #tpu.memory_space<vmem>> -> memref<80xi32, #tpu.memory_space<vmem>>
      %dma_start3A_737 = arith.constant 0 : i32
      %dma_start3A_738 = arith.constant 0 : i32
      %dma_start3A_739 = tpu.memref_slice %arg4[%dma_start3A_737, %dma_start3A_738] : memref<40000x144xf32, #tpu.memory_space<hbm>> -> memref<40000x144xf32, #tpu.memory_space<hbm>>
      tpu.enqueue_indirect_dma source(%dma_start3A_739 : memref<40000x144xf32, #tpu.memory_space<hbm>>) target(%arg10 : memref<80x144xf32, #tpu.memory_space<vmem>>) offsets(%dma_start3A_736 : memref<80xi32, #tpu.memory_space<vmem>>) semaphore(%arg13 : memref<!tpu.dma_semaphore, #tpu.memory_space<semaphore_mem>>)
      %dma_wait3A_740 = arith.constant 2 : i32
      %dma_wait3A_741 = arith.constant 0 : i32
      %dma_wait3A_742 = tpu.memref_slice %arg8[%dma_wait3A_740, %dma_wait3A_741] : memref<10x80xi32, #tpu.memory_space<vmem>> -> memref<1x80xi32, #tpu.memory_space<vmem>>
      %dma_wait3A_743 = tpu.memref_squeeze %dma_wait3A_742 : memref<1x80xi32, #tpu.memory_space<vmem>> -> memref<80xi32, #tpu.memory_space<vmem>>
      %dma_wait3A_744 = arith.constant 0 : i32
      %dma_wait3A_745 = arith.constant 0 : i32
      %dma_wait3A_746 = tpu.memref_slice %arg4[%dma_wait3A_744, %dma_wait3A_745] : memref<40000x144xf32, #tpu.memory_space<hbm>> -> memref<40000x144xf32, #tpu.memory_space<hbm>>
      tpu.wait_indirect_dma semaphore(%arg12 : memref<!tpu.dma_semaphore, #tpu.memory_space<semaphore_mem>>) src(%dma_wait3A_746 : memref<40000x144xf32, #tpu.memory_space<hbm>>) dst(%arg9 : memref<80x144xf32, #tpu.memory_space<vmem>>)
      %run_scoped3A_747 = arith.constant 2 : i32
      "tpu.region"() ({
        %run_scoped3A_846 = tpu.sem_alloc : memref<!tpu.dma_semaphore, #tpu.memory_space<semaphore_mem>>
        %dma_start3A_847 = arith.constant 0 : i32
        %dma_start3A_848 = tpu.memref_slice %arg7[%run_scoped3A_747, %dma_start3A_847] : memref<10x80xi32, #tpu.memory_space<vmem>> -> memref<1x80xi32, #tpu.memory_space<vmem>>
        %dma_start3A_849 = tpu.memref_squeeze %dma_start3A_848 : memref<1x80xi32, #tpu.memory_space<vmem>> -> memref<80xi32, #tpu.memory_space<vmem>>
        %dma_start3A_850 = arith.constant 0 : i32
        %dma_start3A_851 = arith.constant 0 : i32
        %dma_start3A_852 = tpu.memref_slice %arg11[%dma_start3A_850, %dma_start3A_851] : memref<10000x144xf32, #tpu.memory_space<vmem_shared>> -> memref<10000x144xf32, #tpu.memory_space<vmem_shared>>
        tpu.enqueue_indirect_dma source(%arg9 : memref<80x144xf32, #tpu.memory_space<vmem>>) target(%dma_start3A_852 : memref<10000x144xf32, #tpu.memory_space<vmem_shared>>) offsets(%dma_start3A_849 : memref<80xi32, #tpu.memory_space<vmem>>) semaphore(%run_scoped3A_846 : memref<!tpu.dma_semaphore, #tpu.memory_space<semaphore_mem>>) {add = true}
        %dma_wait3A_853 = arith.constant 0 : i32
        %dma_wait3A_854 = tpu.memref_slice %arg7[%run_scoped3A_747, %dma_wait3A_853] : memref<10x80xi32, #tpu.memory_space<vmem>> -> memref<1x80xi32, #tpu.memory_space<vmem>>
        %dma_wait3A_855 = tpu.memref_squeeze %dma_wait3A_854 : memref<1x80xi32, #tpu.memory_space<vmem>> -> memref<80xi32, #tpu.memory_space<vmem>>
        %dma_wait3A_856 = arith.constant 0 : i32
        %dma_wait3A_857 = arith.constant 0 : i32
        %dma_wait3A_858 = tpu.memref_slice %arg11[%dma_wait3A_856, %dma_wait3A_857] : memref<10000x144xf32, #tpu.memory_space<vmem_shared>> -> memref<10000x144xf32, #tpu.memory_space<vmem_shared>>
        tpu.wait_indirect_dma semaphore(%run_scoped3A_846 : memref<!tpu.dma_semaphore, #tpu.memory_space<semaphore_mem>>) src(%arg9 : memref<80x144xf32, #tpu.memory_space<vmem>>) dst(%dma_wait3A_858 : memref<10000x144xf32, #tpu.memory_space<vmem_shared>>)
        tpu.yield
      }) : () -> ()
      %dma_start3A_748 = arith.constant 4 : i32
      %dma_start3A_749 = arith.constant 0 : i32
      %dma_start3A_750 = tpu.memref_slice %arg8[%dma_start3A_748, %dma_start3A_749] : memref<10x80xi32, #tpu.memory_space<vmem>> -> memref<1x80xi32, #tpu.memory_space<vmem>>
      %dma_start3A_751 = tpu.memref_squeeze %dma_start3A_750 : memref<1x80xi32, #tpu.memory_space<vmem>> -> memref<80xi32, #tpu.memory_space<vmem>>
      %dma_start3A_752 = arith.constant 0 : i32
      %dma_start3A_753 = arith.constant 0 : i32
      %dma_start3A_754 = tpu.memref_slice %arg4[%dma_start3A_752, %dma_start3A_753] : memref<40000x144xf32, #tpu.memory_space<hbm>> -> memref<40000x144xf32, #tpu.memory_space<hbm>>
      tpu.enqueue_indirect_dma source(%dma_start3A_754 : memref<40000x144xf32, #tpu.memory_space<hbm>>) target(%arg9 : memref<80x144xf32, #tpu.memory_space<vmem>>) offsets(%dma_start3A_751 : memref<80xi32, #tpu.memory_space<vmem>>) semaphore(%arg12 : memref<!tpu.dma_semaphore, #tpu.memory_space<semaphore_mem>>)
      %dma_wait3A_755 = arith.constant 3 : i32
      %dma_wait3A_756 = arith.constant 0 : i32
      %dma_wait3A_757 = tpu.memref_slice %arg8[%dma_wait3A_755, %dma_wait3A_756] : memref<10x80xi32, #tpu.memory_space<vmem>> -> memref<1x80xi32, #tpu.memory_space<vmem>>
      %dma_wait3A_758 = tpu.memref_squeeze %dma_wait3A_757 : memref<1x80xi32, #tpu.memory_space<vmem>> -> memref<80xi32, #tpu.memory_space<vmem>>
      %dma_wait3A_759 = arith.constant 0 : i32
      %dma_wait3A_760 = arith.constant 0 : i32
      %dma_wait3A_761 = tpu.memref_slice %arg4[%dma_wait3A_759, %dma_wait3A_760] : memref<40000x144xf32, #tpu.memory_space<hbm>> -> memref<40000x144xf32, #tpu.memory_space<hbm>>
      tpu.wait_indirect_dma semaphore(%arg13 : memref<!tpu.dma_semaphore, #tpu.memory_space<semaphore_mem>>) src(%dma_wait3A_761 : memref<40000x144xf32, #tpu.memory_space<hbm>>) dst(%arg10 : memref<80x144xf32, #tpu.memory_space<vmem>>)
      %run_scoped3A_762 = arith.constant 3 : i32
      "tpu.region"() ({
        %run_scoped3A_846 = tpu.sem_alloc : memref<!tpu.dma_semaphore, #tpu.memory_space<semaphore_mem>>
        %dma_start3A_847 = arith.constant 0 : i32
        %dma_start3A_848 = tpu.memref_slice %arg7[%run_scoped3A_762, %dma_start3A_847] : memref<10x80xi32, #tpu.memory_space<vmem>> -> memref<1x80xi32, #tpu.memory_space<vmem>>
        %dma_start3A_849 = tpu.memref_squeeze %dma_start3A_848 : memref<1x80xi32, #tpu.memory_space<vmem>> -> memref<80xi32, #tpu.memory_space<vmem>>
        %dma_start3A_850 = arith.constant 0 : i32
        %dma_start3A_851 = arith.constant 0 : i32
        %dma_start3A_852 = tpu.memref_slice %arg11[%dma_start3A_850, %dma_start3A_851] : memref<10000x144xf32, #tpu.memory_space<vmem_shared>> -> memref<10000x144xf32, #tpu.memory_space<vmem_shared>>
        tpu.enqueue_indirect_dma source(%arg10 : memref<80x144xf32, #tpu.memory_space<vmem>>) target(%dma_start3A_852 : memref<10000x144xf32, #tpu.memory_space<vmem_shared>>) offsets(%dma_start3A_849 : memref<80xi32, #tpu.memory_space<vmem>>) semaphore(%run_scoped3A_846 : memref<!tpu.dma_semaphore, #tpu.memory_space<semaphore_mem>>) {add = true}
        %dma_wait3A_853 = arith.constant 0 : i32
        %dma_wait3A_854 = tpu.memref_slice %arg7[%run_scoped3A_762, %dma_wait3A_853] : memref<10x80xi32, #tpu.memory_space<vmem>> -> memref<1x80xi32, #tpu.memory_space<vmem>>
        %dma_wait3A_855 = tpu.memref_squeeze %dma_wait3A_854 : memref<1x80xi32, #tpu.memory_space<vmem>> -> memref<80xi32, #tpu.memory_space<vmem>>
        %dma_wait3A_856 = arith.constant 0 : i32
        %dma_wait3A_857 = arith.constant 0 : i32
        %dma_wait3A_858 = tpu.memref_slice %arg11[%dma_wait3A_856, %dma_wait3A_857] : memref<10000x144xf32, #tpu.memory_space<vmem_shared>> -> memref<10000x144xf32, #tpu.memory_space<vmem_shared>>
        tpu.wait_indirect_dma semaphore(%run_scoped3A_846 : memref<!tpu.dma_semaphore, #tpu.memory_space<semaphore_mem>>) src(%arg10 : memref<80x144xf32, #tpu.memory_space<vmem>>) dst(%dma_wait3A_858 : memref<10000x144xf32, #tpu.memory_space<vmem_shared>>)
        tpu.yield
      }) : () -> ()
      %dma_start3A_763 = arith.constant 5 : i32
      %dma_start3A_764 = arith.constant 0 : i32
      %dma_start3A_765 = tpu.memref_slice %arg8[%dma_start3A_763, %dma_start3A_764] : memref<10x80xi32, #tpu.memory_space<vmem>> -> memref<1x80xi32, #tpu.memory_space<vmem>>
      %dma_start3A_766 = tpu.memref_squeeze %dma_start3A_765 : memref<1x80xi32, #tpu.memory_space<vmem>> -> memref<80xi32, #tpu.memory_space<vmem>>
      %dma_start3A_767 = arith.constant 0 : i32
      %dma_start3A_768 = arith.constant 0 : i32
      %dma_start3A_769 = tpu.memref_slice %arg4[%dma_start3A_767, %dma_start3A_768] : memref<40000x144xf32, #tpu.memory_space<hbm>> -> memref<40000x144xf32, #tpu.memory_space<hbm>>
      tpu.enqueue_indirect_dma source(%dma_start3A_769 : memref<40000x144xf32, #tpu.memory_space<hbm>>) target(%arg10 : memref<80x144xf32, #tpu.memory_space<vmem>>) offsets(%dma_start3A_766 : memref<80xi32, #tpu.memory_space<vmem>>) semaphore(%arg13 : memref<!tpu.dma_semaphore, #tpu.memory_space<semaphore_mem>>)
      %dma_wait3A_770 = arith.constant 4 : i32
      %dma_wait3A_771 = arith.constant 0 : i32
      %dma_wait3A_772 = tpu.memref_slice %arg8[%dma_wait3A_770, %dma_wait3A_771] : memref<10x80xi32, #tpu.memory_space<vmem>> -> memref<1x80xi32, #tpu.memory_space<vmem>>
      %dma_wait3A_773 = tpu.memref_squeeze %dma_wait3A_772 : memref<1x80xi32, #tpu.memory_space<vmem>> -> memref<80xi32, #tpu.memory_space<vmem>>
      %dma_wait3A_774 = arith.constant 0 : i32
      %dma_wait3A_775 = arith.constant 0 : i32
      %dma_wait3A_776 = tpu.memref_slice %arg4[%dma_wait3A_774, %dma_wait3A_775] : memref<40000x144xf32, #tpu.memory_space<hbm>> -> memref<40000x144xf32, #tpu.memory_space<hbm>>
      tpu.wait_indirect_dma semaphore(%arg12 : memref<!tpu.dma_semaphore, #tpu.memory_space<semaphore_mem>>) src(%dma_wait3A_776 : memref<40000x144xf32, #tpu.memory_space<hbm>>) dst(%arg9 : memref<80x144xf32, #tpu.memory_space<vmem>>)
      %run_scoped3A_777 = arith.constant 4 : i32
      "tpu.region"() ({
        %run_scoped3A_846 = tpu.sem_alloc : memref<!tpu.dma_semaphore, #tpu.memory_space<semaphore_mem>>
        %dma_start3A_847 = arith.constant 0 : i32
        %dma_start3A_848 = tpu.memref_slice %arg7[%run_scoped3A_777, %dma_start3A_847] : memref<10x80xi32, #tpu.memory_space<vmem>> -> memref<1x80xi32, #tpu.memory_space<vmem>>
        %dma_start3A_849 = tpu.memref_squeeze %dma_start3A_848 : memref<1x80xi32, #tpu.memory_space<vmem>> -> memref<80xi32, #tpu.memory_space<vmem>>
        %dma_start3A_850 = arith.constant 0 : i32
        %dma_start3A_851 = arith.constant 0 : i32
        %dma_start3A_852 = tpu.memref_slice %arg11[%dma_start3A_850, %dma_start3A_851] : memref<10000x144xf32, #tpu.memory_space<vmem_shared>> -> memref<10000x144xf32, #tpu.memory_space<vmem_shared>>
        tpu.enqueue_indirect_dma source(%arg9 : memref<80x144xf32, #tpu.memory_space<vmem>>) target(%dma_start3A_852 : memref<10000x144xf32, #tpu.memory_space<vmem_shared>>) offsets(%dma_start3A_849 : memref<80xi32, #tpu.memory_space<vmem>>) semaphore(%run_scoped3A_846 : memref<!tpu.dma_semaphore, #tpu.memory_space<semaphore_mem>>) {add = true}
        %dma_wait3A_853 = arith.constant 0 : i32
        %dma_wait3A_854 = tpu.memref_slice %arg7[%run_scoped3A_777, %dma_wait3A_853] : memref<10x80xi32, #tpu.memory_space<vmem>> -> memref<1x80xi32, #tpu.memory_space<vmem>>
        %dma_wait3A_855 = tpu.memref_squeeze %dma_wait3A_854 : memref<1x80xi32, #tpu.memory_space<vmem>> -> memref<80xi32, #tpu.memory_space<vmem>>
        %dma_wait3A_856 = arith.constant 0 : i32
        %dma_wait3A_857 = arith.constant 0 : i32
        %dma_wait3A_858 = tpu.memref_slice %arg11[%dma_wait3A_856, %dma_wait3A_857] : memref<10000x144xf32, #tpu.memory_space<vmem_shared>> -> memref<10000x144xf32, #tpu.memory_space<vmem_shared>>
        tpu.wait_indirect_dma semaphore(%run_scoped3A_846 : memref<!tpu.dma_semaphore, #tpu.memory_space<semaphore_mem>>) src(%arg9 : memref<80x144xf32, #tpu.memory_space<vmem>>) dst(%dma_wait3A_858 : memref<10000x144xf32, #tpu.memory_space<vmem_shared>>)
        tpu.yield
      }) : () -> ()
      %dma_start3A_778 = arith.constant 6 : i32
      %dma_start3A_779 = arith.constant 0 : i32
      %dma_start3A_780 = tpu.memref_slice %arg8[%dma_start3A_778, %dma_start3A_779] : memref<10x80xi32, #tpu.memory_space<vmem>> -> memref<1x80xi32, #tpu.memory_space<vmem>>
      %dma_start3A_781 = tpu.memref_squeeze %dma_start3A_780 : memref<1x80xi32, #tpu.memory_space<vmem>> -> memref<80xi32, #tpu.memory_space<vmem>>
      %dma_start3A_782 = arith.constant 0 : i32
      %dma_start3A_783 = arith.constant 0 : i32
      %dma_start3A_784 = tpu.memref_slice %arg4[%dma_start3A_782, %dma_start3A_783] : memref<40000x144xf32, #tpu.memory_space<hbm>> -> memref<40000x144xf32, #tpu.memory_space<hbm>>
      tpu.enqueue_indirect_dma source(%dma_start3A_784 : memref<40000x144xf32, #tpu.memory_space<hbm>>) target(%arg9 : memref<80x144xf32, #tpu.memory_space<vmem>>) offsets(%dma_start3A_781 : memref<80xi32, #tpu.memory_space<vmem>>) semaphore(%arg12 : memref<!tpu.dma_semaphore, #tpu.memory_space<semaphore_mem>>)
      %dma_wait3A_785 = arith.constant 5 : i32
      %dma_wait3A_786 = arith.constant 0 : i32
      %dma_wait3A_787 = tpu.memref_slice %arg8[%dma_wait3A_785, %dma_wait3A_786] : memref<10x80xi32, #tpu.memory_space<vmem>> -> memref<1x80xi32, #tpu.memory_space<vmem>>
      %dma_wait3A_788 = tpu.memref_squeeze %dma_wait3A_787 : memref<1x80xi32, #tpu.memory_space<vmem>> -> memref<80xi32, #tpu.memory_space<vmem>>
      %dma_wait3A_789 = arith.constant 0 : i32
      %dma_wait3A_790 = arith.constant 0 : i32
      %dma_wait3A_791 = tpu.memref_slice %arg4[%dma_wait3A_789, %dma_wait3A_790] : memref<40000x144xf32, #tpu.memory_space<hbm>> -> memref<40000x144xf32, #tpu.memory_space<hbm>>
      tpu.wait_indirect_dma semaphore(%arg13 : memref<!tpu.dma_semaphore, #tpu.memory_space<semaphore_mem>>) src(%dma_wait3A_791 : memref<40000x144xf32, #tpu.memory_space<hbm>>) dst(%arg10 : memref<80x144xf32, #tpu.memory_space<vmem>>)
      %run_scoped3A_792 = arith.constant 5 : i32
      "tpu.region"() ({
        %run_scoped3A_846 = tpu.sem_alloc : memref<!tpu.dma_semaphore, #tpu.memory_space<semaphore_mem>>
        %dma_start3A_847 = arith.constant 0 : i32
        %dma_start3A_848 = tpu.memref_slice %arg7[%run_scoped3A_792, %dma_start3A_847] : memref<10x80xi32, #tpu.memory_space<vmem>> -> memref<1x80xi32, #tpu.memory_space<vmem>>
        %dma_start3A_849 = tpu.memref_squeeze %dma_start3A_848 : memref<1x80xi32, #tpu.memory_space<vmem>> -> memref<80xi32, #tpu.memory_space<vmem>>
        %dma_start3A_850 = arith.constant 0 : i32
        %dma_start3A_851 = arith.constant 0 : i32
        %dma_start3A_852 = tpu.memref_slice %arg11[%dma_start3A_850, %dma_start3A_851] : memref<10000x144xf32, #tpu.memory_space<vmem_shared>> -> memref<10000x144xf32, #tpu.memory_space<vmem_shared>>
        tpu.enqueue_indirect_dma source(%arg10 : memref<80x144xf32, #tpu.memory_space<vmem>>) target(%dma_start3A_852 : memref<10000x144xf32, #tpu.memory_space<vmem_shared>>) offsets(%dma_start3A_849 : memref<80xi32, #tpu.memory_space<vmem>>) semaphore(%run_scoped3A_846 : memref<!tpu.dma_semaphore, #tpu.memory_space<semaphore_mem>>) {add = true}
        %dma_wait3A_853 = arith.constant 0 : i32
        %dma_wait3A_854 = tpu.memref_slice %arg7[%run_scoped3A_792, %dma_wait3A_853] : memref<10x80xi32, #tpu.memory_space<vmem>> -> memref<1x80xi32, #tpu.memory_space<vmem>>
        %dma_wait3A_855 = tpu.memref_squeeze %dma_wait3A_854 : memref<1x80xi32, #tpu.memory_space<vmem>> -> memref<80xi32, #tpu.memory_space<vmem>>
        %dma_wait3A_856 = arith.constant 0 : i32
        %dma_wait3A_857 = arith.constant 0 : i32
        %dma_wait3A_858 = tpu.memref_slice %arg11[%dma_wait3A_856, %dma_wait3A_857] : memref<10000x144xf32, #tpu.memory_space<vmem_shared>> -> memref<10000x144xf32, #tpu.memory_space<vmem_shared>>
        tpu.wait_indirect_dma semaphore(%run_scoped3A_846 : memref<!tpu.dma_semaphore, #tpu.memory_space<semaphore_mem>>) src(%arg10 : memref<80x144xf32, #tpu.memory_space<vmem>>) dst(%dma_wait3A_858 : memref<10000x144xf32, #tpu.memory_space<vmem_shared>>)
        tpu.yield
      }) : () -> ()
      %dma_start3A_793 = arith.constant 7 : i32
      %dma_start3A_794 = arith.constant 0 : i32
      %dma_start3A_795 = tpu.memref_slice %arg8[%dma_start3A_793, %dma_start3A_794] : memref<10x80xi32, #tpu.memory_space<vmem>> -> memref<1x80xi32, #tpu.memory_space<vmem>>
      %dma_start3A_796 = tpu.memref_squeeze %dma_start3A_795 : memref<1x80xi32, #tpu.memory_space<vmem>> -> memref<80xi32, #tpu.memory_space<vmem>>
      %dma_start3A_797 = arith.constant 0 : i32
      %dma_start3A_798 = arith.constant 0 : i32
      %dma_start3A_799 = tpu.memref_slice %arg4[%dma_start3A_797, %dma_start3A_798] : memref<40000x144xf32, #tpu.memory_space<hbm>> -> memref<40000x144xf32, #tpu.memory_space<hbm>>
      tpu.enqueue_indirect_dma source(%dma_start3A_799 : memref<40000x144xf32, #tpu.memory_space<hbm>>) target(%arg10 : memref<80x144xf32, #tpu.memory_space<vmem>>) offsets(%dma_start3A_796 : memref<80xi32, #tpu.memory_space<vmem>>) semaphore(%arg13 : memref<!tpu.dma_semaphore, #tpu.memory_space<semaphore_mem>>)
      %dma_wait3A_800 = arith.constant 6 : i32
      %dma_wait3A_801 = arith.constant 0 : i32
      %dma_wait3A_802 = tpu.memref_slice %arg8[%dma_wait3A_800, %dma_wait3A_801] : memref<10x80xi32, #tpu.memory_space<vmem>> -> memref<1x80xi32, #tpu.memory_space<vmem>>
      %dma_wait3A_803 = tpu.memref_squeeze %dma_wait3A_802 : memref<1x80xi32, #tpu.memory_space<vmem>> -> memref<80xi32, #tpu.memory_space<vmem>>
      %dma_wait3A_804 = arith.constant 0 : i32
      %dma_wait3A_805 = arith.constant 0 : i32
      %dma_wait3A_806 = tpu.memref_slice %arg4[%dma_wait3A_804, %dma_wait3A_805] : memref<40000x144xf32, #tpu.memory_space<hbm>> -> memref<40000x144xf32, #tpu.memory_space<hbm>>
      tpu.wait_indirect_dma semaphore(%arg12 : memref<!tpu.dma_semaphore, #tpu.memory_space<semaphore_mem>>) src(%dma_wait3A_806 : memref<40000x144xf32, #tpu.memory_space<hbm>>) dst(%arg9 : memref<80x144xf32, #tpu.memory_space<vmem>>)
      %run_scoped3A_807 = arith.constant 6 : i32
      "tpu.region"() ({
        %run_scoped3A_846 = tpu.sem_alloc : memref<!tpu.dma_semaphore, #tpu.memory_space<semaphore_mem>>
        %dma_start3A_847 = arith.constant 0 : i32
        %dma_start3A_848 = tpu.memref_slice %arg7[%run_scoped3A_807, %dma_start3A_847] : memref<10x80xi32, #tpu.memory_space<vmem>> -> memref<1x80xi32, #tpu.memory_space<vmem>>
        %dma_start3A_849 = tpu.memref_squeeze %dma_start3A_848 : memref<1x80xi32, #tpu.memory_space<vmem>> -> memref<80xi32, #tpu.memory_space<vmem>>
        %dma_start3A_850 = arith.constant 0 : i32
        %dma_start3A_851 = arith.constant 0 : i32
        %dma_start3A_852 = tpu.memref_slice %arg11[%dma_start3A_850, %dma_start3A_851] : memref<10000x144xf32, #tpu.memory_space<vmem_shared>> -> memref<10000x144xf32, #tpu.memory_space<vmem_shared>>
        tpu.enqueue_indirect_dma source(%arg9 : memref<80x144xf32, #tpu.memory_space<vmem>>) target(%dma_start3A_852 : memref<10000x144xf32, #tpu.memory_space<vmem_shared>>) offsets(%dma_start3A_849 : memref<80xi32, #tpu.memory_space<vmem>>) semaphore(%run_scoped3A_846 : memref<!tpu.dma_semaphore, #tpu.memory_space<semaphore_mem>>) {add = true}
        %dma_wait3A_853 = arith.constant 0 : i32
        %dma_wait3A_854 = tpu.memref_slice %arg7[%run_scoped3A_807, %dma_wait3A_853] : memref<10x80xi32, #tpu.memory_space<vmem>> -> memref<1x80xi32, #tpu.memory_space<vmem>>
        %dma_wait3A_855 = tpu.memref_squeeze %dma_wait3A_854 : memref<1x80xi32, #tpu.memory_space<vmem>> -> memref<80xi32, #tpu.memory_space<vmem>>
        %dma_wait3A_856 = arith.constant 0 : i32
        %dma_wait3A_857 = arith.constant 0 : i32
        %dma_wait3A_858 = tpu.memref_slice %arg11[%dma_wait3A_856, %dma_wait3A_857] : memref<10000x144xf32, #tpu.memory_space<vmem_shared>> -> memref<10000x144xf32, #tpu.memory_space<vmem_shared>>
        tpu.wait_indirect_dma semaphore(%run_scoped3A_846 : memref<!tpu.dma_semaphore, #tpu.memory_space<semaphore_mem>>) src(%arg9 : memref<80x144xf32, #tpu.memory_space<vmem>>) dst(%dma_wait3A_858 : memref<10000x144xf32, #tpu.memory_space<vmem_shared>>)
        tpu.yield
      }) : () -> ()
      %dma_start3A_808 = arith.constant 8 : i32
      %dma_start3A_809 = arith.constant 0 : i32
      %dma_start3A_810 = tpu.memref_slice %arg8[%dma_start3A_808, %dma_start3A_809] : memref<10x80xi32, #tpu.memory_space<vmem>> -> memref<1x80xi32, #tpu.memory_space<vmem>>
      %dma_start3A_811 = tpu.memref_squeeze %dma_start3A_810 : memref<1x80xi32, #tpu.memory_space<vmem>> -> memref<80xi32, #tpu.memory_space<vmem>>
      %dma_start3A_812 = arith.constant 0 : i32
      %dma_start3A_813 = arith.constant 0 : i32
      %dma_start3A_814 = tpu.memref_slice %arg4[%dma_start3A_812, %dma_start3A_813] : memref<40000x144xf32, #tpu.memory_space<hbm>> -> memref<40000x144xf32, #tpu.memory_space<hbm>>
      tpu.enqueue_indirect_dma source(%dma_start3A_814 : memref<40000x144xf32, #tpu.memory_space<hbm>>) target(%arg9 : memref<80x144xf32, #tpu.memory_space<vmem>>) offsets(%dma_start3A_811 : memref<80xi32, #tpu.memory_space<vmem>>) semaphore(%arg12 : memref<!tpu.dma_semaphore, #tpu.memory_space<semaphore_mem>>)
      %dma_wait3A_815 = arith.constant 7 : i32
      %dma_wait3A_816 = arith.constant 0 : i32
      %dma_wait3A_817 = tpu.memref_slice %arg8[%dma_wait3A_815, %dma_wait3A_816] : memref<10x80xi32, #tpu.memory_space<vmem>> -> memref<1x80xi32, #tpu.memory_space<vmem>>
      %dma_wait3A_818 = tpu.memref_squeeze %dma_wait3A_817 : memref<1x80xi32, #tpu.memory_space<vmem>> -> memref<80xi32, #tpu.memory_space<vmem>>
      %dma_wait3A_819 = arith.constant 0 : i32
      %dma_wait3A_820 = arith.constant 0 : i32
      %dma_wait3A_821 = tpu.memref_slice %arg4[%dma_wait3A_819, %dma_wait3A_820] : memref<40000x144xf32, #tpu.memory_space<hbm>> -> memref<40000x144xf32, #tpu.memory_space<hbm>>
      tpu.wait_indirect_dma semaphore(%arg13 : memref<!tpu.dma_semaphore, #tpu.memory_space<semaphore_mem>>) src(%dma_wait3A_821 : memref<40000x144xf32, #tpu.memory_space<hbm>>) dst(%arg10 : memref<80x144xf32, #tpu.memory_space<vmem>>)
      %run_scoped3A_822 = arith.constant 7 : i32
      "tpu.region"() ({
        %run_scoped3A_846 = tpu.sem_alloc : memref<!tpu.dma_semaphore, #tpu.memory_space<semaphore_mem>>
        %dma_start3A_847 = arith.constant 0 : i32
        %dma_start3A_848 = tpu.memref_slice %arg7[%run_scoped3A_822, %dma_start3A_847] : memref<10x80xi32, #tpu.memory_space<vmem>> -> memref<1x80xi32, #tpu.memory_space<vmem>>
        %dma_start3A_849 = tpu.memref_squeeze %dma_start3A_848 : memref<1x80xi32, #tpu.memory_space<vmem>> -> memref<80xi32, #tpu.memory_space<vmem>>
        %dma_start3A_850 = arith.constant 0 : i32
        %dma_start3A_851 = arith.constant 0 : i32
        %dma_start3A_852 = tpu.memref_slice %arg11[%dma_start3A_850, %dma_start3A_851] : memref<10000x144xf32, #tpu.memory_space<vmem_shared>> -> memref<10000x144xf32, #tpu.memory_space<vmem_shared>>
        tpu.enqueue_indirect_dma source(%arg10 : memref<80x144xf32, #tpu.memory_space<vmem>>) target(%dma_start3A_852 : memref<10000x144xf32, #tpu.memory_space<vmem_shared>>) offsets(%dma_start3A_849 : memref<80xi32, #tpu.memory_space<vmem>>) semaphore(%run_scoped3A_846 : memref<!tpu.dma_semaphore, #tpu.memory_space<semaphore_mem>>) {add = true}
        %dma_wait3A_853 = arith.constant 0 : i32
        %dma_wait3A_854 = tpu.memref_slice %arg7[%run_scoped3A_822, %dma_wait3A_853] : memref<10x80xi32, #tpu.memory_space<vmem>> -> memref<1x80xi32, #tpu.memory_space<vmem>>
        %dma_wait3A_855 = tpu.memref_squeeze %dma_wait3A_854 : memref<1x80xi32, #tpu.memory_space<vmem>> -> memref<80xi32, #tpu.memory_space<vmem>>
        %dma_wait3A_856 = arith.constant 0 : i32
        %dma_wait3A_857 = arith.constant 0 : i32
        %dma_wait3A_858 = tpu.memref_slice %arg11[%dma_wait3A_856, %dma_wait3A_857] : memref<10000x144xf32, #tpu.memory_space<vmem_shared>> -> memref<10000x144xf32, #tpu.memory_space<vmem_shared>>
        tpu.wait_indirect_dma semaphore(%run_scoped3A_846 : memref<!tpu.dma_semaphore, #tpu.memory_space<semaphore_mem>>) src(%arg10 : memref<80x144xf32, #tpu.memory_space<vmem>>) dst(%dma_wait3A_858 : memref<10000x144xf32, #tpu.memory_space<vmem_shared>>)
        tpu.yield
      }) : () -> ()
      %dma_start3A_823 = arith.constant 9 : i32
      %dma_start3A_824 = arith.constant 0 : i32
      %dma_start3A_825 = tpu.memref_slice %arg8[%dma_start3A_823, %dma_start3A_824] : memref<10x80xi32, #tpu.memory_space<vmem>> -> memref<1x80xi32, #tpu.memory_space<vmem>>
      %dma_start3A_826 = tpu.memref_squeeze %dma_start3A_825 : memref<1x80xi32, #tpu.memory_space<vmem>> -> memref<80xi32, #tpu.memory_space<vmem>>
      %dma_start3A_827 = arith.constant 0 : i32
      %dma_start3A_828 = arith.constant 0 : i32
      %dma_start3A_829 = tpu.memref_slice %arg4[%dma_start3A_827, %dma_start3A_828] : memref<40000x144xf32, #tpu.memory_space<hbm>> -> memref<40000x144xf32, #tpu.memory_space<hbm>>
      tpu.enqueue_indirect_dma source(%dma_start3A_829 : memref<40000x144xf32, #tpu.memory_space<hbm>>) target(%arg10 : memref<80x144xf32, #tpu.memory_space<vmem>>) offsets(%dma_start3A_826 : memref<80xi32, #tpu.memory_space<vmem>>) semaphore(%arg13 : memref<!tpu.dma_semaphore, #tpu.memory_space<semaphore_mem>>)
      %dma_wait3A_830 = arith.constant 8 : i32
      %dma_wait3A_831 = arith.constant 0 : i32
      %dma_wait3A_832 = tpu.memref_slice %arg8[%dma_wait3A_830, %dma_wait3A_831] : memref<10x80xi32, #tpu.memory_space<vmem>> -> memref<1x80xi32, #tpu.memory_space<vmem>>
      %dma_wait3A_833 = tpu.memref_squeeze %dma_wait3A_832 : memref<1x80xi32, #tpu.memory_space<vmem>> -> memref<80xi32, #tpu.memory_space<vmem>>
      %dma_wait3A_834 = arith.constant 0 : i32
      %dma_wait3A_835 = arith.constant 0 : i32
      %dma_wait3A_836 = tpu.memref_slice %arg4[%dma_wait3A_834, %dma_wait3A_835] : memref<40000x144xf32, #tpu.memory_space<hbm>> -> memref<40000x144xf32, #tpu.memory_space<hbm>>
      tpu.wait_indirect_dma semaphore(%arg12 : memref<!tpu.dma_semaphore, #tpu.memory_space<semaphore_mem>>) src(%dma_wait3A_836 : memref<40000x144xf32, #tpu.memory_space<hbm>>) dst(%arg9 : memref<80x144xf32, #tpu.memory_space<vmem>>)
      %run_scoped3A_837 = arith.constant 8 : i32
      "tpu.region"() ({
        %run_scoped3A_846 = tpu.sem_alloc : memref<!tpu.dma_semaphore, #tpu.memory_space<semaphore_mem>>
        %dma_start3A_847 = arith.constant 0 : i32
        %dma_start3A_848 = tpu.memref_slice %arg7[%run_scoped3A_837, %dma_start3A_847] : memref<10x80xi32, #tpu.memory_space<vmem>> -> memref<1x80xi32, #tpu.memory_space<vmem>>
        %dma_start3A_849 = tpu.memref_squeeze %dma_start3A_848 : memref<1x80xi32, #tpu.memory_space<vmem>> -> memref<80xi32, #tpu.memory_space<vmem>>
        %dma_start3A_850 = arith.constant 0 : i32
        %dma_start3A_851 = arith.constant 0 : i32
        %dma_start3A_852 = tpu.memref_slice %arg11[%dma_start3A_850, %dma_start3A_851] : memref<10000x144xf32, #tpu.memory_space<vmem_shared>> -> memref<10000x144xf32, #tpu.memory_space<vmem_shared>>
        tpu.enqueue_indirect_dma source(%arg9 : memref<80x144xf32, #tpu.memory_space<vmem>>) target(%dma_start3A_852 : memref<10000x144xf32, #tpu.memory_space<vmem_shared>>) offsets(%dma_start3A_849 : memref<80xi32, #tpu.memory_space<vmem>>) semaphore(%run_scoped3A_846 : memref<!tpu.dma_semaphore, #tpu.memory_space<semaphore_mem>>) {add = true}
        %dma_wait3A_853 = arith.constant 0 : i32
        %dma_wait3A_854 = tpu.memref_slice %arg7[%run_scoped3A_837, %dma_wait3A_853] : memref<10x80xi32, #tpu.memory_space<vmem>> -> memref<1x80xi32, #tpu.memory_space<vmem>>
        %dma_wait3A_855 = tpu.memref_squeeze %dma_wait3A_854 : memref<1x80xi32, #tpu.memory_space<vmem>> -> memref<80xi32, #tpu.memory_space<vmem>>
        %dma_wait3A_856 = arith.constant 0 : i32
        %dma_wait3A_857 = arith.constant 0 : i32
        %dma_wait3A_858 = tpu.memref_slice %arg11[%dma_wait3A_856, %dma_wait3A_857] : memref<10000x144xf32, #tpu.memory_space<vmem_shared>> -> memref<10000x144xf32, #tpu.memory_space<vmem_shared>>
        tpu.wait_indirect_dma semaphore(%run_scoped3A_846 : memref<!tpu.dma_semaphore, #tpu.memory_space<semaphore_mem>>) src(%arg9 : memref<80x144xf32, #tpu.memory_space<vmem>>) dst(%dma_wait3A_858 : memref<10000x144xf32, #tpu.memory_space<vmem_shared>>)
        tpu.yield
      }) : () -> ()
      %dma_wait3A_838 = arith.constant 9 : i32
      %dma_wait3A_839 = arith.constant 0 : i32
      %dma_wait3A_840 = tpu.memref_slice %arg8[%dma_wait3A_838, %dma_wait3A_839] : memref<10x80xi32, #tpu.memory_space<vmem>> -> memref<1x80xi32, #tpu.memory_space<vmem>>
      %dma_wait3A_841 = tpu.memref_squeeze %dma_wait3A_840 : memref<1x80xi32, #tpu.memory_space<vmem>> -> memref<80xi32, #tpu.memory_space<vmem>>
      %dma_wait3A_842 = arith.constant 0 : i32
      %dma_wait3A_843 = arith.constant 0 : i32
      %dma_wait3A_844 = tpu.memref_slice %arg4[%dma_wait3A_842, %dma_wait3A_843] : memref<40000x144xf32, #tpu.memory_space<hbm>> -> memref<40000x144xf32, #tpu.memory_space<hbm>>
      tpu.wait_indirect_dma semaphore(%arg13 : memref<!tpu.dma_semaphore, #tpu.memory_space<semaphore_mem>>) src(%dma_wait3A_844 : memref<40000x144xf32, #tpu.memory_space<hbm>>) dst(%arg10 : memref<80x144xf32, #tpu.memory_space<vmem>>)
      %run_scoped3A_845 = arith.constant 9 : i32
      "tpu.region"() ({
        %run_scoped3A_846 = tpu.sem_alloc : memref<!tpu.dma_semaphore, #tpu.memory_space<semaphore_mem>>
        %dma_start3A_847 = arith.constant 0 : i32
        %dma_start3A_848 = tpu.memref_slice %arg7[%run_scoped3A_845, %dma_start3A_847] : memref<10x80xi32, #tpu.memory_space<vmem>> -> memref<1x80xi32, #tpu.memory_space<vmem>>
        %dma_start3A_849 = tpu.memref_squeeze %dma_start3A_848 : memref<1x80xi32, #tpu.memory_space<vmem>> -> memref<80xi32, #tpu.memory_space<vmem>>
        %dma_start3A_850 = arith.constant 0 : i32
        %dma_start3A_851 = arith.constant 0 : i32
        %dma_start3A_852 = tpu.memref_slice %arg11[%dma_start3A_850, %dma_start3A_851] : memref<10000x144xf32, #tpu.memory_space<vmem_shared>> -> memref<10000x144xf32, #tpu.memory_space<vmem_shared>>
        tpu.enqueue_indirect_dma source(%arg10 : memref<80x144xf32, #tpu.memory_space<vmem>>) target(%dma_start3A_852 : memref<10000x144xf32, #tpu.memory_space<vmem_shared>>) offsets(%dma_start3A_849 : memref<80xi32, #tpu.memory_space<vmem>>) semaphore(%run_scoped3A_846 : memref<!tpu.dma_semaphore, #tpu.memory_space<semaphore_mem>>) {add = true}
        %dma_wait3A_853 = arith.constant 0 : i32
        %dma_wait3A_854 = tpu.memref_slice %arg7[%run_scoped3A_845, %dma_wait3A_853] : memref<10x80xi32, #tpu.memory_space<vmem>> -> memref<1x80xi32, #tpu.memory_space<vmem>>
        %dma_wait3A_855 = tpu.memref_squeeze %dma_wait3A_854 : memref<1x80xi32, #tpu.memory_space<vmem>> -> memref<80xi32, #tpu.memory_space<vmem>>
        %dma_wait3A_856 = arith.constant 0 : i32
        %dma_wait3A_857 = arith.constant 0 : i32
        %dma_wait3A_858 = tpu.memref_slice %arg11[%dma_wait3A_856, %dma_wait3A_857] : memref<10000x144xf32, #tpu.memory_space<vmem_shared>> -> memref<10000x144xf32, #tpu.memory_space<vmem_shared>>
        tpu.wait_indirect_dma semaphore(%run_scoped3A_846 : memref<!tpu.dma_semaphore, #tpu.memory_space<semaphore_mem>>) src(%arg10 : memref<80x144xf32, #tpu.memory_space<vmem>>) dst(%dma_wait3A_858 : memref<10000x144xf32, #tpu.memory_space<vmem_shared>>)
        tpu.yield
      }) : () -> ()
    }
    %scan3A_13 = arith.constant 25 : i32
    %barrier3A_14 = arith.constant 0 : index
    tpu.barrier barrier_id(%barrier3A_14)
    %mul3A_15 = arith.constant 625 : i32
    %mul3A_16 = arith.muli %arg1, %mul3A_15 : i32
    %mul3A_17 = arith.constant 625 : i32
    %mul3A_18 = arith.muli %arg1, %mul3A_17 : i32
    %run_scoped3A = arith.constant 0 : i32
    "tpu.region"() ({
      %run_scoped3A_45 = tpu.sem_alloc : memref<!tpu.dma_semaphore, #tpu.memory_space<semaphore_mem>>
      %dma_start3A = arith.constant 0 : i32
      %dma_start3A_46 = tpu.memref_slice %arg5[%arg0, %run_scoped3A, %mul3A_18, %dma_start3A] : memref<2x2x10000x144xf32, #tpu.memory_space<hbm>> -> memref<1x1x625x144xf32, #tpu.memory_space<hbm>>
      %dma_start3A_47 = tpu.memref_squeeze %dma_start3A_46 : memref<1x1x625x144xf32, #tpu.memory_space<hbm>> -> memref<625x144xf32, #tpu.memory_space<hbm>>
      %dma_start3A_48 = arith.constant 0 : i32
      %dma_start3A_49 = tpu.memref_slice %arg11[%mul3A_16, %dma_start3A_48] : memref<10000x144xf32, #tpu.memory_space<vmem_shared>> -> memref<625x144xf32, #tpu.memory_space<vmem_shared>>
      tpu.enqueue_dma source(%dma_start3A_49 : memref<625x144xf32, #tpu.memory_space<vmem_shared>>) target(%dma_start3A_47 : memref<625x144xf32, #tpu.memory_space<hbm>>) target_semaphore(%run_scoped3A_45 : memref<!tpu.dma_semaphore, #tpu.memory_space<semaphore_mem>>)
      %dma_wait3A = arith.constant 0 : i32
      %dma_wait3A_50 = tpu.memref_slice %arg5[%arg0, %run_scoped3A, %mul3A_18, %dma_wait3A] : memref<2x2x10000x144xf32, #tpu.memory_space<hbm>> -> memref<1x1x625x144xf32, #tpu.memory_space<hbm>>
      %dma_wait3A_51 = tpu.memref_squeeze %dma_wait3A_50 : memref<1x1x625x144xf32, #tpu.memory_space<hbm>> -> memref<625x144xf32, #tpu.memory_space<hbm>>
      %dma_wait3A_52 = arith.constant 0 : i32
      %dma_wait3A_53 = tpu.memref_slice %arg11[%mul3A_16, %dma_wait3A_52] : memref<10000x144xf32, #tpu.memory_space<vmem_shared>> -> memref<625x144xf32, #tpu.memory_space<vmem_shared>>
      tpu.wait_dma2 semaphore(%run_scoped3A_45 : memref<!tpu.dma_semaphore, #tpu.memory_space<semaphore_mem>>) src(%dma_wait3A_53 : memref<625x144xf32, #tpu.memory_space<vmem_shared>>) dst(%dma_wait3A_51 : memref<625x144xf32, #tpu.memory_space<hbm>>)
      tpu.yield
    }) : () -> ()
    %barrier3A_19 = arith.constant 0 : index
    tpu.barrier barrier_id(%barrier3A_19)
    %mul3A_20 = arith.constant 2 : i32
    %mul3A_21 = arith.muli %arg0, %mul3A_20 : i32
    %add3A_22 = arith.constant 1 : i32
    %add3A_23 = arith.addi %mul3A_21, %add3A_22 : i32
    %mul3A_24 = arith.constant 10000 : i32
    %mul3A_25 = arith.muli %add3A_23, %mul3A_24 : i32
    %mul3A_26 = arith.constant 625 : i32
    %mul3A_27 = arith.muli %arg1, %mul3A_26 : i32
    %add3A_28 = arith.addi %mul3A_25, %mul3A_27 : i32
    %mul3A_29 = arith.constant 625 : i32
    %mul3A_30 = arith.muli %arg1, %mul3A_29 : i32
    "tpu.region"() ({
      %run_scoped3A_45 = tpu.sem_alloc : memref<!tpu.dma_semaphore, #tpu.memory_space<semaphore_mem>>
      %dma_start3A = arith.constant 0 : i32
      %dma_start3A_46 = tpu.memref_slice %arg11[%mul3A_30, %dma_start3A] : memref<10000x144xf32, #tpu.memory_space<vmem_shared>> -> memref<625x144xf32, #tpu.memory_space<vmem_shared>>
      %dma_start3A_47 = arith.constant 0 : i32
      %dma_start3A_48 = tpu.memref_slice %arg4[%add3A_28, %dma_start3A_47] : memref<40000x144xf32, #tpu.memory_space<hbm>> -> memref<625x144xf32, #tpu.memory_space<hbm>>
      tpu.enqueue_dma source(%dma_start3A_48 : memref<625x144xf32, #tpu.memory_space<hbm>>) target(%dma_start3A_46 : memref<625x144xf32, #tpu.memory_space<vmem_shared>>) target_semaphore(%run_scoped3A_45 : memref<!tpu.dma_semaphore, #tpu.memory_space<semaphore_mem>>)
      %dma_wait3A = arith.constant 0 : i32
      %dma_wait3A_49 = tpu.memref_slice %arg11[%mul3A_30, %dma_wait3A] : memref<10000x144xf32, #tpu.memory_space<vmem_shared>> -> memref<625x144xf32, #tpu.memory_space<vmem_shared>>
      %dma_wait3A_50 = arith.constant 0 : i32
      %dma_wait3A_51 = tpu.memref_slice %arg4[%add3A_28, %dma_wait3A_50] : memref<40000x144xf32, #tpu.memory_space<hbm>> -> memref<625x144xf32, #tpu.memory_space<hbm>>
      tpu.wait_dma2 semaphore(%run_scoped3A_45 : memref<!tpu.dma_semaphore, #tpu.memory_space<semaphore_mem>>) src(%dma_wait3A_51 : memref<625x144xf32, #tpu.memory_space<hbm>>) dst(%dma_wait3A_49 : memref<625x144xf32, #tpu.memory_space<vmem_shared>>)
      tpu.yield
    }) : () -> ()
    %barrier3A_31 = arith.constant 0 : index
    tpu.barrier barrier_id(%barrier3A_31)
    %scan3A_32 = arith.constant 0 : i32
    %scan3A_33 = arith.constant 0 : i32
    %scan3A_34 = arith.constant 25 : i32
    %scan3A_35 = arith.addi %scan3A_33, %scan3A_34 : i32
    %scan3A_36 = arith.constant 1 : i32
    scf.for %scan3A_45 = %scan3A_33 to %scan3A_35 step %scan3A_36  : i32 {
      %mul3A_46 = arith.constant 10 : i32
      %mul3A_47 = arith.muli %scan3A_45, %mul3A_46 : i32
      "tpu.region"() ({
        %run_scoped3A_846 = tpu.sem_alloc : memref<!tpu.dma_semaphore, #tpu.memory_space<semaphore_mem>>
        %dma_start3A_847 = arith.constant 0 : i32
        %dma_start3A_848 = tpu.memref_slice %arg2[%arg1, %mul3A_47, %dma_start3A_847] : memref<16x250x80xi32, #tpu.memory_space<hbm>> -> memref<1x10x80xi32, #tpu.memory_space<hbm>>
        %dma_start3A_849 = tpu.memref_squeeze %dma_start3A_848 : memref<1x10x80xi32, #tpu.memory_space<hbm>> -> memref<10x80xi32, #tpu.memory_space<hbm>>
        %dma_start3A_850 = arith.constant 0 : i32
        %dma_start3A_851 = tpu.memref_slice %arg2[%arg1, %mul3A_47, %dma_start3A_850] : memref<16x250x80xi32, #tpu.memory_space<hbm>> -> memref<1x10x80xi32, #tpu.memory_space<hbm>>
        %dma_start3A_852 = tpu.memref_squeeze %dma_start3A_851 : memref<1x10x80xi32, #tpu.memory_space<hbm>> -> memref<10x80xi32, #tpu.memory_space<hbm>>
        tpu.enqueue_dma source(%dma_start3A_852 : memref<10x80xi32, #tpu.memory_space<hbm>>) target(%arg6 : memref<10x80xi32, #tpu.memory_space<vmem>>) target_semaphore(%run_scoped3A_846 : memref<!tpu.dma_semaphore, #tpu.memory_space<semaphore_mem>>)
        %dma_wait3A_853 = arith.constant 0 : i32
        %dma_wait3A_854 = tpu.memref_slice %arg2[%arg1, %mul3A_47, %dma_wait3A_853] : memref<16x250x80xi32, #tpu.memory_space<hbm>> -> memref<1x10x80xi32, #tpu.memory_space<hbm>>
        %dma_wait3A_855 = tpu.memref_squeeze %dma_wait3A_854 : memref<1x10x80xi32, #tpu.memory_space<hbm>> -> memref<10x80xi32, #tpu.memory_space<hbm>>
        %dma_wait3A_856 = arith.constant 0 : i32
        %dma_wait3A_857 = tpu.memref_slice %arg2[%arg1, %mul3A_47, %dma_wait3A_856] : memref<16x250x80xi32, #tpu.memory_space<hbm>> -> memref<1x10x80xi32, #tpu.memory_space<hbm>>
        %dma_wait3A_858 = tpu.memref_squeeze %dma_wait3A_857 : memref<1x10x80xi32, #tpu.memory_space<hbm>> -> memref<10x80xi32, #tpu.memory_space<hbm>>
        tpu.wait_dma2 semaphore(%run_scoped3A_846 : memref<!tpu.dma_semaphore, #tpu.memory_space<semaphore_mem>>) src(%dma_wait3A_858 : memref<10x80xi32, #tpu.memory_space<hbm>>) dst(%arg6 : memref<10x80xi32, #tpu.memory_space<vmem>>)
        tpu.yield
      }) : () -> ()
      %mul3A_48 = arith.constant 10 : i32
      %mul3A_49 = arith.muli %scan3A_45, %mul3A_48 : i32
      "tpu.region"() ({
        %run_scoped3A_846 = tpu.sem_alloc : memref<!tpu.dma_semaphore, #tpu.memory_space<semaphore_mem>>
        %dma_start3A_847 = arith.constant 0 : i32
        %dma_start3A_848 = tpu.memref_slice %arg3[%arg1, %mul3A_49, %dma_start3A_847] : memref<16x250x80xi32, #tpu.memory_space<hbm>> -> memref<1x10x80xi32, #tpu.memory_space<hbm>>
        %dma_start3A_849 = tpu.memref_squeeze %dma_start3A_848 : memref<1x10x80xi32, #tpu.memory_space<hbm>> -> memref<10x80xi32, #tpu.memory_space<hbm>>
        %dma_start3A_850 = arith.constant 0 : i32
        %dma_start3A_851 = tpu.memref_slice %arg3[%arg1, %mul3A_49, %dma_start3A_850] : memref<16x250x80xi32, #tpu.memory_space<hbm>> -> memref<1x10x80xi32, #tpu.memory_space<hbm>>
        %dma_start3A_852 = tpu.memref_squeeze %dma_start3A_851 : memref<1x10x80xi32, #tpu.memory_space<hbm>> -> memref<10x80xi32, #tpu.memory_space<hbm>>
        tpu.enqueue_dma source(%dma_start3A_852 : memref<10x80xi32, #tpu.memory_space<hbm>>) target(%arg7 : memref<10x80xi32, #tpu.memory_space<vmem>>) target_semaphore(%run_scoped3A_846 : memref<!tpu.dma_semaphore, #tpu.memory_space<semaphore_mem>>)
        %dma_wait3A_853 = arith.constant 0 : i32
        %dma_wait3A_854 = tpu.memref_slice %arg3[%arg1, %mul3A_49, %dma_wait3A_853] : memref<16x250x80xi32, #tpu.memory_space<hbm>> -> memref<1x10x80xi32, #tpu.memory_space<hbm>>
        %dma_wait3A_855 = tpu.memref_squeeze %dma_wait3A_854 : memref<1x10x80xi32, #tpu.memory_space<hbm>> -> memref<10x80xi32, #tpu.memory_space<hbm>>
        %dma_wait3A_856 = arith.constant 0 : i32
        %dma_wait3A_857 = tpu.memref_slice %arg3[%arg1, %mul3A_49, %dma_wait3A_856] : memref<16x250x80xi32, #tpu.memory_space<hbm>> -> memref<1x10x80xi32, #tpu.memory_space<hbm>>
        %dma_wait3A_858 = tpu.memref_squeeze %dma_wait3A_857 : memref<1x10x80xi32, #tpu.memory_space<hbm>> -> memref<10x80xi32, #tpu.memory_space<hbm>>
        tpu.wait_dma2 semaphore(%run_scoped3A_846 : memref<!tpu.dma_semaphore, #tpu.memory_space<semaphore_mem>>) src(%dma_wait3A_858 : memref<10x80xi32, #tpu.memory_space<hbm>>) dst(%arg7 : memref<10x80xi32, #tpu.memory_space<vmem>>)
        tpu.yield
      }) : () -> ()
      %get3A = arith.constant 0 : i32
      %get3A_50 = arith.index_cast %get3A : i32 to index
      %get3A_51 = arith.constant 0 : index
      %get3A_52 = tpu.vector_load %arg6[%get3A_50, %get3A_51] {strides = array<i32>} : memref<10x80xi32, #tpu.memory_space<vmem>>, vector<1x16xi32>,
      %get3A_53 = vector.shape_cast %get3A_52 : vector<1x16xi32> to vector<16xi32>
      %add3A_54 = vector.broadcast %mul3A_25 : i32 to vector<16xi32>
      %add3A_55 = arith.addi %get3A_53, %add3A_54 : vector<16xi32>
      %swap3A = arith.constant 0 : i32
      %swap3A_56 = arith.index_cast %swap3A : i32 to index
      %swap3A_57 = arith.constant 0 : index
      %swap3A_58 = tpu.vector_load %arg8[%swap3A_56, %swap3A_57] {strides = array<i32>} : memref<10x80xi32, #tpu.memory_space<vmem>>, vector<1x16xi32>,
      %swap3A_59 = vector.shape_cast %swap3A_58 : vector<1x16xi32> to vector<16xi32>
      %swap3A_60 = vector.shape_cast %add3A_55 : vector<16xi32> to vector<1x16xi32>
      tpu.vector_store %arg8[%swap3A_56, %swap3A_57], %swap3A_60 {strides = array<i32>} : memref<10x80xi32, #tpu.memory_space<vmem>>, vector<1x16xi32>,
      %get3A_61 = arith.constant 0 : i32
      %get3A_62 = arith.index_cast %get3A_61 : i32 to index
      %get3A_63 = arith.constant 16 : index
      %get3A_64 = tpu.vector_load %arg6[%get3A_62, %get3A_63] {strides = array<i32>} : memref<10x80xi32, #tpu.memory_space<vmem>>, vector<1x16xi32>,
      %get3A_65 = vector.shape_cast %get3A_64 : vector<1x16xi32> to vector<16xi32>
      %add3A_66 = vector.broadcast %mul3A_25 : i32 to vector<16xi32>
      %add3A_67 = arith.addi %get3A_65, %add3A_66 : vector<16xi32>
      %swap3A_68 = arith.constant 0 : i32
      %swap3A_69 = arith.index_cast %swap3A_68 : i32 to index
      %swap3A_70 = arith.constant 16 : index
      %swap3A_71 = tpu.vector_load %arg8[%swap3A_69, %swap3A_70] {strides = array<i32>} : memref<10x80xi32, #tpu.memory_space<vmem>>, vector<1x16xi32>,
      %swap3A_72 = vector.shape_cast %swap3A_71 : vector<1x16xi32> to vector<16xi32>
      %swap3A_73 = vector.shape_cast %add3A_67 : vector<16xi32> to vector<1x16xi32>
      tpu.vector_store %arg8[%swap3A_69, %swap3A_70], %swap3A_73 {strides = array<i32>} : memref<10x80xi32, #tpu.memory_space<vmem>>, vector<1x16xi32>,
      %get3A_74 = arith.constant 0 : i32
      %get3A_75 = arith.index_cast %get3A_74 : i32 to index
      %get3A_76 = arith.constant 32 : index
      %get3A_77 = tpu.vector_load %arg6[%get3A_75, %get3A_76] {strides = array<i32>} : memref<10x80xi32, #tpu.memory_space<vmem>>, vector<1x16xi32>,
      %get3A_78 = vector.shape_cast %get3A_77 : vector<1x16xi32> to vector<16xi32>
      %add3A_79 = vector.broadcast %mul3A_25 : i32 to vector<16xi32>
      %add3A_80 = arith.addi %get3A_78, %add3A_79 : vector<16xi32>
      %swap3A_81 = arith.constant 0 : i32
      %swap3A_82 = arith.index_cast %swap3A_81 : i32 to index
      %swap3A_83 = arith.constant 32 : index
      %swap3A_84 = tpu.vector_load %arg8[%swap3A_82, %swap3A_83] {strides = array<i32>} : memref<10x80xi32, #tpu.memory_space<vmem>>, vector<1x16xi32>,
      %swap3A_85 = vector.shape_cast %swap3A_84 : vector<1x16xi32> to vector<16xi32>
      %swap3A_86 = vector.shape_cast %add3A_80 : vector<16xi32> to vector<1x16xi32>
      tpu.vector_store %arg8[%swap3A_82, %swap3A_83], %swap3A_86 {strides = array<i32>} : memref<10x80xi32, #tpu.memory_space<vmem>>, vector<1x16xi32>,
      %get3A_87 = arith.constant 0 : i32
      %get3A_88 = arith.index_cast %get3A_87 : i32 to index
      %get3A_89 = arith.constant 48 : index
      %get3A_90 = tpu.vector_load %arg6[%get3A_88, %get3A_89] {strides = array<i32>} : memref<10x80xi32, #tpu.memory_space<vmem>>, vector<1x16xi32>,
      %get3A_91 = vector.shape_cast %get3A_90 : vector<1x16xi32> to vector<16xi32>
      %add3A_92 = vector.broadcast %mul3A_25 : i32 to vector<16xi32>
      %add3A_93 = arith.addi %get3A_91, %add3A_92 : vector<16xi32>
      %swap3A_94 = arith.constant 0 : i32
      %swap3A_95 = arith.index_cast %swap3A_94 : i32 to index
      %swap3A_96 = arith.constant 48 : index
      %swap3A_97 = tpu.vector_load %arg8[%swap3A_95, %swap3A_96] {strides = array<i32>} : memref<10x80xi32, #tpu.memory_space<vmem>>, vector<1x16xi32>,
      %swap3A_98 = vector.shape_cast %swap3A_97 : vector<1x16xi32> to vector<16xi32>
      %swap3A_99 = vector.shape_cast %add3A_93 : vector<16xi32> to vector<1x16xi32>
      tpu.vector_store %arg8[%swap3A_95, %swap3A_96], %swap3A_99 {strides = array<i32>} : memref<10x80xi32, #tpu.memory_space<vmem>>, vector<1x16xi32>,
      %get3A_100 = arith.constant 0 : i32
      %get3A_101 = arith.index_cast %get3A_100 : i32 to index
      %get3A_102 = arith.constant 64 : index
      %get3A_103 = tpu.vector_load %arg6[%get3A_101, %get3A_102] {strides = array<i32>} : memref<10x80xi32, #tpu.memory_space<vmem>>, vector<1x16xi32>,
      %get3A_104 = vector.shape_cast %get3A_103 : vector<1x16xi32> to vector<16xi32>
      %add3A_105 = vector.broadcast %mul3A_25 : i32 to vector<16xi32>
      %add3A_106 = arith.addi %get3A_104, %add3A_105 : vector<16xi32>
      %swap3A_107 = arith.constant 0 : i32
      %swap3A_108 = arith.index_cast %swap3A_107 : i32 to index
      %swap3A_109 = arith.constant 64 : index
      %swap3A_110 = tpu.vector_load %arg8[%swap3A_108, %swap3A_109] {strides = array<i32>} : memref<10x80xi32, #tpu.memory_space<vmem>>, vector<1x16xi32>,
      %swap3A_111 = vector.shape_cast %swap3A_110 : vector<1x16xi32> to vector<16xi32>
      %swap3A_112 = vector.shape_cast %add3A_106 : vector<16xi32> to vector<1x16xi32>
      tpu.vector_store %arg8[%swap3A_108, %swap3A_109], %swap3A_112 {strides = array<i32>} : memref<10x80xi32, #tpu.memory_space<vmem>>, vector<1x16xi32>,
      %get3A_113 = arith.constant 1 : i32
      %get3A_114 = arith.index_cast %get3A_113 : i32 to index
      %get3A_115 = arith.constant 0 : index
      %get3A_116 = tpu.vector_load %arg6[%get3A_114, %get3A_115] {strides = array<i32>} : memref<10x80xi32, #tpu.memory_space<vmem>>, vector<1x16xi32>,
      %get3A_117 = vector.shape_cast %get3A_116 : vector<1x16xi32> to vector<16xi32>
      %add3A_118 = vector.broadcast %mul3A_25 : i32 to vector<16xi32>
      %add3A_119 = arith.addi %get3A_117, %add3A_118 : vector<16xi32>
      %swap3A_120 = arith.constant 1 : i32
      %swap3A_121 = arith.index_cast %swap3A_120 : i32 to index
      %swap3A_122 = arith.constant 0 : index
      %swap3A_123 = tpu.vector_load %arg8[%swap3A_121, %swap3A_122] {strides = array<i32>} : memref<10x80xi32, #tpu.memory_space<vmem>>, vector<1x16xi32>,
      %swap3A_124 = vector.shape_cast %swap3A_123 : vector<1x16xi32> to vector<16xi32>
      %swap3A_125 = vector.shape_cast %add3A_119 : vector<16xi32> to vector<1x16xi32>
      tpu.vector_store %arg8[%swap3A_121, %swap3A_122], %swap3A_125 {strides = array<i32>} : memref<10x80xi32, #tpu.memory_space<vmem>>, vector<1x16xi32>,
      %get3A_126 = arith.constant 1 : i32
      %get3A_127 = arith.index_cast %get3A_126 : i32 to index
      %get3A_128 = arith.constant 16 : index
      %get3A_129 = tpu.vector_load %arg6[%get3A_127, %get3A_128] {strides = array<i32>} : memref<10x80xi32, #tpu.memory_space<vmem>>, vector<1x16xi32>,
      %get3A_130 = vector.shape_cast %get3A_129 : vector<1x16xi32> to vector<16xi32>
      %add3A_131 = vector.broadcast %mul3A_25 : i32 to vector<16xi32>
      %add3A_132 = arith.addi %get3A_130, %add3A_131 : vector<16xi32>
      %swap3A_133 = arith.constant 1 : i32
      %swap3A_134 = arith.index_cast %swap3A_133 : i32 to index
      %swap3A_135 = arith.constant 16 : index
      %swap3A_136 = tpu.vector_load %arg8[%swap3A_134, %swap3A_135] {strides = array<i32>} : memref<10x80xi32, #tpu.memory_space<vmem>>, vector<1x16xi32>,
      %swap3A_137 = vector.shape_cast %swap3A_136 : vector<1x16xi32> to vector<16xi32>
      %swap3A_138 = vector.shape_cast %add3A_132 : vector<16xi32> to vector<1x16xi32>
      tpu.vector_store %arg8[%swap3A_134, %swap3A_135], %swap3A_138 {strides = array<i32>} : memref<10x80xi32, #tpu.memory_space<vmem>>, vector<1x16xi32>,
      %get3A_139 = arith.constant 1 : i32
      %get3A_140 = arith.index_cast %get3A_139 : i32 to index
      %get3A_141 = arith.constant 32 : index
      %get3A_142 = tpu.vector_load %arg6[%get3A_140, %get3A_141] {strides = array<i32>} : memref<10x80xi32, #tpu.memory_space<vmem>>, vector<1x16xi32>,
      %get3A_143 = vector.shape_cast %get3A_142 : vector<1x16xi32> to vector<16xi32>
      %add3A_144 = vector.broadcast %mul3A_25 : i32 to vector<16xi32>
      %add3A_145 = arith.addi %get3A_143, %add3A_144 : vector<16xi32>
      %swap3A_146 = arith.constant 1 : i32
      %swap3A_147 = arith.index_cast %swap3A_146 : i32 to index
      %swap3A_148 = arith.constant 32 : index
      %swap3A_149 = tpu.vector_load %arg8[%swap3A_147, %swap3A_148] {strides = array<i32>} : memref<10x80xi32, #tpu.memory_space<vmem>>, vector<1x16xi32>,
      %swap3A_150 = vector.shape_cast %swap3A_149 : vector<1x16xi32> to vector<16xi32>
      %swap3A_151 = vector.shape_cast %add3A_145 : vector<16xi32> to vector<1x16xi32>
      tpu.vector_store %arg8[%swap3A_147, %swap3A_148], %swap3A_151 {strides = array<i32>} : memref<10x80xi32, #tpu.memory_space<vmem>>, vector<1x16xi32>,
      %get3A_152 = arith.constant 1 : i32
      %get3A_153 = arith.index_cast %get3A_152 : i32 to index
      %get3A_154 = arith.constant 48 : index
      %get3A_155 = tpu.vector_load %arg6[%get3A_153, %get3A_154] {strides = array<i32>} : memref<10x80xi32, #tpu.memory_space<vmem>>, vector<1x16xi32>,
      %get3A_156 = vector.shape_cast %get3A_155 : vector<1x16xi32> to vector<16xi32>
      %add3A_157 = vector.broadcast %mul3A_25 : i32 to vector<16xi32>
      %add3A_158 = arith.addi %get3A_156, %add3A_157 : vector<16xi32>
      %swap3A_159 = arith.constant 1 : i32
      %swap3A_160 = arith.index_cast %swap3A_159 : i32 to index
      %swap3A_161 = arith.constant 48 : index
      %swap3A_162 = tpu.vector_load %arg8[%swap3A_160, %swap3A_161] {strides = array<i32>} : memref<10x80xi32, #tpu.memory_space<vmem>>, vector<1x16xi32>,
      %swap3A_163 = vector.shape_cast %swap3A_162 : vector<1x16xi32> to vector<16xi32>
      %swap3A_164 = vector.shape_cast %add3A_158 : vector<16xi32> to vector<1x16xi32>
      tpu.vector_store %arg8[%swap3A_160, %swap3A_161], %swap3A_164 {strides = array<i32>} : memref<10x80xi32, #tpu.memory_space<vmem>>, vector<1x16xi32>,
      %get3A_165 = arith.constant 1 : i32
      %get3A_166 = arith.index_cast %get3A_165 : i32 to index
      %get3A_167 = arith.constant 64 : index
      %get3A_168 = tpu.vector_load %arg6[%get3A_166, %get3A_167] {strides = array<i32>} : memref<10x80xi32, #tpu.memory_space<vmem>>, vector<1x16xi32>,
      %get3A_169 = vector.shape_cast %get3A_168 : vector<1x16xi32> to vector<16xi32>
      %add3A_170 = vector.broadcast %mul3A_25 : i32 to vector<16xi32>
      %add3A_171 = arith.addi %get3A_169, %add3A_170 : vector<16xi32>
      %swap3A_172 = arith.constant 1 : i32
      %swap3A_173 = arith.index_cast %swap3A_172 : i32 to index
      %swap3A_174 = arith.constant 64 : index
      %swap3A_175 = tpu.vector_load %arg8[%swap3A_173, %swap3A_174] {strides = array<i32>} : memref<10x80xi32, #tpu.memory_space<vmem>>, vector<1x16xi32>,
      %swap3A_176 = vector.shape_cast %swap3A_175 : vector<1x16xi32> to vector<16xi32>
      %swap3A_177 = vector.shape_cast %add3A_171 : vector<16xi32> to vector<1x16xi32>
      tpu.vector_store %arg8[%swap3A_173, %swap3A_174], %swap3A_177 {strides = array<i32>} : memref<10x80xi32, #tpu.memory_space<vmem>>, vector<1x16xi32>,
      %get3A_178 = arith.constant 2 : i32
      %get3A_179 = arith.index_cast %get3A_178 : i32 to index
      %get3A_180 = arith.constant 0 : index
      %get3A_181 = tpu.vector_load %arg6[%get3A_179, %get3A_180] {strides = array<i32>} : memref<10x80xi32, #tpu.memory_space<vmem>>, vector<1x16xi32>,
      %get3A_182 = vector.shape_cast %get3A_181 : vector<1x16xi32> to vector<16xi32>
      %add3A_183 = vector.broadcast %mul3A_25 : i32 to vector<16xi32>
      %add3A_184 = arith.addi %get3A_182, %add3A_183 : vector<16xi32>
      %swap3A_185 = arith.constant 2 : i32
      %swap3A_186 = arith.index_cast %swap3A_185 : i32 to index
      %swap3A_187 = arith.constant 0 : index
      %swap3A_188 = tpu.vector_load %arg8[%swap3A_186, %swap3A_187] {strides = array<i32>} : memref<10x80xi32, #tpu.memory_space<vmem>>, vector<1x16xi32>,
      %swap3A_189 = vector.shape_cast %swap3A_188 : vector<1x16xi32> to vector<16xi32>
      %swap3A_190 = vector.shape_cast %add3A_184 : vector<16xi32> to vector<1x16xi32>
      tpu.vector_store %arg8[%swap3A_186, %swap3A_187], %swap3A_190 {strides = array<i32>} : memref<10x80xi32, #tpu.memory_space<vmem>>, vector<1x16xi32>,
      %get3A_191 = arith.constant 2 : i32
      %get3A_192 = arith.index_cast %get3A_191 : i32 to index
      %get3A_193 = arith.constant 16 : index
      %get3A_194 = tpu.vector_load %arg6[%get3A_192, %get3A_193] {strides = array<i32>} : memref<10x80xi32, #tpu.memory_space<vmem>>, vector<1x16xi32>,
      %get3A_195 = vector.shape_cast %get3A_194 : vector<1x16xi32> to vector<16xi32>
      %add3A_196 = vector.broadcast %mul3A_25 : i32 to vector<16xi32>
      %add3A_197 = arith.addi %get3A_195, %add3A_196 : vector<16xi32>
      %swap3A_198 = arith.constant 2 : i32
      %swap3A_199 = arith.index_cast %swap3A_198 : i32 to index
      %swap3A_200 = arith.constant 16 : index
      %swap3A_201 = tpu.vector_load %arg8[%swap3A_199, %swap3A_200] {strides = array<i32>} : memref<10x80xi32, #tpu.memory_space<vmem>>, vector<1x16xi32>,
      %swap3A_202 = vector.shape_cast %swap3A_201 : vector<1x16xi32> to vector<16xi32>
      %swap3A_203 = vector.shape_cast %add3A_197 : vector<16xi32> to vector<1x16xi32>
      tpu.vector_store %arg8[%swap3A_199, %swap3A_200], %swap3A_203 {strides = array<i32>} : memref<10x80xi32, #tpu.memory_space<vmem>>, vector<1x16xi32>,
      %get3A_204 = arith.constant 2 : i32
      %get3A_205 = arith.index_cast %get3A_204 : i32 to index
      %get3A_206 = arith.constant 32 : index
      %get3A_207 = tpu.vector_load %arg6[%get3A_205, %get3A_206] {strides = array<i32>} : memref<10x80xi32, #tpu.memory_space<vmem>>, vector<1x16xi32>,
      %get3A_208 = vector.shape_cast %get3A_207 : vector<1x16xi32> to vector<16xi32>
      %add3A_209 = vector.broadcast %mul3A_25 : i32 to vector<16xi32>
      %add3A_210 = arith.addi %get3A_208, %add3A_209 : vector<16xi32>
      %swap3A_211 = arith.constant 2 : i32
      %swap3A_212 = arith.index_cast %swap3A_211 : i32 to index
      %swap3A_213 = arith.constant 32 : index
      %swap3A_214 = tpu.vector_load %arg8[%swap3A_212, %swap3A_213] {strides = array<i32>} : memref<10x80xi32, #tpu.memory_space<vmem>>, vector<1x16xi32>,
      %swap3A_215 = vector.shape_cast %swap3A_214 : vector<1x16xi32> to vector<16xi32>
      %swap3A_216 = vector.shape_cast %add3A_210 : vector<16xi32> to vector<1x16xi32>
      tpu.vector_store %arg8[%swap3A_212, %swap3A_213], %swap3A_216 {strides = array<i32>} : memref<10x80xi32, #tpu.memory_space<vmem>>, vector<1x16xi32>,
      %get3A_217 = arith.constant 2 : i32
      %get3A_218 = arith.index_cast %get3A_217 : i32 to index
      %get3A_219 = arith.constant 48 : index
      %get3A_220 = tpu.vector_load %arg6[%get3A_218, %get3A_219] {strides = array<i32>} : memref<10x80xi32, #tpu.memory_space<vmem>>, vector<1x16xi32>,
      %get3A_221 = vector.shape_cast %get3A_220 : vector<1x16xi32> to vector<16xi32>
      %add3A_222 = vector.broadcast %mul3A_25 : i32 to vector<16xi32>
      %add3A_223 = arith.addi %get3A_221, %add3A_222 : vector<16xi32>
      %swap3A_224 = arith.constant 2 : i32
      %swap3A_225 = arith.index_cast %swap3A_224 : i32 to index
      %swap3A_226 = arith.constant 48 : index
      %swap3A_227 = tpu.vector_load %arg8[%swap3A_225, %swap3A_226] {strides = array<i32>} : memref<10x80xi32, #tpu.memory_space<vmem>>, vector<1x16xi32>,
      %swap3A_228 = vector.shape_cast %swap3A_227 : vector<1x16xi32> to vector<16xi32>
      %swap3A_229 = vector.shape_cast %add3A_223 : vector<16xi32> to vector<1x16xi32>
      tpu.vector_store %arg8[%swap3A_225, %swap3A_226], %swap3A_229 {strides = array<i32>} : memref<10x80xi32, #tpu.memory_space<vmem>>, vector<1x16xi32>,
      %get3A_230 = arith.constant 2 : i32
      %get3A_231 = arith.index_cast %get3A_230 : i32 to index
      %get3A_232 = arith.constant 64 : index
      %get3A_233 = tpu.vector_load %arg6[%get3A_231, %get3A_232] {strides = array<i32>} : memref<10x80xi32, #tpu.memory_space<vmem>>, vector<1x16xi32>,
      %get3A_234 = vector.shape_cast %get3A_233 : vector<1x16xi32> to vector<16xi32>
      %add3A_235 = vector.broadcast %mul3A_25 : i32 to vector<16xi32>
      %add3A_236 = arith.addi %get3A_234, %add3A_235 : vector<16xi32>
      %swap3A_237 = arith.constant 2 : i32
      %swap3A_238 = arith.index_cast %swap3A_237 : i32 to index
      %swap3A_239 = arith.constant 64 : index
      %swap3A_240 = tpu.vector_load %arg8[%swap3A_238, %swap3A_239] {strides = array<i32>} : memref<10x80xi32, #tpu.memory_space<vmem>>, vector<1x16xi32>,
      %swap3A_241 = vector.shape_cast %swap3A_240 : vector<1x16xi32> to vector<16xi32>
      %swap3A_242 = vector.shape_cast %add3A_236 : vector<16xi32> to vector<1x16xi32>
      tpu.vector_store %arg8[%swap3A_238, %swap3A_239], %swap3A_242 {strides = array<i32>} : memref<10x80xi32, #tpu.memory_space<vmem>>, vector<1x16xi32>,
      %get3A_243 = arith.constant 3 : i32
      %get3A_244 = arith.index_cast %get3A_243 : i32 to index
      %get3A_245 = arith.constant 0 : index
      %get3A_246 = tpu.vector_load %arg6[%get3A_244, %get3A_245] {strides = array<i32>} : memref<10x80xi32, #tpu.memory_space<vmem>>, vector<1x16xi32>,
      %get3A_247 = vector.shape_cast %get3A_246 : vector<1x16xi32> to vector<16xi32>
      %add3A_248 = vector.broadcast %mul3A_25 : i32 to vector<16xi32>
      %add3A_249 = arith.addi %get3A_247, %add3A_248 : vector<16xi32>
      %swap3A_250 = arith.constant 3 : i32
      %swap3A_251 = arith.index_cast %swap3A_250 : i32 to index
      %swap3A_252 = arith.constant 0 : index
      %swap3A_253 = tpu.vector_load %arg8[%swap3A_251, %swap3A_252] {strides = array<i32>} : memref<10x80xi32, #tpu.memory_space<vmem>>, vector<1x16xi32>,
      %swap3A_254 = vector.shape_cast %swap3A_253 : vector<1x16xi32> to vector<16xi32>
      %swap3A_255 = vector.shape_cast %add3A_249 : vector<16xi32> to vector<1x16xi32>
      tpu.vector_store %arg8[%swap3A_251, %swap3A_252], %swap3A_255 {strides = array<i32>} : memref<10x80xi32, #tpu.memory_space<vmem>>, vector<1x16xi32>,
      %get3A_256 = arith.constant 3 : i32
      %get3A_257 = arith.index_cast %get3A_256 : i32 to index
      %get3A_258 = arith.constant 16 : index
      %get3A_259 = tpu.vector_load %arg6[%get3A_257, %get3A_258] {strides = array<i32>} : memref<10x80xi32, #tpu.memory_space<vmem>>, vector<1x16xi32>,
      %get3A_260 = vector.shape_cast %get3A_259 : vector<1x16xi32> to vector<16xi32>
      %add3A_261 = vector.broadcast %mul3A_25 : i32 to vector<16xi32>
      %add3A_262 = arith.addi %get3A_260, %add3A_261 : vector<16xi32>
      %swap3A_263 = arith.constant 3 : i32
      %swap3A_264 = arith.index_cast %swap3A_263 : i32 to index
      %swap3A_265 = arith.constant 16 : index
      %swap3A_266 = tpu.vector_load %arg8[%swap3A_264, %swap3A_265] {strides = array<i32>} : memref<10x80xi32, #tpu.memory_space<vmem>>, vector<1x16xi32>,
      %swap3A_267 = vector.shape_cast %swap3A_266 : vector<1x16xi32> to vector<16xi32>
      %swap3A_268 = vector.shape_cast %add3A_262 : vector<16xi32> to vector<1x16xi32>
      tpu.vector_store %arg8[%swap3A_264, %swap3A_265], %swap3A_268 {strides = array<i32>} : memref<10x80xi32, #tpu.memory_space<vmem>>, vector<1x16xi32>,
      %get3A_269 = arith.constant 3 : i32
      %get3A_270 = arith.index_cast %get3A_269 : i32 to index
      %get3A_271 = arith.constant 32 : index
      %get3A_272 = tpu.vector_load %arg6[%get3A_270, %get3A_271] {strides = array<i32>} : memref<10x80xi32, #tpu.memory_space<vmem>>, vector<1x16xi32>,
      %get3A_273 = vector.shape_cast %get3A_272 : vector<1x16xi32> to vector<16xi32>
      %add3A_274 = vector.broadcast %mul3A_25 : i32 to vector<16xi32>
      %add3A_275 = arith.addi %get3A_273, %add3A_274 : vector<16xi32>
      %swap3A_276 = arith.constant 3 : i32
      %swap3A_277 = arith.index_cast %swap3A_276 : i32 to index
      %swap3A_278 = arith.constant 32 : index
      %swap3A_279 = tpu.vector_load %arg8[%swap3A_277, %swap3A_278] {strides = array<i32>} : memref<10x80xi32, #tpu.memory_space<vmem>>, vector<1x16xi32>,
      %swap3A_280 = vector.shape_cast %swap3A_279 : vector<1x16xi32> to vector<16xi32>
      %swap3A_281 = vector.shape_cast %add3A_275 : vector<16xi32> to vector<1x16xi32>
      tpu.vector_store %arg8[%swap3A_277, %swap3A_278], %swap3A_281 {strides = array<i32>} : memref<10x80xi32, #tpu.memory_space<vmem>>, vector<1x16xi32>,
      %get3A_282 = arith.constant 3 : i32
      %get3A_283 = arith.index_cast %get3A_282 : i32 to index
      %get3A_284 = arith.constant 48 : index
      %get3A_285 = tpu.vector_load %arg6[%get3A_283, %get3A_284] {strides = array<i32>} : memref<10x80xi32, #tpu.memory_space<vmem>>, vector<1x16xi32>,
      %get3A_286 = vector.shape_cast %get3A_285 : vector<1x16xi32> to vector<16xi32>
      %add3A_287 = vector.broadcast %mul3A_25 : i32 to vector<16xi32>
      %add3A_288 = arith.addi %get3A_286, %add3A_287 : vector<16xi32>
      %swap3A_289 = arith.constant 3 : i32
      %swap3A_290 = arith.index_cast %swap3A_289 : i32 to index
      %swap3A_291 = arith.constant 48 : index
      %swap3A_292 = tpu.vector_load %arg8[%swap3A_290, %swap3A_291] {strides = array<i32>} : memref<10x80xi32, #tpu.memory_space<vmem>>, vector<1x16xi32>,
      %swap3A_293 = vector.shape_cast %swap3A_292 : vector<1x16xi32> to vector<16xi32>
      %swap3A_294 = vector.shape_cast %add3A_288 : vector<16xi32> to vector<1x16xi32>
      tpu.vector_store %arg8[%swap3A_290, %swap3A_291], %swap3A_294 {strides = array<i32>} : memref<10x80xi32, #tpu.memory_space<vmem>>, vector<1x16xi32>,
      %get3A_295 = arith.constant 3 : i32
      %get3A_296 = arith.index_cast %get3A_295 : i32 to index
      %get3A_297 = arith.constant 64 : index
      %get3A_298 = tpu.vector_load %arg6[%get3A_296, %get3A_297] {strides = array<i32>} : memref<10x80xi32, #tpu.memory_space<vmem>>, vector<1x16xi32>,
      %get3A_299 = vector.shape_cast %get3A_298 : vector<1x16xi32> to vector<16xi32>
      %add3A_300 = vector.broadcast %mul3A_25 : i32 to vector<16xi32>
      %add3A_301 = arith.addi %get3A_299, %add3A_300 : vector<16xi32>
      %swap3A_302 = arith.constant 3 : i32
      %swap3A_303 = arith.index_cast %swap3A_302 : i32 to index
      %swap3A_304 = arith.constant 64 : index
      %swap3A_305 = tpu.vector_load %arg8[%swap3A_303, %swap3A_304] {strides = array<i32>} : memref<10x80xi32, #tpu.memory_space<vmem>>, vector<1x16xi32>,
      %swap3A_306 = vector.shape_cast %swap3A_305 : vector<1x16xi32> to vector<16xi32>
      %swap3A_307 = vector.shape_cast %add3A_301 : vector<16xi32> to vector<1x16xi32>
      tpu.vector_store %arg8[%swap3A_303, %swap3A_304], %swap3A_307 {strides = array<i32>} : memref<10x80xi32, #tpu.memory_space<vmem>>, vector<1x16xi32>,
      %get3A_308 = arith.constant 4 : i32
      %get3A_309 = arith.index_cast %get3A_308 : i32 to index
      %get3A_310 = arith.constant 0 : index
      %get3A_311 = tpu.vector_load %arg6[%get3A_309, %get3A_310] {strides = array<i32>} : memref<10x80xi32, #tpu.memory_space<vmem>>, vector<1x16xi32>,
      %get3A_312 = vector.shape_cast %get3A_311 : vector<1x16xi32> to vector<16xi32>
      %add3A_313 = vector.broadcast %mul3A_25 : i32 to vector<16xi32>
      %add3A_314 = arith.addi %get3A_312, %add3A_313 : vector<16xi32>
      %swap3A_315 = arith.constant 4 : i32
      %swap3A_316 = arith.index_cast %swap3A_315 : i32 to index
      %swap3A_317 = arith.constant 0 : index
      %swap3A_318 = tpu.vector_load %arg8[%swap3A_316, %swap3A_317] {strides = array<i32>} : memref<10x80xi32, #tpu.memory_space<vmem>>, vector<1x16xi32>,
      %swap3A_319 = vector.shape_cast %swap3A_318 : vector<1x16xi32> to vector<16xi32>
      %swap3A_320 = vector.shape_cast %add3A_314 : vector<16xi32> to vector<1x16xi32>
      tpu.vector_store %arg8[%swap3A_316, %swap3A_317], %swap3A_320 {strides = array<i32>} : memref<10x80xi32, #tpu.memory_space<vmem>>, vector<1x16xi32>,
      %get3A_321 = arith.constant 4 : i32
      %get3A_322 = arith.index_cast %get3A_321 : i32 to index
      %get3A_323 = arith.constant 16 : index
      %get3A_324 = tpu.vector_load %arg6[%get3A_322, %get3A_323] {strides = array<i32>} : memref<10x80xi32, #tpu.memory_space<vmem>>, vector<1x16xi32>,
      %get3A_325 = vector.shape_cast %get3A_324 : vector<1x16xi32> to vector<16xi32>
      %add3A_326 = vector.broadcast %mul3A_25 : i32 to vector<16xi32>
      %add3A_327 = arith.addi %get3A_325, %add3A_326 : vector<16xi32>
      %swap3A_328 = arith.constant 4 : i32
      %swap3A_329 = arith.index_cast %swap3A_328 : i32 to index
      %swap3A_330 = arith.constant 16 : index
      %swap3A_331 = tpu.vector_load %arg8[%swap3A_329, %swap3A_330] {strides = array<i32>} : memref<10x80xi32, #tpu.memory_space<vmem>>, vector<1x16xi32>,
      %swap3A_332 = vector.shape_cast %swap3A_331 : vector<1x16xi32> to vector<16xi32>
      %swap3A_333 = vector.shape_cast %add3A_327 : vector<16xi32> to vector<1x16xi32>
      tpu.vector_store %arg8[%swap3A_329, %swap3A_330], %swap3A_333 {strides = array<i32>} : memref<10x80xi32, #tpu.memory_space<vmem>>, vector<1x16xi32>,
      %get3A_334 = arith.constant 4 : i32
      %get3A_335 = arith.index_cast %get3A_334 : i32 to index
      %get3A_336 = arith.constant 32 : index
      %get3A_337 = tpu.vector_load %arg6[%get3A_335, %get3A_336] {strides = array<i32>} : memref<10x80xi32, #tpu.memory_space<vmem>>, vector<1x16xi32>,
      %get3A_338 = vector.shape_cast %get3A_337 : vector<1x16xi32> to vector<16xi32>
      %add3A_339 = vector.broadcast %mul3A_25 : i32 to vector<16xi32>
      %add3A_340 = arith.addi %get3A_338, %add3A_339 : vector<16xi32>
      %swap3A_341 = arith.constant 4 : i32
      %swap3A_342 = arith.index_cast %swap3A_341 : i32 to index
      %swap3A_343 = arith.constant 32 : index
      %swap3A_344 = tpu.vector_load %arg8[%swap3A_342, %swap3A_343] {strides = array<i32>} : memref<10x80xi32, #tpu.memory_space<vmem>>, vector<1x16xi32>,
      %swap3A_345 = vector.shape_cast %swap3A_344 : vector<1x16xi32> to vector<16xi32>
      %swap3A_346 = vector.shape_cast %add3A_340 : vector<16xi32> to vector<1x16xi32>
      tpu.vector_store %arg8[%swap3A_342, %swap3A_343], %swap3A_346 {strides = array<i32>} : memref<10x80xi32, #tpu.memory_space<vmem>>, vector<1x16xi32>,
      %get3A_347 = arith.constant 4 : i32
      %get3A_348 = arith.index_cast %get3A_347 : i32 to index
      %get3A_349 = arith.constant 48 : index
      %get3A_350 = tpu.vector_load %arg6[%get3A_348, %get3A_349] {strides = array<i32>} : memref<10x80xi32, #tpu.memory_space<vmem>>, vector<1x16xi32>,
      %get3A_351 = vector.shape_cast %get3A_350 : vector<1x16xi32> to vector<16xi32>
      %add3A_352 = vector.broadcast %mul3A_25 : i32 to vector<16xi32>
      %add3A_353 = arith.addi %get3A_351, %add3A_352 : vector<16xi32>
      %swap3A_354 = arith.constant 4 : i32
      %swap3A_355 = arith.index_cast %swap3A_354 : i32 to index
      %swap3A_356 = arith.constant 48 : index
      %swap3A_357 = tpu.vector_load %arg8[%swap3A_355, %swap3A_356] {strides = array<i32>} : memref<10x80xi32, #tpu.memory_space<vmem>>, vector<1x16xi32>,
      %swap3A_358 = vector.shape_cast %swap3A_357 : vector<1x16xi32> to vector<16xi32>
      %swap3A_359 = vector.shape_cast %add3A_353 : vector<16xi32> to vector<1x16xi32>
      tpu.vector_store %arg8[%swap3A_355, %swap3A_356], %swap3A_359 {strides = array<i32>} : memref<10x80xi32, #tpu.memory_space<vmem>>, vector<1x16xi32>,
      %get3A_360 = arith.constant 4 : i32
      %get3A_361 = arith.index_cast %get3A_360 : i32 to index
      %get3A_362 = arith.constant 64 : index
      %get3A_363 = tpu.vector_load %arg6[%get3A_361, %get3A_362] {strides = array<i32>} : memref<10x80xi32, #tpu.memory_space<vmem>>, vector<1x16xi32>,
      %get3A_364 = vector.shape_cast %get3A_363 : vector<1x16xi32> to vector<16xi32>
      %add3A_365 = vector.broadcast %mul3A_25 : i32 to vector<16xi32>
      %add3A_366 = arith.addi %get3A_364, %add3A_365 : vector<16xi32>
      %swap3A_367 = arith.constant 4 : i32
      %swap3A_368 = arith.index_cast %swap3A_367 : i32 to index
      %swap3A_369 = arith.constant 64 : index
      %swap3A_370 = tpu.vector_load %arg8[%swap3A_368, %swap3A_369] {strides = array<i32>} : memref<10x80xi32, #tpu.memory_space<vmem>>, vector<1x16xi32>,
      %swap3A_371 = vector.shape_cast %swap3A_370 : vector<1x16xi32> to vector<16xi32>
      %swap3A_372 = vector.shape_cast %add3A_366 : vector<16xi32> to vector<1x16xi32>
      tpu.vector_store %arg8[%swap3A_368, %swap3A_369], %swap3A_372 {strides = array<i32>} : memref<10x80xi32, #tpu.memory_space<vmem>>, vector<1x16xi32>,
      %get3A_373 = arith.constant 5 : i32
      %get3A_374 = arith.index_cast %get3A_373 : i32 to index
      %get3A_375 = arith.constant 0 : index
      %get3A_376 = tpu.vector_load %arg6[%get3A_374, %get3A_375] {strides = array<i32>} : memref<10x80xi32, #tpu.memory_space<vmem>>, vector<1x16xi32>,
      %get3A_377 = vector.shape_cast %get3A_376 : vector<1x16xi32> to vector<16xi32>
      %add3A_378 = vector.broadcast %mul3A_25 : i32 to vector<16xi32>
      %add3A_379 = arith.addi %get3A_377, %add3A_378 : vector<16xi32>
      %swap3A_380 = arith.constant 5 : i32
      %swap3A_381 = arith.index_cast %swap3A_380 : i32 to index
      %swap3A_382 = arith.constant 0 : index
      %swap3A_383 = tpu.vector_load %arg8[%swap3A_381, %swap3A_382] {strides = array<i32>} : memref<10x80xi32, #tpu.memory_space<vmem>>, vector<1x16xi32>,
      %swap3A_384 = vector.shape_cast %swap3A_383 : vector<1x16xi32> to vector<16xi32>
      %swap3A_385 = vector.shape_cast %add3A_379 : vector<16xi32> to vector<1x16xi32>
      tpu.vector_store %arg8[%swap3A_381, %swap3A_382], %swap3A_385 {strides = array<i32>} : memref<10x80xi32, #tpu.memory_space<vmem>>, vector<1x16xi32>,
      %get3A_386 = arith.constant 5 : i32
      %get3A_387 = arith.index_cast %get3A_386 : i32 to index
      %get3A_388 = arith.constant 16 : index
      %get3A_389 = tpu.vector_load %arg6[%get3A_387, %get3A_388] {strides = array<i32>} : memref<10x80xi32, #tpu.memory_space<vmem>>, vector<1x16xi32>,
      %get3A_390 = vector.shape_cast %get3A_389 : vector<1x16xi32> to vector<16xi32>
      %add3A_391 = vector.broadcast %mul3A_25 : i32 to vector<16xi32>
      %add3A_392 = arith.addi %get3A_390, %add3A_391 : vector<16xi32>
      %swap3A_393 = arith.constant 5 : i32
      %swap3A_394 = arith.index_cast %swap3A_393 : i32 to index
      %swap3A_395 = arith.constant 16 : index
      %swap3A_396 = tpu.vector_load %arg8[%swap3A_394, %swap3A_395] {strides = array<i32>} : memref<10x80xi32, #tpu.memory_space<vmem>>, vector<1x16xi32>,
      %swap3A_397 = vector.shape_cast %swap3A_396 : vector<1x16xi32> to vector<16xi32>
      %swap3A_398 = vector.shape_cast %add3A_392 : vector<16xi32> to vector<1x16xi32>
      tpu.vector_store %arg8[%swap3A_394, %swap3A_395], %swap3A_398 {strides = array<i32>} : memref<10x80xi32, #tpu.memory_space<vmem>>, vector<1x16xi32>,
      %get3A_399 = arith.constant 5 : i32
      %get3A_400 = arith.index_cast %get3A_399 : i32 to index
      %get3A_401 = arith.constant 32 : index
      %get3A_402 = tpu.vector_load %arg6[%get3A_400, %get3A_401] {strides = array<i32>} : memref<10x80xi32, #tpu.memory_space<vmem>>, vector<1x16xi32>,
      %get3A_403 = vector.shape_cast %get3A_402 : vector<1x16xi32> to vector<16xi32>
      %add3A_404 = vector.broadcast %mul3A_25 : i32 to vector<16xi32>
      %add3A_405 = arith.addi %get3A_403, %add3A_404 : vector<16xi32>
      %swap3A_406 = arith.constant 5 : i32
      %swap3A_407 = arith.index_cast %swap3A_406 : i32 to index
      %swap3A_408 = arith.constant 32 : index
      %swap3A_409 = tpu.vector_load %arg8[%swap3A_407, %swap3A_408] {strides = array<i32>} : memref<10x80xi32, #tpu.memory_space<vmem>>, vector<1x16xi32>,
      %swap3A_410 = vector.shape_cast %swap3A_409 : vector<1x16xi32> to vector<16xi32>
      %swap3A_411 = vector.shape_cast %add3A_405 : vector<16xi32> to vector<1x16xi32>
      tpu.vector_store %arg8[%swap3A_407, %swap3A_408], %swap3A_411 {strides = array<i32>} : memref<10x80xi32, #tpu.memory_space<vmem>>, vector<1x16xi32>,
      %get3A_412 = arith.constant 5 : i32
      %get3A_413 = arith.index_cast %get3A_412 : i32 to index
      %get3A_414 = arith.constant 48 : index
      %get3A_415 = tpu.vector_load %arg6[%get3A_413, %get3A_414] {strides = array<i32>} : memref<10x80xi32, #tpu.memory_space<vmem>>, vector<1x16xi32>,
      %get3A_416 = vector.shape_cast %get3A_415 : vector<1x16xi32> to vector<16xi32>
      %add3A_417 = vector.broadcast %mul3A_25 : i32 to vector<16xi32>
      %add3A_418 = arith.addi %get3A_416, %add3A_417 : vector<16xi32>
      %swap3A_419 = arith.constant 5 : i32
      %swap3A_420 = arith.index_cast %swap3A_419 : i32 to index
      %swap3A_421 = arith.constant 48 : index
      %swap3A_422 = tpu.vector_load %arg8[%swap3A_420, %swap3A_421] {strides = array<i32>} : memref<10x80xi32, #tpu.memory_space<vmem>>, vector<1x16xi32>,
      %swap3A_423 = vector.shape_cast %swap3A_422 : vector<1x16xi32> to vector<16xi32>
      %swap3A_424 = vector.shape_cast %add3A_418 : vector<16xi32> to vector<1x16xi32>
      tpu.vector_store %arg8[%swap3A_420, %swap3A_421], %swap3A_424 {strides = array<i32>} : memref<10x80xi32, #tpu.memory_space<vmem>>, vector<1x16xi32>,
      %get3A_425 = arith.constant 5 : i32
      %get3A_426 = arith.index_cast %get3A_425 : i32 to index
      %get3A_427 = arith.constant 64 : index
      %get3A_428 = tpu.vector_load %arg6[%get3A_426, %get3A_427] {strides = array<i32>} : memref<10x80xi32, #tpu.memory_space<vmem>>, vector<1x16xi32>,
      %get3A_429 = vector.shape_cast %get3A_428 : vector<1x16xi32> to vector<16xi32>
      %add3A_430 = vector.broadcast %mul3A_25 : i32 to vector<16xi32>
      %add3A_431 = arith.addi %get3A_429, %add3A_430 : vector<16xi32>
      %swap3A_432 = arith.constant 5 : i32
      %swap3A_433 = arith.index_cast %swap3A_432 : i32 to index
      %swap3A_434 = arith.constant 64 : index
      %swap3A_435 = tpu.vector_load %arg8[%swap3A_433, %swap3A_434] {strides = array<i32>} : memref<10x80xi32, #tpu.memory_space<vmem>>, vector<1x16xi32>,
      %swap3A_436 = vector.shape_cast %swap3A_435 : vector<1x16xi32> to vector<16xi32>
      %swap3A_437 = vector.shape_cast %add3A_431 : vector<16xi32> to vector<1x16xi32>
      tpu.vector_store %arg8[%swap3A_433, %swap3A_434], %swap3A_437 {strides = array<i32>} : memref<10x80xi32, #tpu.memory_space<vmem>>, vector<1x16xi32>,
      %get3A_438 = arith.constant 6 : i32
      %get3A_439 = arith.index_cast %get3A_438 : i32 to index
      %get3A_440 = arith.constant 0 : index
      %get3A_441 = tpu.vector_load %arg6[%get3A_439, %get3A_440] {strides = array<i32>} : memref<10x80xi32, #tpu.memory_space<vmem>>, vector<1x16xi32>,
      %get3A_442 = vector.shape_cast %get3A_441 : vector<1x16xi32> to vector<16xi32>
      %add3A_443 = vector.broadcast %mul3A_25 : i32 to vector<16xi32>
      %add3A_444 = arith.addi %get3A_442, %add3A_443 : vector<16xi32>
      %swap3A_445 = arith.constant 6 : i32
      %swap3A_446 = arith.index_cast %swap3A_445 : i32 to index
      %swap3A_447 = arith.constant 0 : index
      %swap3A_448 = tpu.vector_load %arg8[%swap3A_446, %swap3A_447] {strides = array<i32>} : memref<10x80xi32, #tpu.memory_space<vmem>>, vector<1x16xi32>,
      %swap3A_449 = vector.shape_cast %swap3A_448 : vector<1x16xi32> to vector<16xi32>
      %swap3A_450 = vector.shape_cast %add3A_444 : vector<16xi32> to vector<1x16xi32>
      tpu.vector_store %arg8[%swap3A_446, %swap3A_447], %swap3A_450 {strides = array<i32>} : memref<10x80xi32, #tpu.memory_space<vmem>>, vector<1x16xi32>,
      %get3A_451 = arith.constant 6 : i32
      %get3A_452 = arith.index_cast %get3A_451 : i32 to index
      %get3A_453 = arith.constant 16 : index
      %get3A_454 = tpu.vector_load %arg6[%get3A_452, %get3A_453] {strides = array<i32>} : memref<10x80xi32, #tpu.memory_space<vmem>>, vector<1x16xi32>,
      %get3A_455 = vector.shape_cast %get3A_454 : vector<1x16xi32> to vector<16xi32>
      %add3A_456 = vector.broadcast %mul3A_25 : i32 to vector<16xi32>
      %add3A_457 = arith.addi %get3A_455, %add3A_456 : vector<16xi32>
      %swap3A_458 = arith.constant 6 : i32
      %swap3A_459 = arith.index_cast %swap3A_458 : i32 to index
      %swap3A_460 = arith.constant 16 : index
      %swap3A_461 = tpu.vector_load %arg8[%swap3A_459, %swap3A_460] {strides = array<i32>} : memref<10x80xi32, #tpu.memory_space<vmem>>, vector<1x16xi32>,
      %swap3A_462 = vector.shape_cast %swap3A_461 : vector<1x16xi32> to vector<16xi32>
      %swap3A_463 = vector.shape_cast %add3A_457 : vector<16xi32> to vector<1x16xi32>
      tpu.vector_store %arg8[%swap3A_459, %swap3A_460], %swap3A_463 {strides = array<i32>} : memref<10x80xi32, #tpu.memory_space<vmem>>, vector<1x16xi32>,
      %get3A_464 = arith.constant 6 : i32
      %get3A_465 = arith.index_cast %get3A_464 : i32 to index
      %get3A_466 = arith.constant 32 : index
      %get3A_467 = tpu.vector_load %arg6[%get3A_465, %get3A_466] {strides = array<i32>} : memref<10x80xi32, #tpu.memory_space<vmem>>, vector<1x16xi32>,
      %get3A_468 = vector.shape_cast %get3A_467 : vector<1x16xi32> to vector<16xi32>
      %add3A_469 = vector.broadcast %mul3A_25 : i32 to vector<16xi32>
      %add3A_470 = arith.addi %get3A_468, %add3A_469 : vector<16xi32>
      %swap3A_471 = arith.constant 6 : i32
      %swap3A_472 = arith.index_cast %swap3A_471 : i32 to index
      %swap3A_473 = arith.constant 32 : index
      %swap3A_474 = tpu.vector_load %arg8[%swap3A_472, %swap3A_473] {strides = array<i32>} : memref<10x80xi32, #tpu.memory_space<vmem>>, vector<1x16xi32>,
      %swap3A_475 = vector.shape_cast %swap3A_474 : vector<1x16xi32> to vector<16xi32>
      %swap3A_476 = vector.shape_cast %add3A_470 : vector<16xi32> to vector<1x16xi32>
      tpu.vector_store %arg8[%swap3A_472, %swap3A_473], %swap3A_476 {strides = array<i32>} : memref<10x80xi32, #tpu.memory_space<vmem>>, vector<1x16xi32>,
      %get3A_477 = arith.constant 6 : i32
      %get3A_478 = arith.index_cast %get3A_477 : i32 to index
      %get3A_479 = arith.constant 48 : index
      %get3A_480 = tpu.vector_load %arg6[%get3A_478, %get3A_479] {strides = array<i32>} : memref<10x80xi32, #tpu.memory_space<vmem>>, vector<1x16xi32>,
      %get3A_481 = vector.shape_cast %get3A_480 : vector<1x16xi32> to vector<16xi32>
      %add3A_482 = vector.broadcast %mul3A_25 : i32 to vector<16xi32>
      %add3A_483 = arith.addi %get3A_481, %add3A_482 : vector<16xi32>
      %swap3A_484 = arith.constant 6 : i32
      %swap3A_485 = arith.index_cast %swap3A_484 : i32 to index
      %swap3A_486 = arith.constant 48 : index
      %swap3A_487 = tpu.vector_load %arg8[%swap3A_485, %swap3A_486] {strides = array<i32>} : memref<10x80xi32, #tpu.memory_space<vmem>>, vector<1x16xi32>,
      %swap3A_488 = vector.shape_cast %swap3A_487 : vector<1x16xi32> to vector<16xi32>
      %swap3A_489 = vector.shape_cast %add3A_483 : vector<16xi32> to vector<1x16xi32>
      tpu.vector_store %arg8[%swap3A_485, %swap3A_486], %swap3A_489 {strides = array<i32>} : memref<10x80xi32, #tpu.memory_space<vmem>>, vector<1x16xi32>,
      %get3A_490 = arith.constant 6 : i32
      %get3A_491 = arith.index_cast %get3A_490 : i32 to index
      %get3A_492 = arith.constant 64 : index
      %get3A_493 = tpu.vector_load %arg6[%get3A_491, %get3A_492] {strides = array<i32>} : memref<10x80xi32, #tpu.memory_space<vmem>>, vector<1x16xi32>,
      %get3A_494 = vector.shape_cast %get3A_493 : vector<1x16xi32> to vector<16xi32>
      %add3A_495 = vector.broadcast %mul3A_25 : i32 to vector<16xi32>
      %add3A_496 = arith.addi %get3A_494, %add3A_495 : vector<16xi32>
      %swap3A_497 = arith.constant 6 : i32
      %swap3A_498 = arith.index_cast %swap3A_497 : i32 to index
      %swap3A_499 = arith.constant 64 : index
      %swap3A_500 = tpu.vector_load %arg8[%swap3A_498, %swap3A_499] {strides = array<i32>} : memref<10x80xi32, #tpu.memory_space<vmem>>, vector<1x16xi32>,
      %swap3A_501 = vector.shape_cast %swap3A_500 : vector<1x16xi32> to vector<16xi32>
      %swap3A_502 = vector.shape_cast %add3A_496 : vector<16xi32> to vector<1x16xi32>
      tpu.vector_store %arg8[%swap3A_498, %swap3A_499], %swap3A_502 {strides = array<i32>} : memref<10x80xi32, #tpu.memory_space<vmem>>, vector<1x16xi32>,
      %get3A_503 = arith.constant 7 : i32
      %get3A_504 = arith.index_cast %get3A_503 : i32 to index
      %get3A_505 = arith.constant 0 : index
      %get3A_506 = tpu.vector_load %arg6[%get3A_504, %get3A_505] {strides = array<i32>} : memref<10x80xi32, #tpu.memory_space<vmem>>, vector<1x16xi32>,
      %get3A_507 = vector.shape_cast %get3A_506 : vector<1x16xi32> to vector<16xi32>
      %add3A_508 = vector.broadcast %mul3A_25 : i32 to vector<16xi32>
      %add3A_509 = arith.addi %get3A_507, %add3A_508 : vector<16xi32>
      %swap3A_510 = arith.constant 7 : i32
      %swap3A_511 = arith.index_cast %swap3A_510 : i32 to index
      %swap3A_512 = arith.constant 0 : index
      %swap3A_513 = tpu.vector_load %arg8[%swap3A_511, %swap3A_512] {strides = array<i32>} : memref<10x80xi32, #tpu.memory_space<vmem>>, vector<1x16xi32>,
      %swap3A_514 = vector.shape_cast %swap3A_513 : vector<1x16xi32> to vector<16xi32>
      %swap3A_515 = vector.shape_cast %add3A_509 : vector<16xi32> to vector<1x16xi32>
      tpu.vector_store %arg8[%swap3A_511, %swap3A_512], %swap3A_515 {strides = array<i32>} : memref<10x80xi32, #tpu.memory_space<vmem>>, vector<1x16xi32>,
      %get3A_516 = arith.constant 7 : i32
      %get3A_517 = arith.index_cast %get3A_516 : i32 to index
      %get3A_518 = arith.constant 16 : index
      %get3A_519 = tpu.vector_load %arg6[%get3A_517, %get3A_518] {strides = array<i32>} : memref<10x80xi32, #tpu.memory_space<vmem>>, vector<1x16xi32>,
      %get3A_520 = vector.shape_cast %get3A_519 : vector<1x16xi32> to vector<16xi32>
      %add3A_521 = vector.broadcast %mul3A_25 : i32 to vector<16xi32>
      %add3A_522 = arith.addi %get3A_520, %add3A_521 : vector<16xi32>
      %swap3A_523 = arith.constant 7 : i32
      %swap3A_524 = arith.index_cast %swap3A_523 : i32 to index
      %swap3A_525 = arith.constant 16 : index
      %swap3A_526 = tpu.vector_load %arg8[%swap3A_524, %swap3A_525] {strides = array<i32>} : memref<10x80xi32, #tpu.memory_space<vmem>>, vector<1x16xi32>,
      %swap3A_527 = vector.shape_cast %swap3A_526 : vector<1x16xi32> to vector<16xi32>
      %swap3A_528 = vector.shape_cast %add3A_522 : vector<16xi32> to vector<1x16xi32>
      tpu.vector_store %arg8[%swap3A_524, %swap3A_525], %swap3A_528 {strides = array<i32>} : memref<10x80xi32, #tpu.memory_space<vmem>>, vector<1x16xi32>,
      %get3A_529 = arith.constant 7 : i32
      %get3A_530 = arith.index_cast %get3A_529 : i32 to index
      %get3A_531 = arith.constant 32 : index
      %get3A_532 = tpu.vector_load %arg6[%get3A_530, %get3A_531] {strides = array<i32>} : memref<10x80xi32, #tpu.memory_space<vmem>>, vector<1x16xi32>,
      %get3A_533 = vector.shape_cast %get3A_532 : vector<1x16xi32> to vector<16xi32>
      %add3A_534 = vector.broadcast %mul3A_25 : i32 to vector<16xi32>
      %add3A_535 = arith.addi %get3A_533, %add3A_534 : vector<16xi32>
      %swap3A_536 = arith.constant 7 : i32
      %swap3A_537 = arith.index_cast %swap3A_536 : i32 to index
      %swap3A_538 = arith.constant 32 : index
      %swap3A_539 = tpu.vector_load %arg8[%swap3A_537, %swap3A_538] {strides = array<i32>} : memref<10x80xi32, #tpu.memory_space<vmem>>, vector<1x16xi32>,
      %swap3A_540 = vector.shape_cast %swap3A_539 : vector<1x16xi32> to vector<16xi32>
      %swap3A_541 = vector.shape_cast %add3A_535 : vector<16xi32> to vector<1x16xi32>
      tpu.vector_store %arg8[%swap3A_537, %swap3A_538], %swap3A_541 {strides = array<i32>} : memref<10x80xi32, #tpu.memory_space<vmem>>, vector<1x16xi32>,
      %get3A_542 = arith.constant 7 : i32
      %get3A_543 = arith.index_cast %get3A_542 : i32 to index
      %get3A_544 = arith.constant 48 : index
      %get3A_545 = tpu.vector_load %arg6[%get3A_543, %get3A_544] {strides = array<i32>} : memref<10x80xi32, #tpu.memory_space<vmem>>, vector<1x16xi32>,
      %get3A_546 = vector.shape_cast %get3A_545 : vector<1x16xi32> to vector<16xi32>
      %add3A_547 = vector.broadcast %mul3A_25 : i32 to vector<16xi32>
      %add3A_548 = arith.addi %get3A_546, %add3A_547 : vector<16xi32>
      %swap3A_549 = arith.constant 7 : i32
      %swap3A_550 = arith.index_cast %swap3A_549 : i32 to index
      %swap3A_551 = arith.constant 48 : index
      %swap3A_552 = tpu.vector_load %arg8[%swap3A_550, %swap3A_551] {strides = array<i32>} : memref<10x80xi32, #tpu.memory_space<vmem>>, vector<1x16xi32>,
      %swap3A_553 = vector.shape_cast %swap3A_552 : vector<1x16xi32> to vector<16xi32>
      %swap3A_554 = vector.shape_cast %add3A_548 : vector<16xi32> to vector<1x16xi32>
      tpu.vector_store %arg8[%swap3A_550, %swap3A_551], %swap3A_554 {strides = array<i32>} : memref<10x80xi32, #tpu.memory_space<vmem>>, vector<1x16xi32>,
      %get3A_555 = arith.constant 7 : i32
      %get3A_556 = arith.index_cast %get3A_555 : i32 to index
      %get3A_557 = arith.constant 64 : index
      %get3A_558 = tpu.vector_load %arg6[%get3A_556, %get3A_557] {strides = array<i32>} : memref<10x80xi32, #tpu.memory_space<vmem>>, vector<1x16xi32>,
      %get3A_559 = vector.shape_cast %get3A_558 : vector<1x16xi32> to vector<16xi32>
      %add3A_560 = vector.broadcast %mul3A_25 : i32 to vector<16xi32>
      %add3A_561 = arith.addi %get3A_559, %add3A_560 : vector<16xi32>
      %swap3A_562 = arith.constant 7 : i32
      %swap3A_563 = arith.index_cast %swap3A_562 : i32 to index
      %swap3A_564 = arith.constant 64 : index
      %swap3A_565 = tpu.vector_load %arg8[%swap3A_563, %swap3A_564] {strides = array<i32>} : memref<10x80xi32, #tpu.memory_space<vmem>>, vector<1x16xi32>,
      %swap3A_566 = vector.shape_cast %swap3A_565 : vector<1x16xi32> to vector<16xi32>
      %swap3A_567 = vector.shape_cast %add3A_561 : vector<16xi32> to vector<1x16xi32>
      tpu.vector_store %arg8[%swap3A_563, %swap3A_564], %swap3A_567 {strides = array<i32>} : memref<10x80xi32, #tpu.memory_space<vmem>>, vector<1x16xi32>,
      %get3A_568 = arith.constant 8 : i32
      %get3A_569 = arith.index_cast %get3A_568 : i32 to index
      %get3A_570 = arith.constant 0 : index
      %get3A_571 = tpu.vector_load %arg6[%get3A_569, %get3A_570] {strides = array<i32>} : memref<10x80xi32, #tpu.memory_space<vmem>>, vector<1x16xi32>,
      %get3A_572 = vector.shape_cast %get3A_571 : vector<1x16xi32> to vector<16xi32>
      %add3A_573 = vector.broadcast %mul3A_25 : i32 to vector<16xi32>
      %add3A_574 = arith.addi %get3A_572, %add3A_573 : vector<16xi32>
      %swap3A_575 = arith.constant 8 : i32
      %swap3A_576 = arith.index_cast %swap3A_575 : i32 to index
      %swap3A_577 = arith.constant 0 : index
      %swap3A_578 = tpu.vector_load %arg8[%swap3A_576, %swap3A_577] {strides = array<i32>} : memref<10x80xi32, #tpu.memory_space<vmem>>, vector<1x16xi32>,
      %swap3A_579 = vector.shape_cast %swap3A_578 : vector<1x16xi32> to vector<16xi32>
      %swap3A_580 = vector.shape_cast %add3A_574 : vector<16xi32> to vector<1x16xi32>
      tpu.vector_store %arg8[%swap3A_576, %swap3A_577], %swap3A_580 {strides = array<i32>} : memref<10x80xi32, #tpu.memory_space<vmem>>, vector<1x16xi32>,
      %get3A_581 = arith.constant 8 : i32
      %get3A_582 = arith.index_cast %get3A_581 : i32 to index
      %get3A_583 = arith.constant 16 : index
      %get3A_584 = tpu.vector_load %arg6[%get3A_582, %get3A_583] {strides = array<i32>} : memref<10x80xi32, #tpu.memory_space<vmem>>, vector<1x16xi32>,
      %get3A_585 = vector.shape_cast %get3A_584 : vector<1x16xi32> to vector<16xi32>
      %add3A_586 = vector.broadcast %mul3A_25 : i32 to vector<16xi32>
      %add3A_587 = arith.addi %get3A_585, %add3A_586 : vector<16xi32>
      %swap3A_588 = arith.constant 8 : i32
      %swap3A_589 = arith.index_cast %swap3A_588 : i32 to index
      %swap3A_590 = arith.constant 16 : index
      %swap3A_591 = tpu.vector_load %arg8[%swap3A_589, %swap3A_590] {strides = array<i32>} : memref<10x80xi32, #tpu.memory_space<vmem>>, vector<1x16xi32>,
      %swap3A_592 = vector.shape_cast %swap3A_591 : vector<1x16xi32> to vector<16xi32>
      %swap3A_593 = vector.shape_cast %add3A_587 : vector<16xi32> to vector<1x16xi32>
      tpu.vector_store %arg8[%swap3A_589, %swap3A_590], %swap3A_593 {strides = array<i32>} : memref<10x80xi32, #tpu.memory_space<vmem>>, vector<1x16xi32>,
      %get3A_594 = arith.constant 8 : i32
      %get3A_595 = arith.index_cast %get3A_594 : i32 to index
      %get3A_596 = arith.constant 32 : index
      %get3A_597 = tpu.vector_load %arg6[%get3A_595, %get3A_596] {strides = array<i32>} : memref<10x80xi32, #tpu.memory_space<vmem>>, vector<1x16xi32>,
      %get3A_598 = vector.shape_cast %get3A_597 : vector<1x16xi32> to vector<16xi32>
      %add3A_599 = vector.broadcast %mul3A_25 : i32 to vector<16xi32>
      %add3A_600 = arith.addi %get3A_598, %add3A_599 : vector<16xi32>
      %swap3A_601 = arith.constant 8 : i32
      %swap3A_602 = arith.index_cast %swap3A_601 : i32 to index
      %swap3A_603 = arith.constant 32 : index
      %swap3A_604 = tpu.vector_load %arg8[%swap3A_602, %swap3A_603] {strides = array<i32>} : memref<10x80xi32, #tpu.memory_space<vmem>>, vector<1x16xi32>,
      %swap3A_605 = vector.shape_cast %swap3A_604 : vector<1x16xi32> to vector<16xi32>
      %swap3A_606 = vector.shape_cast %add3A_600 : vector<16xi32> to vector<1x16xi32>
      tpu.vector_store %arg8[%swap3A_602, %swap3A_603], %swap3A_606 {strides = array<i32>} : memref<10x80xi32, #tpu.memory_space<vmem>>, vector<1x16xi32>,
      %get3A_607 = arith.constant 8 : i32
      %get3A_608 = arith.index_cast %get3A_607 : i32 to index
      %get3A_609 = arith.constant 48 : index
      %get3A_610 = tpu.vector_load %arg6[%get3A_608, %get3A_609] {strides = array<i32>} : memref<10x80xi32, #tpu.memory_space<vmem>>, vector<1x16xi32>,
      %get3A_611 = vector.shape_cast %get3A_610 : vector<1x16xi32> to vector<16xi32>
      %add3A_612 = vector.broadcast %mul3A_25 : i32 to vector<16xi32>
      %add3A_613 = arith.addi %get3A_611, %add3A_612 : vector<16xi32>
      %swap3A_614 = arith.constant 8 : i32
      %swap3A_615 = arith.index_cast %swap3A_614 : i32 to index
      %swap3A_616 = arith.constant 48 : index
      %swap3A_617 = tpu.vector_load %arg8[%swap3A_615, %swap3A_616] {strides = array<i32>} : memref<10x80xi32, #tpu.memory_space<vmem>>, vector<1x16xi32>,
      %swap3A_618 = vector.shape_cast %swap3A_617 : vector<1x16xi32> to vector<16xi32>
      %swap3A_619 = vector.shape_cast %add3A_613 : vector<16xi32> to vector<1x16xi32>
      tpu.vector_store %arg8[%swap3A_615, %swap3A_616], %swap3A_619 {strides = array<i32>} : memref<10x80xi32, #tpu.memory_space<vmem>>, vector<1x16xi32>,
      %get3A_620 = arith.constant 8 : i32
      %get3A_621 = arith.index_cast %get3A_620 : i32 to index
      %get3A_622 = arith.constant 64 : index
      %get3A_623 = tpu.vector_load %arg6[%get3A_621, %get3A_622] {strides = array<i32>} : memref<10x80xi32, #tpu.memory_space<vmem>>, vector<1x16xi32>,
      %get3A_624 = vector.shape_cast %get3A_623 : vector<1x16xi32> to vector<16xi32>
      %add3A_625 = vector.broadcast %mul3A_25 : i32 to vector<16xi32>
      %add3A_626 = arith.addi %get3A_624, %add3A_625 : vector<16xi32>
      %swap3A_627 = arith.constant 8 : i32
      %swap3A_628 = arith.index_cast %swap3A_627 : i32 to index
      %swap3A_629 = arith.constant 64 : index
      %swap3A_630 = tpu.vector_load %arg8[%swap3A_628, %swap3A_629] {strides = array<i32>} : memref<10x80xi32, #tpu.memory_space<vmem>>, vector<1x16xi32>,
      %swap3A_631 = vector.shape_cast %swap3A_630 : vector<1x16xi32> to vector<16xi32>
      %swap3A_632 = vector.shape_cast %add3A_626 : vector<16xi32> to vector<1x16xi32>
      tpu.vector_store %arg8[%swap3A_628, %swap3A_629], %swap3A_632 {strides = array<i32>} : memref<10x80xi32, #tpu.memory_space<vmem>>, vector<1x16xi32>,
      %get3A_633 = arith.constant 9 : i32
      %get3A_634 = arith.index_cast %get3A_633 : i32 to index
      %get3A_635 = arith.constant 0 : index
      %get3A_636 = tpu.vector_load %arg6[%get3A_634, %get3A_635] {strides = array<i32>} : memref<10x80xi32, #tpu.memory_space<vmem>>, vector<1x16xi32>,
      %get3A_637 = vector.shape_cast %get3A_636 : vector<1x16xi32> to vector<16xi32>
      %add3A_638 = vector.broadcast %mul3A_25 : i32 to vector<16xi32>
      %add3A_639 = arith.addi %get3A_637, %add3A_638 : vector<16xi32>
      %swap3A_640 = arith.constant 9 : i32
      %swap3A_641 = arith.index_cast %swap3A_640 : i32 to index
      %swap3A_642 = arith.constant 0 : index
      %swap3A_643 = tpu.vector_load %arg8[%swap3A_641, %swap3A_642] {strides = array<i32>} : memref<10x80xi32, #tpu.memory_space<vmem>>, vector<1x16xi32>,
      %swap3A_644 = vector.shape_cast %swap3A_643 : vector<1x16xi32> to vector<16xi32>
      %swap3A_645 = vector.shape_cast %add3A_639 : vector<16xi32> to vector<1x16xi32>
      tpu.vector_store %arg8[%swap3A_641, %swap3A_642], %swap3A_645 {strides = array<i32>} : memref<10x80xi32, #tpu.memory_space<vmem>>, vector<1x16xi32>,
      %get3A_646 = arith.constant 9 : i32
      %get3A_647 = arith.index_cast %get3A_646 : i32 to index
      %get3A_648 = arith.constant 16 : index
      %get3A_649 = tpu.vector_load %arg6[%get3A_647, %get3A_648] {strides = array<i32>} : memref<10x80xi32, #tpu.memory_space<vmem>>, vector<1x16xi32>,
      %get3A_650 = vector.shape_cast %get3A_649 : vector<1x16xi32> to vector<16xi32>
      %add3A_651 = vector.broadcast %mul3A_25 : i32 to vector<16xi32>
      %add3A_652 = arith.addi %get3A_650, %add3A_651 : vector<16xi32>
      %swap3A_653 = arith.constant 9 : i32
      %swap3A_654 = arith.index_cast %swap3A_653 : i32 to index
      %swap3A_655 = arith.constant 16 : index
      %swap3A_656 = tpu.vector_load %arg8[%swap3A_654, %swap3A_655] {strides = array<i32>} : memref<10x80xi32, #tpu.memory_space<vmem>>, vector<1x16xi32>,
      %swap3A_657 = vector.shape_cast %swap3A_656 : vector<1x16xi32> to vector<16xi32>
      %swap3A_658 = vector.shape_cast %add3A_652 : vector<16xi32> to vector<1x16xi32>
      tpu.vector_store %arg8[%swap3A_654, %swap3A_655], %swap3A_658 {strides = array<i32>} : memref<10x80xi32, #tpu.memory_space<vmem>>, vector<1x16xi32>,
      %get3A_659 = arith.constant 9 : i32
      %get3A_660 = arith.index_cast %get3A_659 : i32 to index
      %get3A_661 = arith.constant 32 : index
      %get3A_662 = tpu.vector_load %arg6[%get3A_660, %get3A_661] {strides = array<i32>} : memref<10x80xi32, #tpu.memory_space<vmem>>, vector<1x16xi32>,
      %get3A_663 = vector.shape_cast %get3A_662 : vector<1x16xi32> to vector<16xi32>
      %add3A_664 = vector.broadcast %mul3A_25 : i32 to vector<16xi32>
      %add3A_665 = arith.addi %get3A_663, %add3A_664 : vector<16xi32>
      %swap3A_666 = arith.constant 9 : i32
      %swap3A_667 = arith.index_cast %swap3A_666 : i32 to index
      %swap3A_668 = arith.constant 32 : index
      %swap3A_669 = tpu.vector_load %arg8[%swap3A_667, %swap3A_668] {strides = array<i32>} : memref<10x80xi32, #tpu.memory_space<vmem>>, vector<1x16xi32>,
      %swap3A_670 = vector.shape_cast %swap3A_669 : vector<1x16xi32> to vector<16xi32>
      %swap3A_671 = vector.shape_cast %add3A_665 : vector<16xi32> to vector<1x16xi32>
      tpu.vector_store %arg8[%swap3A_667, %swap3A_668], %swap3A_671 {strides = array<i32>} : memref<10x80xi32, #tpu.memory_space<vmem>>, vector<1x16xi32>,
      %get3A_672 = arith.constant 9 : i32
      %get3A_673 = arith.index_cast %get3A_672 : i32 to index
      %get3A_674 = arith.constant 48 : index
      %get3A_675 = tpu.vector_load %arg6[%get3A_673, %get3A_674] {strides = array<i32>} : memref<10x80xi32, #tpu.memory_space<vmem>>, vector<1x16xi32>,
      %get3A_676 = vector.shape_cast %get3A_675 : vector<1x16xi32> to vector<16xi32>
      %add3A_677 = vector.broadcast %mul3A_25 : i32 to vector<16xi32>
      %add3A_678 = arith.addi %get3A_676, %add3A_677 : vector<16xi32>
      %swap3A_679 = arith.constant 9 : i32
      %swap3A_680 = arith.index_cast %swap3A_679 : i32 to index
      %swap3A_681 = arith.constant 48 : index
      %swap3A_682 = tpu.vector_load %arg8[%swap3A_680, %swap3A_681] {strides = array<i32>} : memref<10x80xi32, #tpu.memory_space<vmem>>, vector<1x16xi32>,
      %swap3A_683 = vector.shape_cast %swap3A_682 : vector<1x16xi32> to vector<16xi32>
      %swap3A_684 = vector.shape_cast %add3A_678 : vector<16xi32> to vector<1x16xi32>
      tpu.vector_store %arg8[%swap3A_680, %swap3A_681], %swap3A_684 {strides = array<i32>} : memref<10x80xi32, #tpu.memory_space<vmem>>, vector<1x16xi32>,
      %get3A_685 = arith.constant 9 : i32
      %get3A_686 = arith.index_cast %get3A_685 : i32 to index
      %get3A_687 = arith.constant 64 : index
      %get3A_688 = tpu.vector_load %arg6[%get3A_686, %get3A_687] {strides = array<i32>} : memref<10x80xi32, #tpu.memory_space<vmem>>, vector<1x16xi32>,
      %get3A_689 = vector.shape_cast %get3A_688 : vector<1x16xi32> to vector<16xi32>
      %add3A_690 = vector.broadcast %mul3A_25 : i32 to vector<16xi32>
      %add3A_691 = arith.addi %get3A_689, %add3A_690 : vector<16xi32>
      %swap3A_692 = arith.constant 9 : i32
      %swap3A_693 = arith.index_cast %swap3A_692 : i32 to index
      %swap3A_694 = arith.constant 64 : index
      %swap3A_695 = tpu.vector_load %arg8[%swap3A_693, %swap3A_694] {strides = array<i32>} : memref<10x80xi32, #tpu.memory_space<vmem>>, vector<1x16xi32>,
      %swap3A_696 = vector.shape_cast %swap3A_695 : vector<1x16xi32> to vector<16xi32>
      %swap3A_697 = vector.shape_cast %add3A_691 : vector<16xi32> to vector<1x16xi32>
      tpu.vector_store %arg8[%swap3A_693, %swap3A_694], %swap3A_697 {strides = array<i32>} : memref<10x80xi32, #tpu.memory_space<vmem>>, vector<1x16xi32>,
      %dma_start3A = arith.constant 0 : i32
      %dma_start3A_698 = arith.constant 0 : i32
      %dma_start3A_699 = tpu.memref_slice %arg8[%dma_start3A, %dma_start3A_698] : memref<10x80xi32, #tpu.memory_space<vmem>> -> memref<1x80xi32, #tpu.memory_space<vmem>>
      %dma_start3A_700 = tpu.memref_squeeze %dma_start3A_699 : memref<1x80xi32, #tpu.memory_space<vmem>> -> memref<80xi32, #tpu.memory_space<vmem>>
      %dma_start3A_701 = arith.constant 0 : i32
      %dma_start3A_702 = arith.constant 0 : i32
      %dma_start3A_703 = tpu.memref_slice %arg4[%dma_start3A_701, %dma_start3A_702] : memref<40000x144xf32, #tpu.memory_space<hbm>> -> memref<40000x144xf32, #tpu.memory_space<hbm>>
      tpu.enqueue_indirect_dma source(%dma_start3A_703 : memref<40000x144xf32, #tpu.memory_space<hbm>>) target(%arg9 : memref<80x144xf32, #tpu.memory_space<vmem>>) offsets(%dma_start3A_700 : memref<80xi32, #tpu.memory_space<vmem>>) semaphore(%arg12 : memref<!tpu.dma_semaphore, #tpu.memory_space<semaphore_mem>>)
      %dma_start3A_704 = arith.constant 1 : i32
      %dma_start3A_705 = arith.constant 0 : i32
      %dma_start3A_706 = tpu.memref_slice %arg8[%dma_start3A_704, %dma_start3A_705] : memref<10x80xi32, #tpu.memory_space<vmem>> -> memref<1x80xi32, #tpu.memory_space<vmem>>
      %dma_start3A_707 = tpu.memref_squeeze %dma_start3A_706 : memref<1x80xi32, #tpu.memory_space<vmem>> -> memref<80xi32, #tpu.memory_space<vmem>>
      %dma_start3A_708 = arith.constant 0 : i32
      %dma_start3A_709 = arith.constant 0 : i32
      %dma_start3A_710 = tpu.memref_slice %arg4[%dma_start3A_708, %dma_start3A_709] : memref<40000x144xf32, #tpu.memory_space<hbm>> -> memref<40000x144xf32, #tpu.memory_space<hbm>>
      tpu.enqueue_indirect_dma source(%dma_start3A_710 : memref<40000x144xf32, #tpu.memory_space<hbm>>) target(%arg10 : memref<80x144xf32, #tpu.memory_space<vmem>>) offsets(%dma_start3A_707 : memref<80xi32, #tpu.memory_space<vmem>>) semaphore(%arg13 : memref<!tpu.dma_semaphore, #tpu.memory_space<semaphore_mem>>)
      %dma_wait3A = arith.constant 0 : i32
      %dma_wait3A_711 = arith.constant 0 : i32
      %dma_wait3A_712 = tpu.memref_slice %arg8[%dma_wait3A, %dma_wait3A_711] : memref<10x80xi32, #tpu.memory_space<vmem>> -> memref<1x80xi32, #tpu.memory_space<vmem>>
      %dma_wait3A_713 = tpu.memref_squeeze %dma_wait3A_712 : memref<1x80xi32, #tpu.memory_space<vmem>> -> memref<80xi32, #tpu.memory_space<vmem>>
      %dma_wait3A_714 = arith.constant 0 : i32
      %dma_wait3A_715 = arith.constant 0 : i32
      %dma_wait3A_716 = tpu.memref_slice %arg4[%dma_wait3A_714, %dma_wait3A_715] : memref<40000x144xf32, #tpu.memory_space<hbm>> -> memref<40000x144xf32, #tpu.memory_space<hbm>>
      tpu.wait_indirect_dma semaphore(%arg12 : memref<!tpu.dma_semaphore, #tpu.memory_space<semaphore_mem>>) src(%dma_wait3A_716 : memref<40000x144xf32, #tpu.memory_space<hbm>>) dst(%arg9 : memref<80x144xf32, #tpu.memory_space<vmem>>)
      %run_scoped3A_717 = arith.constant 0 : i32
      "tpu.region"() ({
        %run_scoped3A_846 = tpu.sem_alloc : memref<!tpu.dma_semaphore, #tpu.memory_space<semaphore_mem>>
        %dma_start3A_847 = arith.constant 0 : i32
        %dma_start3A_848 = tpu.memref_slice %arg7[%run_scoped3A_717, %dma_start3A_847] : memref<10x80xi32, #tpu.memory_space<vmem>> -> memref<1x80xi32, #tpu.memory_space<vmem>>
        %dma_start3A_849 = tpu.memref_squeeze %dma_start3A_848 : memref<1x80xi32, #tpu.memory_space<vmem>> -> memref<80xi32, #tpu.memory_space<vmem>>
        %dma_start3A_850 = arith.constant 0 : i32
        %dma_start3A_851 = arith.constant 0 : i32
        %dma_start3A_852 = tpu.memref_slice %arg11[%dma_start3A_850, %dma_start3A_851] : memref<10000x144xf32, #tpu.memory_space<vmem_shared>> -> memref<10000x144xf32, #tpu.memory_space<vmem_shared>>
        tpu.enqueue_indirect_dma source(%arg9 : memref<80x144xf32, #tpu.memory_space<vmem>>) target(%dma_start3A_852 : memref<10000x144xf32, #tpu.memory_space<vmem_shared>>) offsets(%dma_start3A_849 : memref<80xi32, #tpu.memory_space<vmem>>) semaphore(%run_scoped3A_846 : memref<!tpu.dma_semaphore, #tpu.memory_space<semaphore_mem>>) {add = true}
        %dma_wait3A_853 = arith.constant 0 : i32
        %dma_wait3A_854 = tpu.memref_slice %arg7[%run_scoped3A_717, %dma_wait3A_853] : memref<10x80xi32, #tpu.memory_space<vmem>> -> memref<1x80xi32, #tpu.memory_space<vmem>>
        %dma_wait3A_855 = tpu.memref_squeeze %dma_wait3A_854 : memref<1x80xi32, #tpu.memory_space<vmem>> -> memref<80xi32, #tpu.memory_space<vmem>>
        %dma_wait3A_856 = arith.constant 0 : i32
        %dma_wait3A_857 = arith.constant 0 : i32
        %dma_wait3A_858 = tpu.memref_slice %arg11[%dma_wait3A_856, %dma_wait3A_857] : memref<10000x144xf32, #tpu.memory_space<vmem_shared>> -> memref<10000x144xf32, #tpu.memory_space<vmem_shared>>
        tpu.wait_indirect_dma semaphore(%run_scoped3A_846 : memref<!tpu.dma_semaphore, #tpu.memory_space<semaphore_mem>>) src(%arg9 : memref<80x144xf32, #tpu.memory_space<vmem>>) dst(%dma_wait3A_858 : memref<10000x144xf32, #tpu.memory_space<vmem_shared>>)
        tpu.yield
      }) : () -> ()
      %dma_start3A_718 = arith.constant 2 : i32
      %dma_start3A_719 = arith.constant 0 : i32
      %dma_start3A_720 = tpu.memref_slice %arg8[%dma_start3A_718, %dma_start3A_719] : memref<10x80xi32, #tpu.memory_space<vmem>> -> memref<1x80xi32, #tpu.memory_space<vmem>>
      %dma_start3A_721 = tpu.memref_squeeze %dma_start3A_720 : memref<1x80xi32, #tpu.memory_space<vmem>> -> memref<80xi32, #tpu.memory_space<vmem>>
      %dma_start3A_722 = arith.constant 0 : i32
      %dma_start3A_723 = arith.constant 0 : i32
      %dma_start3A_724 = tpu.memref_slice %arg4[%dma_start3A_722, %dma_start3A_723] : memref<40000x144xf32, #tpu.memory_space<hbm>> -> memref<40000x144xf32, #tpu.memory_space<hbm>>
      tpu.enqueue_indirect_dma source(%dma_start3A_724 : memref<40000x144xf32, #tpu.memory_space<hbm>>) target(%arg9 : memref<80x144xf32, #tpu.memory_space<vmem>>) offsets(%dma_start3A_721 : memref<80xi32, #tpu.memory_space<vmem>>) semaphore(%arg12 : memref<!tpu.dma_semaphore, #tpu.memory_space<semaphore_mem>>)
      %dma_wait3A_725 = arith.constant 1 : i32
      %dma_wait3A_726 = arith.constant 0 : i32
      %dma_wait3A_727 = tpu.memref_slice %arg8[%dma_wait3A_725, %dma_wait3A_726] : memref<10x80xi32, #tpu.memory_space<vmem>> -> memref<1x80xi32, #tpu.memory_space<vmem>>
      %dma_wait3A_728 = tpu.memref_squeeze %dma_wait3A_727 : memref<1x80xi32, #tpu.memory_space<vmem>> -> memref<80xi32, #tpu.memory_space<vmem>>
      %dma_wait3A_729 = arith.constant 0 : i32
      %dma_wait3A_730 = arith.constant 0 : i32
      %dma_wait3A_731 = tpu.memref_slice %arg4[%dma_wait3A_729, %dma_wait3A_730] : memref<40000x144xf32, #tpu.memory_space<hbm>> -> memref<40000x144xf32, #tpu.memory_space<hbm>>
      tpu.wait_indirect_dma semaphore(%arg13 : memref<!tpu.dma_semaphore, #tpu.memory_space<semaphore_mem>>) src(%dma_wait3A_731 : memref<40000x144xf32, #tpu.memory_space<hbm>>) dst(%arg10 : memref<80x144xf32, #tpu.memory_space<vmem>>)
      %run_scoped3A_732 = arith.constant 1 : i32
      "tpu.region"() ({
        %run_scoped3A_846 = tpu.sem_alloc : memref<!tpu.dma_semaphore, #tpu.memory_space<semaphore_mem>>
        %dma_start3A_847 = arith.constant 0 : i32
        %dma_start3A_848 = tpu.memref_slice %arg7[%run_scoped3A_732, %dma_start3A_847] : memref<10x80xi32, #tpu.memory_space<vmem>> -> memref<1x80xi32, #tpu.memory_space<vmem>>
        %dma_start3A_849 = tpu.memref_squeeze %dma_start3A_848 : memref<1x80xi32, #tpu.memory_space<vmem>> -> memref<80xi32, #tpu.memory_space<vmem>>
        %dma_start3A_850 = arith.constant 0 : i32
        %dma_start3A_851 = arith.constant 0 : i32
        %dma_start3A_852 = tpu.memref_slice %arg11[%dma_start3A_850, %dma_start3A_851] : memref<10000x144xf32, #tpu.memory_space<vmem_shared>> -> memref<10000x144xf32, #tpu.memory_space<vmem_shared>>
        tpu.enqueue_indirect_dma source(%arg10 : memref<80x144xf32, #tpu.memory_space<vmem>>) target(%dma_start3A_852 : memref<10000x144xf32, #tpu.memory_space<vmem_shared>>) offsets(%dma_start3A_849 : memref<80xi32, #tpu.memory_space<vmem>>) semaphore(%run_scoped3A_846 : memref<!tpu.dma_semaphore, #tpu.memory_space<semaphore_mem>>) {add = true}
        %dma_wait3A_853 = arith.constant 0 : i32
        %dma_wait3A_854 = tpu.memref_slice %arg7[%run_scoped3A_732, %dma_wait3A_853] : memref<10x80xi32, #tpu.memory_space<vmem>> -> memref<1x80xi32, #tpu.memory_space<vmem>>
        %dma_wait3A_855 = tpu.memref_squeeze %dma_wait3A_854 : memref<1x80xi32, #tpu.memory_space<vmem>> -> memref<80xi32, #tpu.memory_space<vmem>>
        %dma_wait3A_856 = arith.constant 0 : i32
        %dma_wait3A_857 = arith.constant 0 : i32
        %dma_wait3A_858 = tpu.memref_slice %arg11[%dma_wait3A_856, %dma_wait3A_857] : memref<10000x144xf32, #tpu.memory_space<vmem_shared>> -> memref<10000x144xf32, #tpu.memory_space<vmem_shared>>
        tpu.wait_indirect_dma semaphore(%run_scoped3A_846 : memref<!tpu.dma_semaphore, #tpu.memory_space<semaphore_mem>>) src(%arg10 : memref<80x144xf32, #tpu.memory_space<vmem>>) dst(%dma_wait3A_858 : memref<10000x144xf32, #tpu.memory_space<vmem_shared>>)
        tpu.yield
      }) : () -> ()
      %dma_start3A_733 = arith.constant 3 : i32
      %dma_start3A_734 = arith.constant 0 : i32
      %dma_start3A_735 = tpu.memref_slice %arg8[%dma_start3A_733, %dma_start3A_734] : memref<10x80xi32, #tpu.memory_space<vmem>> -> memref<1x80xi32, #tpu.memory_space<vmem>>
      %dma_start3A_736 = tpu.memref_squeeze %dma_start3A_735 : memref<1x80xi32, #tpu.memory_space<vmem>> -> memref<80xi32, #tpu.memory_space<vmem>>
      %dma_start3A_737 = arith.constant 0 : i32
      %dma_start3A_738 = arith.constant 0 : i32
      %dma_start3A_739 = tpu.memref_slice %arg4[%dma_start3A_737, %dma_start3A_738] : memref<40000x144xf32, #tpu.memory_space<hbm>> -> memref<40000x144xf32, #tpu.memory_space<hbm>>
      tpu.enqueue_indirect_dma source(%dma_start3A_739 : memref<40000x144xf32, #tpu.memory_space<hbm>>) target(%arg10 : memref<80x144xf32, #tpu.memory_space<vmem>>) offsets(%dma_start3A_736 : memref<80xi32, #tpu.memory_space<vmem>>) semaphore(%arg13 : memref<!tpu.dma_semaphore, #tpu.memory_space<semaphore_mem>>)
      %dma_wait3A_740 = arith.constant 2 : i32
      %dma_wait3A_741 = arith.constant 0 : i32
      %dma_wait3A_742 = tpu.memref_slice %arg8[%dma_wait3A_740, %dma_wait3A_741] : memref<10x80xi32, #tpu.memory_space<vmem>> -> memref<1x80xi32, #tpu.memory_space<vmem>>
      %dma_wait3A_743 = tpu.memref_squeeze %dma_wait3A_742 : memref<1x80xi32, #tpu.memory_space<vmem>> -> memref<80xi32, #tpu.memory_space<vmem>>
      %dma_wait3A_744 = arith.constant 0 : i32
      %dma_wait3A_745 = arith.constant 0 : i32
      %dma_wait3A_746 = tpu.memref_slice %arg4[%dma_wait3A_744, %dma_wait3A_745] : memref<40000x144xf32, #tpu.memory_space<hbm>> -> memref<40000x144xf32, #tpu.memory_space<hbm>>
      tpu.wait_indirect_dma semaphore(%arg12 : memref<!tpu.dma_semaphore, #tpu.memory_space<semaphore_mem>>) src(%dma_wait3A_746 : memref<40000x144xf32, #tpu.memory_space<hbm>>) dst(%arg9 : memref<80x144xf32, #tpu.memory_space<vmem>>)
      %run_scoped3A_747 = arith.constant 2 : i32
      "tpu.region"() ({
        %run_scoped3A_846 = tpu.sem_alloc : memref<!tpu.dma_semaphore, #tpu.memory_space<semaphore_mem>>
        %dma_start3A_847 = arith.constant 0 : i32
        %dma_start3A_848 = tpu.memref_slice %arg7[%run_scoped3A_747, %dma_start3A_847] : memref<10x80xi32, #tpu.memory_space<vmem>> -> memref<1x80xi32, #tpu.memory_space<vmem>>
        %dma_start3A_849 = tpu.memref_squeeze %dma_start3A_848 : memref<1x80xi32, #tpu.memory_space<vmem>> -> memref<80xi32, #tpu.memory_space<vmem>>
        %dma_start3A_850 = arith.constant 0 : i32
        %dma_start3A_851 = arith.constant 0 : i32
        %dma_start3A_852 = tpu.memref_slice %arg11[%dma_start3A_850, %dma_start3A_851] : memref<10000x144xf32, #tpu.memory_space<vmem_shared>> -> memref<10000x144xf32, #tpu.memory_space<vmem_shared>>
        tpu.enqueue_indirect_dma source(%arg9 : memref<80x144xf32, #tpu.memory_space<vmem>>) target(%dma_start3A_852 : memref<10000x144xf32, #tpu.memory_space<vmem_shared>>) offsets(%dma_start3A_849 : memref<80xi32, #tpu.memory_space<vmem>>) semaphore(%run_scoped3A_846 : memref<!tpu.dma_semaphore, #tpu.memory_space<semaphore_mem>>) {add = true}
        %dma_wait3A_853 = arith.constant 0 : i32
        %dma_wait3A_854 = tpu.memref_slice %arg7[%run_scoped3A_747, %dma_wait3A_853] : memref<10x80xi32, #tpu.memory_space<vmem>> -> memref<1x80xi32, #tpu.memory_space<vmem>>
        %dma_wait3A_855 = tpu.memref_squeeze %dma_wait3A_854 : memref<1x80xi32, #tpu.memory_space<vmem>> -> memref<80xi32, #tpu.memory_space<vmem>>
        %dma_wait3A_856 = arith.constant 0 : i32
        %dma_wait3A_857 = arith.constant 0 : i32
        %dma_wait3A_858 = tpu.memref_slice %arg11[%dma_wait3A_856, %dma_wait3A_857] : memref<10000x144xf32, #tpu.memory_space<vmem_shared>> -> memref<10000x144xf32, #tpu.memory_space<vmem_shared>>
        tpu.wait_indirect_dma semaphore(%run_scoped3A_846 : memref<!tpu.dma_semaphore, #tpu.memory_space<semaphore_mem>>) src(%arg9 : memref<80x144xf32, #tpu.memory_space<vmem>>) dst(%dma_wait3A_858 : memref<10000x144xf32, #tpu.memory_space<vmem_shared>>)
        tpu.yield
      }) : () -> ()
      %dma_start3A_748 = arith.constant 4 : i32
      %dma_start3A_749 = arith.constant 0 : i32
      %dma_start3A_750 = tpu.memref_slice %arg8[%dma_start3A_748, %dma_start3A_749] : memref<10x80xi32, #tpu.memory_space<vmem>> -> memref<1x80xi32, #tpu.memory_space<vmem>>
      %dma_start3A_751 = tpu.memref_squeeze %dma_start3A_750 : memref<1x80xi32, #tpu.memory_space<vmem>> -> memref<80xi32, #tpu.memory_space<vmem>>
      %dma_start3A_752 = arith.constant 0 : i32
      %dma_start3A_753 = arith.constant 0 : i32
      %dma_start3A_754 = tpu.memref_slice %arg4[%dma_start3A_752, %dma_start3A_753] : memref<40000x144xf32, #tpu.memory_space<hbm>> -> memref<40000x144xf32, #tpu.memory_space<hbm>>
      tpu.enqueue_indirect_dma source(%dma_start3A_754 : memref<40000x144xf32, #tpu.memory_space<hbm>>) target(%arg9 : memref<80x144xf32, #tpu.memory_space<vmem>>) offsets(%dma_start3A_751 : memref<80xi32, #tpu.memory_space<vmem>>) semaphore(%arg12 : memref<!tpu.dma_semaphore, #tpu.memory_space<semaphore_mem>>)
      %dma_wait3A_755 = arith.constant 3 : i32
      %dma_wait3A_756 = arith.constant 0 : i32
      %dma_wait3A_757 = tpu.memref_slice %arg8[%dma_wait3A_755, %dma_wait3A_756] : memref<10x80xi32, #tpu.memory_space<vmem>> -> memref<1x80xi32, #tpu.memory_space<vmem>>
      %dma_wait3A_758 = tpu.memref_squeeze %dma_wait3A_757 : memref<1x80xi32, #tpu.memory_space<vmem>> -> memref<80xi32, #tpu.memory_space<vmem>>
      %dma_wait3A_759 = arith.constant 0 : i32
      %dma_wait3A_760 = arith.constant 0 : i32
      %dma_wait3A_761 = tpu.memref_slice %arg4[%dma_wait3A_759, %dma_wait3A_760] : memref<40000x144xf32, #tpu.memory_space<hbm>> -> memref<40000x144xf32, #tpu.memory_space<hbm>>
      tpu.wait_indirect_dma semaphore(%arg13 : memref<!tpu.dma_semaphore, #tpu.memory_space<semaphore_mem>>) src(%dma_wait3A_761 : memref<40000x144xf32, #tpu.memory_space<hbm>>) dst(%arg10 : memref<80x144xf32, #tpu.memory_space<vmem>>)
      %run_scoped3A_762 = arith.constant 3 : i32
      "tpu.region"() ({
        %run_scoped3A_846 = tpu.sem_alloc : memref<!tpu.dma_semaphore, #tpu.memory_space<semaphore_mem>>
        %dma_start3A_847 = arith.constant 0 : i32
        %dma_start3A_848 = tpu.memref_slice %arg7[%run_scoped3A_762, %dma_start3A_847] : memref<10x80xi32, #tpu.memory_space<vmem>> -> memref<1x80xi32, #tpu.memory_space<vmem>>
        %dma_start3A_849 = tpu.memref_squeeze %dma_start3A_848 : memref<1x80xi32, #tpu.memory_space<vmem>> -> memref<80xi32, #tpu.memory_space<vmem>>
        %dma_start3A_850 = arith.constant 0 : i32
        %dma_start3A_851 = arith.constant 0 : i32
        %dma_start3A_852 = tpu.memref_slice %arg11[%dma_start3A_850, %dma_start3A_851] : memref<10000x144xf32, #tpu.memory_space<vmem_shared>> -> memref<10000x144xf32, #tpu.memory_space<vmem_shared>>
        tpu.enqueue_indirect_dma source(%arg10 : memref<80x144xf32, #tpu.memory_space<vmem>>) target(%dma_start3A_852 : memref<10000x144xf32, #tpu.memory_space<vmem_shared>>) offsets(%dma_start3A_849 : memref<80xi32, #tpu.memory_space<vmem>>) semaphore(%run_scoped3A_846 : memref<!tpu.dma_semaphore, #tpu.memory_space<semaphore_mem>>) {add = true}
        %dma_wait3A_853 = arith.constant 0 : i32
        %dma_wait3A_854 = tpu.memref_slice %arg7[%run_scoped3A_762, %dma_wait3A_853] : memref<10x80xi32, #tpu.memory_space<vmem>> -> memref<1x80xi32, #tpu.memory_space<vmem>>
        %dma_wait3A_855 = tpu.memref_squeeze %dma_wait3A_854 : memref<1x80xi32, #tpu.memory_space<vmem>> -> memref<80xi32, #tpu.memory_space<vmem>>
        %dma_wait3A_856 = arith.constant 0 : i32
        %dma_wait3A_857 = arith.constant 0 : i32
        %dma_wait3A_858 = tpu.memref_slice %arg11[%dma_wait3A_856, %dma_wait3A_857] : memref<10000x144xf32, #tpu.memory_space<vmem_shared>> -> memref<10000x144xf32, #tpu.memory_space<vmem_shared>>
        tpu.wait_indirect_dma semaphore(%run_scoped3A_846 : memref<!tpu.dma_semaphore, #tpu.memory_space<semaphore_mem>>) src(%arg10 : memref<80x144xf32, #tpu.memory_space<vmem>>) dst(%dma_wait3A_858 : memref<10000x144xf32, #tpu.memory_space<vmem_shared>>)
        tpu.yield
      }) : () -> ()
      %dma_start3A_763 = arith.constant 5 : i32
      %dma_start3A_764 = arith.constant 0 : i32
      %dma_start3A_765 = tpu.memref_slice %arg8[%dma_start3A_763, %dma_start3A_764] : memref<10x80xi32, #tpu.memory_space<vmem>> -> memref<1x80xi32, #tpu.memory_space<vmem>>
      %dma_start3A_766 = tpu.memref_squeeze %dma_start3A_765 : memref<1x80xi32, #tpu.memory_space<vmem>> -> memref<80xi32, #tpu.memory_space<vmem>>
      %dma_start3A_767 = arith.constant 0 : i32
      %dma_start3A_768 = arith.constant 0 : i32
      %dma_start3A_769 = tpu.memref_slice %arg4[%dma_start3A_767, %dma_start3A_768] : memref<40000x144xf32, #tpu.memory_space<hbm>> -> memref<40000x144xf32, #tpu.memory_space<hbm>>
      tpu.enqueue_indirect_dma source(%dma_start3A_769 : memref<40000x144xf32, #tpu.memory_space<hbm>>) target(%arg10 : memref<80x144xf32, #tpu.memory_space<vmem>>) offsets(%dma_start3A_766 : memref<80xi32, #tpu.memory_space<vmem>>) semaphore(%arg13 : memref<!tpu.dma_semaphore, #tpu.memory_space<semaphore_mem>>)
      %dma_wait3A_770 = arith.constant 4 : i32
      %dma_wait3A_771 = arith.constant 0 : i32
      %dma_wait3A_772 = tpu.memref_slice %arg8[%dma_wait3A_770, %dma_wait3A_771] : memref<10x80xi32, #tpu.memory_space<vmem>> -> memref<1x80xi32, #tpu.memory_space<vmem>>
      %dma_wait3A_773 = tpu.memref_squeeze %dma_wait3A_772 : memref<1x80xi32, #tpu.memory_space<vmem>> -> memref<80xi32, #tpu.memory_space<vmem>>
      %dma_wait3A_774 = arith.constant 0 : i32
      %dma_wait3A_775 = arith.constant 0 : i32
      %dma_wait3A_776 = tpu.memref_slice %arg4[%dma_wait3A_774, %dma_wait3A_775] : memref<40000x144xf32, #tpu.memory_space<hbm>> -> memref<40000x144xf32, #tpu.memory_space<hbm>>
      tpu.wait_indirect_dma semaphore(%arg12 : memref<!tpu.dma_semaphore, #tpu.memory_space<semaphore_mem>>) src(%dma_wait3A_776 : memref<40000x144xf32, #tpu.memory_space<hbm>>) dst(%arg9 : memref<80x144xf32, #tpu.memory_space<vmem>>)
      %run_scoped3A_777 = arith.constant 4 : i32
      "tpu.region"() ({
        %run_scoped3A_846 = tpu.sem_alloc : memref<!tpu.dma_semaphore, #tpu.memory_space<semaphore_mem>>
        %dma_start3A_847 = arith.constant 0 : i32
        %dma_start3A_848 = tpu.memref_slice %arg7[%run_scoped3A_777, %dma_start3A_847] : memref<10x80xi32, #tpu.memory_space<vmem>> -> memref<1x80xi32, #tpu.memory_space<vmem>>
        %dma_start3A_849 = tpu.memref_squeeze %dma_start3A_848 : memref<1x80xi32, #tpu.memory_space<vmem>> -> memref<80xi32, #tpu.memory_space<vmem>>
        %dma_start3A_850 = arith.constant 0 : i32
        %dma_start3A_851 = arith.constant 0 : i32
        %dma_start3A_852 = tpu.memref_slice %arg11[%dma_start3A_850, %dma_start3A_851] : memref<10000x144xf32, #tpu.memory_space<vmem_shared>> -> memref<10000x144xf32, #tpu.memory_space<vmem_shared>>
        tpu.enqueue_indirect_dma source(%arg9 : memref<80x144xf32, #tpu.memory_space<vmem>>) target(%dma_start3A_852 : memref<10000x144xf32, #tpu.memory_space<vmem_shared>>) offsets(%dma_start3A_849 : memref<80xi32, #tpu.memory_space<vmem>>) semaphore(%run_scoped3A_846 : memref<!tpu.dma_semaphore, #tpu.memory_space<semaphore_mem>>) {add = true}
        %dma_wait3A_853 = arith.constant 0 : i32
        %dma_wait3A_854 = tpu.memref_slice %arg7[%run_scoped3A_777, %dma_wait3A_853] : memref<10x80xi32, #tpu.memory_space<vmem>> -> memref<1x80xi32, #tpu.memory_space<vmem>>
        %dma_wait3A_855 = tpu.memref_squeeze %dma_wait3A_854 : memref<1x80xi32, #tpu.memory_space<vmem>> -> memref<80xi32, #tpu.memory_space<vmem>>
        %dma_wait3A_856 = arith.constant 0 : i32
        %dma_wait3A_857 = arith.constant 0 : i32
        %dma_wait3A_858 = tpu.memref_slice %arg11[%dma_wait3A_856, %dma_wait3A_857] : memref<10000x144xf32, #tpu.memory_space<vmem_shared>> -> memref<10000x144xf32, #tpu.memory_space<vmem_shared>>
        tpu.wait_indirect_dma semaphore(%run_scoped3A_846 : memref<!tpu.dma_semaphore, #tpu.memory_space<semaphore_mem>>) src(%arg9 : memref<80x144xf32, #tpu.memory_space<vmem>>) dst(%dma_wait3A_858 : memref<10000x144xf32, #tpu.memory_space<vmem_shared>>)
        tpu.yield
      }) : () -> ()
      %dma_start3A_778 = arith.constant 6 : i32
      %dma_start3A_779 = arith.constant 0 : i32
      %dma_start3A_780 = tpu.memref_slice %arg8[%dma_start3A_778, %dma_start3A_779] : memref<10x80xi32, #tpu.memory_space<vmem>> -> memref<1x80xi32, #tpu.memory_space<vmem>>
      %dma_start3A_781 = tpu.memref_squeeze %dma_start3A_780 : memref<1x80xi32, #tpu.memory_space<vmem>> -> memref<80xi32, #tpu.memory_space<vmem>>
      %dma_start3A_782 = arith.constant 0 : i32
      %dma_start3A_783 = arith.constant 0 : i32
      %dma_start3A_784 = tpu.memref_slice %arg4[%dma_start3A_782, %dma_start3A_783] : memref<40000x144xf32, #tpu.memory_space<hbm>> -> memref<40000x144xf32, #tpu.memory_space<hbm>>
      tpu.enqueue_indirect_dma source(%dma_start3A_784 : memref<40000x144xf32, #tpu.memory_space<hbm>>) target(%arg9 : memref<80x144xf32, #tpu.memory_space<vmem>>) offsets(%dma_start3A_781 : memref<80xi32, #tpu.memory_space<vmem>>) semaphore(%arg12 : memref<!tpu.dma_semaphore, #tpu.memory_space<semaphore_mem>>)
      %dma_wait3A_785 = arith.constant 5 : i32
      %dma_wait3A_786 = arith.constant 0 : i32
      %dma_wait3A_787 = tpu.memref_slice %arg8[%dma_wait3A_785, %dma_wait3A_786] : memref<10x80xi32, #tpu.memory_space<vmem>> -> memref<1x80xi32, #tpu.memory_space<vmem>>
      %dma_wait3A_788 = tpu.memref_squeeze %dma_wait3A_787 : memref<1x80xi32, #tpu.memory_space<vmem>> -> memref<80xi32, #tpu.memory_space<vmem>>
      %dma_wait3A_789 = arith.constant 0 : i32
      %dma_wait3A_790 = arith.constant 0 : i32
      %dma_wait3A_791 = tpu.memref_slice %arg4[%dma_wait3A_789, %dma_wait3A_790] : memref<40000x144xf32, #tpu.memory_space<hbm>> -> memref<40000x144xf32, #tpu.memory_space<hbm>>
      tpu.wait_indirect_dma semaphore(%arg13 : memref<!tpu.dma_semaphore, #tpu.memory_space<semaphore_mem>>) src(%dma_wait3A_791 : memref<40000x144xf32, #tpu.memory_space<hbm>>) dst(%arg10 : memref<80x144xf32, #tpu.memory_space<vmem>>)
      %run_scoped3A_792 = arith.constant 5 : i32
      "tpu.region"() ({
        %run_scoped3A_846 = tpu.sem_alloc : memref<!tpu.dma_semaphore, #tpu.memory_space<semaphore_mem>>
        %dma_start3A_847 = arith.constant 0 : i32
        %dma_start3A_848 = tpu.memref_slice %arg7[%run_scoped3A_792, %dma_start3A_847] : memref<10x80xi32, #tpu.memory_space<vmem>> -> memref<1x80xi32, #tpu.memory_space<vmem>>
        %dma_start3A_849 = tpu.memref_squeeze %dma_start3A_848 : memref<1x80xi32, #tpu.memory_space<vmem>> -> memref<80xi32, #tpu.memory_space<vmem>>
        %dma_start3A_850 = arith.constant 0 : i32
        %dma_start3A_851 = arith.constant 0 : i32
        %dma_start3A_852 = tpu.memref_slice %arg11[%dma_start3A_850, %dma_start3A_851] : memref<10000x144xf32, #tpu.memory_space<vmem_shared>> -> memref<10000x144xf32, #tpu.memory_space<vmem_shared>>
        tpu.enqueue_indirect_dma source(%arg10 : memref<80x144xf32, #tpu.memory_space<vmem>>) target(%dma_start3A_852 : memref<10000x144xf32, #tpu.memory_space<vmem_shared>>) offsets(%dma_start3A_849 : memref<80xi32, #tpu.memory_space<vmem>>) semaphore(%run_scoped3A_846 : memref<!tpu.dma_semaphore, #tpu.memory_space<semaphore_mem>>) {add = true}
        %dma_wait3A_853 = arith.constant 0 : i32
        %dma_wait3A_854 = tpu.memref_slice %arg7[%run_scoped3A_792, %dma_wait3A_853] : memref<10x80xi32, #tpu.memory_space<vmem>> -> memref<1x80xi32, #tpu.memory_space<vmem>>
        %dma_wait3A_855 = tpu.memref_squeeze %dma_wait3A_854 : memref<1x80xi32, #tpu.memory_space<vmem>> -> memref<80xi32, #tpu.memory_space<vmem>>
        %dma_wait3A_856 = arith.constant 0 : i32
        %dma_wait3A_857 = arith.constant 0 : i32
        %dma_wait3A_858 = tpu.memref_slice %arg11[%dma_wait3A_856, %dma_wait3A_857] : memref<10000x144xf32, #tpu.memory_space<vmem_shared>> -> memref<10000x144xf32, #tpu.memory_space<vmem_shared>>
        tpu.wait_indirect_dma semaphore(%run_scoped3A_846 : memref<!tpu.dma_semaphore, #tpu.memory_space<semaphore_mem>>) src(%arg10 : memref<80x144xf32, #tpu.memory_space<vmem>>) dst(%dma_wait3A_858 : memref<10000x144xf32, #tpu.memory_space<vmem_shared>>)
        tpu.yield
      }) : () -> ()
      %dma_start3A_793 = arith.constant 7 : i32
      %dma_start3A_794 = arith.constant 0 : i32
      %dma_start3A_795 = tpu.memref_slice %arg8[%dma_start3A_793, %dma_start3A_794] : memref<10x80xi32, #tpu.memory_space<vmem>> -> memref<1x80xi32, #tpu.memory_space<vmem>>
      %dma_start3A_796 = tpu.memref_squeeze %dma_start3A_795 : memref<1x80xi32, #tpu.memory_space<vmem>> -> memref<80xi32, #tpu.memory_space<vmem>>
      %dma_start3A_797 = arith.constant 0 : i32
      %dma_start3A_798 = arith.constant 0 : i32
      %dma_start3A_799 = tpu.memref_slice %arg4[%dma_start3A_797, %dma_start3A_798] : memref<40000x144xf32, #tpu.memory_space<hbm>> -> memref<40000x144xf32, #tpu.memory_space<hbm>>
      tpu.enqueue_indirect_dma source(%dma_start3A_799 : memref<40000x144xf32, #tpu.memory_space<hbm>>) target(%arg10 : memref<80x144xf32, #tpu.memory_space<vmem>>) offsets(%dma_start3A_796 : memref<80xi32, #tpu.memory_space<vmem>>) semaphore(%arg13 : memref<!tpu.dma_semaphore, #tpu.memory_space<semaphore_mem>>)
      %dma_wait3A_800 = arith.constant 6 : i32
      %dma_wait3A_801 = arith.constant 0 : i32
      %dma_wait3A_802 = tpu.memref_slice %arg8[%dma_wait3A_800, %dma_wait3A_801] : memref<10x80xi32, #tpu.memory_space<vmem>> -> memref<1x80xi32, #tpu.memory_space<vmem>>
      %dma_wait3A_803 = tpu.memref_squeeze %dma_wait3A_802 : memref<1x80xi32, #tpu.memory_space<vmem>> -> memref<80xi32, #tpu.memory_space<vmem>>
      %dma_wait3A_804 = arith.constant 0 : i32
      %dma_wait3A_805 = arith.constant 0 : i32
      %dma_wait3A_806 = tpu.memref_slice %arg4[%dma_wait3A_804, %dma_wait3A_805] : memref<40000x144xf32, #tpu.memory_space<hbm>> -> memref<40000x144xf32, #tpu.memory_space<hbm>>
      tpu.wait_indirect_dma semaphore(%arg12 : memref<!tpu.dma_semaphore, #tpu.memory_space<semaphore_mem>>) src(%dma_wait3A_806 : memref<40000x144xf32, #tpu.memory_space<hbm>>) dst(%arg9 : memref<80x144xf32, #tpu.memory_space<vmem>>)
      %run_scoped3A_807 = arith.constant 6 : i32
      "tpu.region"() ({
        %run_scoped3A_846 = tpu.sem_alloc : memref<!tpu.dma_semaphore, #tpu.memory_space<semaphore_mem>>
        %dma_start3A_847 = arith.constant 0 : i32
        %dma_start3A_848 = tpu.memref_slice %arg7[%run_scoped3A_807, %dma_start3A_847] : memref<10x80xi32, #tpu.memory_space<vmem>> -> memref<1x80xi32, #tpu.memory_space<vmem>>
        %dma_start3A_849 = tpu.memref_squeeze %dma_start3A_848 : memref<1x80xi32, #tpu.memory_space<vmem>> -> memref<80xi32, #tpu.memory_space<vmem>>
        %dma_start3A_850 = arith.constant 0 : i32
        %dma_start3A_851 = arith.constant 0 : i32
        %dma_start3A_852 = tpu.memref_slice %arg11[%dma_start3A_850, %dma_start3A_851] : memref<10000x144xf32, #tpu.memory_space<vmem_shared>> -> memref<10000x144xf32, #tpu.memory_space<vmem_shared>>
        tpu.enqueue_indirect_dma source(%arg9 : memref<80x144xf32, #tpu.memory_space<vmem>>) target(%dma_start3A_852 : memref<10000x144xf32, #tpu.memory_space<vmem_shared>>) offsets(%dma_start3A_849 : memref<80xi32, #tpu.memory_space<vmem>>) semaphore(%run_scoped3A_846 : memref<!tpu.dma_semaphore, #tpu.memory_space<semaphore_mem>>) {add = true}
        %dma_wait3A_853 = arith.constant 0 : i32
        %dma_wait3A_854 = tpu.memref_slice %arg7[%run_scoped3A_807, %dma_wait3A_853] : memref<10x80xi32, #tpu.memory_space<vmem>> -> memref<1x80xi32, #tpu.memory_space<vmem>>
        %dma_wait3A_855 = tpu.memref_squeeze %dma_wait3A_854 : memref<1x80xi32, #tpu.memory_space<vmem>> -> memref<80xi32, #tpu.memory_space<vmem>>
        %dma_wait3A_856 = arith.constant 0 : i32
        %dma_wait3A_857 = arith.constant 0 : i32
        %dma_wait3A_858 = tpu.memref_slice %arg11[%dma_wait3A_856, %dma_wait3A_857] : memref<10000x144xf32, #tpu.memory_space<vmem_shared>> -> memref<10000x144xf32, #tpu.memory_space<vmem_shared>>
        tpu.wait_indirect_dma semaphore(%run_scoped3A_846 : memref<!tpu.dma_semaphore, #tpu.memory_space<semaphore_mem>>) src(%arg9 : memref<80x144xf32, #tpu.memory_space<vmem>>) dst(%dma_wait3A_858 : memref<10000x144xf32, #tpu.memory_space<vmem_shared>>)
        tpu.yield
      }) : () -> ()
      %dma_start3A_808 = arith.constant 8 : i32
      %dma_start3A_809 = arith.constant 0 : i32
      %dma_start3A_810 = tpu.memref_slice %arg8[%dma_start3A_808, %dma_start3A_809] : memref<10x80xi32, #tpu.memory_space<vmem>> -> memref<1x80xi32, #tpu.memory_space<vmem>>
      %dma_start3A_811 = tpu.memref_squeeze %dma_start3A_810 : memref<1x80xi32, #tpu.memory_space<vmem>> -> memref<80xi32, #tpu.memory_space<vmem>>
      %dma_start3A_812 = arith.constant 0 : i32
      %dma_start3A_813 = arith.constant 0 : i32
      %dma_start3A_814 = tpu.memref_slice %arg4[%dma_start3A_812, %dma_start3A_813] : memref<40000x144xf32, #tpu.memory_space<hbm>> -> memref<40000x144xf32, #tpu.memory_space<hbm>>
      tpu.enqueue_indirect_dma source(%dma_start3A_814 : memref<40000x144xf32, #tpu.memory_space<hbm>>) target(%arg9 : memref<80x144xf32, #tpu.memory_space<vmem>>) offsets(%dma_start3A_811 : memref<80xi32, #tpu.memory_space<vmem>>) semaphore(%arg12 : memref<!tpu.dma_semaphore, #tpu.memory_space<semaphore_mem>>)
      %dma_wait3A_815 = arith.constant 7 : i32
      %dma_wait3A_816 = arith.constant 0 : i32
      %dma_wait3A_817 = tpu.memref_slice %arg8[%dma_wait3A_815, %dma_wait3A_816] : memref<10x80xi32, #tpu.memory_space<vmem>> -> memref<1x80xi32, #tpu.memory_space<vmem>>
      %dma_wait3A_818 = tpu.memref_squeeze %dma_wait3A_817 : memref<1x80xi32, #tpu.memory_space<vmem>> -> memref<80xi32, #tpu.memory_space<vmem>>
      %dma_wait3A_819 = arith.constant 0 : i32
      %dma_wait3A_820 = arith.constant 0 : i32
      %dma_wait3A_821 = tpu.memref_slice %arg4[%dma_wait3A_819, %dma_wait3A_820] : memref<40000x144xf32, #tpu.memory_space<hbm>> -> memref<40000x144xf32, #tpu.memory_space<hbm>>
      tpu.wait_indirect_dma semaphore(%arg13 : memref<!tpu.dma_semaphore, #tpu.memory_space<semaphore_mem>>) src(%dma_wait3A_821 : memref<40000x144xf32, #tpu.memory_space<hbm>>) dst(%arg10 : memref<80x144xf32, #tpu.memory_space<vmem>>)
      %run_scoped3A_822 = arith.constant 7 : i32
      "tpu.region"() ({
        %run_scoped3A_846 = tpu.sem_alloc : memref<!tpu.dma_semaphore, #tpu.memory_space<semaphore_mem>>
        %dma_start3A_847 = arith.constant 0 : i32
        %dma_start3A_848 = tpu.memref_slice %arg7[%run_scoped3A_822, %dma_start3A_847] : memref<10x80xi32, #tpu.memory_space<vmem>> -> memref<1x80xi32, #tpu.memory_space<vmem>>
        %dma_start3A_849 = tpu.memref_squeeze %dma_start3A_848 : memref<1x80xi32, #tpu.memory_space<vmem>> -> memref<80xi32, #tpu.memory_space<vmem>>
        %dma_start3A_850 = arith.constant 0 : i32
        %dma_start3A_851 = arith.constant 0 : i32
        %dma_start3A_852 = tpu.memref_slice %arg11[%dma_start3A_850, %dma_start3A_851] : memref<10000x144xf32, #tpu.memory_space<vmem_shared>> -> memref<10000x144xf32, #tpu.memory_space<vmem_shared>>
        tpu.enqueue_indirect_dma source(%arg10 : memref<80x144xf32, #tpu.memory_space<vmem>>) target(%dma_start3A_852 : memref<10000x144xf32, #tpu.memory_space<vmem_shared>>) offsets(%dma_start3A_849 : memref<80xi32, #tpu.memory_space<vmem>>) semaphore(%run_scoped3A_846 : memref<!tpu.dma_semaphore, #tpu.memory_space<semaphore_mem>>) {add = true}
        %dma_wait3A_853 = arith.constant 0 : i32
        %dma_wait3A_854 = tpu.memref_slice %arg7[%run_scoped3A_822, %dma_wait3A_853] : memref<10x80xi32, #tpu.memory_space<vmem>> -> memref<1x80xi32, #tpu.memory_space<vmem>>
        %dma_wait3A_855 = tpu.memref_squeeze %dma_wait3A_854 : memref<1x80xi32, #tpu.memory_space<vmem>> -> memref<80xi32, #tpu.memory_space<vmem>>
        %dma_wait3A_856 = arith.constant 0 : i32
        %dma_wait3A_857 = arith.constant 0 : i32
        %dma_wait3A_858 = tpu.memref_slice %arg11[%dma_wait3A_856, %dma_wait3A_857] : memref<10000x144xf32, #tpu.memory_space<vmem_shared>> -> memref<10000x144xf32, #tpu.memory_space<vmem_shared>>
        tpu.wait_indirect_dma semaphore(%run_scoped3A_846 : memref<!tpu.dma_semaphore, #tpu.memory_space<semaphore_mem>>) src(%arg10 : memref<80x144xf32, #tpu.memory_space<vmem>>) dst(%dma_wait3A_858 : memref<10000x144xf32, #tpu.memory_space<vmem_shared>>)
        tpu.yield
      }) : () -> ()
      %dma_start3A_823 = arith.constant 9 : i32
      %dma_start3A_824 = arith.constant 0 : i32
      %dma_start3A_825 = tpu.memref_slice %arg8[%dma_start3A_823, %dma_start3A_824] : memref<10x80xi32, #tpu.memory_space<vmem>> -> memref<1x80xi32, #tpu.memory_space<vmem>>
      %dma_start3A_826 = tpu.memref_squeeze %dma_start3A_825 : memref<1x80xi32, #tpu.memory_space<vmem>> -> memref<80xi32, #tpu.memory_space<vmem>>
      %dma_start3A_827 = arith.constant 0 : i32
      %dma_start3A_828 = arith.constant 0 : i32
      %dma_start3A_829 = tpu.memref_slice %arg4[%dma_start3A_827, %dma_start3A_828] : memref<40000x144xf32, #tpu.memory_space<hbm>> -> memref<40000x144xf32, #tpu.memory_space<hbm>>
      tpu.enqueue_indirect_dma source(%dma_start3A_829 : memref<40000x144xf32, #tpu.memory_space<hbm>>) target(%arg10 : memref<80x144xf32, #tpu.memory_space<vmem>>) offsets(%dma_start3A_826 : memref<80xi32, #tpu.memory_space<vmem>>) semaphore(%arg13 : memref<!tpu.dma_semaphore, #tpu.memory_space<semaphore_mem>>)
      %dma_wait3A_830 = arith.constant 8 : i32
      %dma_wait3A_831 = arith.constant 0 : i32
      %dma_wait3A_832 = tpu.memref_slice %arg8[%dma_wait3A_830, %dma_wait3A_831] : memref<10x80xi32, #tpu.memory_space<vmem>> -> memref<1x80xi32, #tpu.memory_space<vmem>>
      %dma_wait3A_833 = tpu.memref_squeeze %dma_wait3A_832 : memref<1x80xi32, #tpu.memory_space<vmem>> -> memref<80xi32, #tpu.memory_space<vmem>>
      %dma_wait3A_834 = arith.constant 0 : i32
      %dma_wait3A_835 = arith.constant 0 : i32
      %dma_wait3A_836 = tpu.memref_slice %arg4[%dma_wait3A_834, %dma_wait3A_835] : memref<40000x144xf32, #tpu.memory_space<hbm>> -> memref<40000x144xf32, #tpu.memory_space<hbm>>
      tpu.wait_indirect_dma semaphore(%arg12 : memref<!tpu.dma_semaphore, #tpu.memory_space<semaphore_mem>>) src(%dma_wait3A_836 : memref<40000x144xf32, #tpu.memory_space<hbm>>) dst(%arg9 : memref<80x144xf32, #tpu.memory_space<vmem>>)
      %run_scoped3A_837 = arith.constant 8 : i32
      "tpu.region"() ({
        %run_scoped3A_846 = tpu.sem_alloc : memref<!tpu.dma_semaphore, #tpu.memory_space<semaphore_mem>>
        %dma_start3A_847 = arith.constant 0 : i32
        %dma_start3A_848 = tpu.memref_slice %arg7[%run_scoped3A_837, %dma_start3A_847] : memref<10x80xi32, #tpu.memory_space<vmem>> -> memref<1x80xi32, #tpu.memory_space<vmem>>
        %dma_start3A_849 = tpu.memref_squeeze %dma_start3A_848 : memref<1x80xi32, #tpu.memory_space<vmem>> -> memref<80xi32, #tpu.memory_space<vmem>>
        %dma_start3A_850 = arith.constant 0 : i32
        %dma_start3A_851 = arith.constant 0 : i32
        %dma_start3A_852 = tpu.memref_slice %arg11[%dma_start3A_850, %dma_start3A_851] : memref<10000x144xf32, #tpu.memory_space<vmem_shared>> -> memref<10000x144xf32, #tpu.memory_space<vmem_shared>>
        tpu.enqueue_indirect_dma source(%arg9 : memref<80x144xf32, #tpu.memory_space<vmem>>) target(%dma_start3A_852 : memref<10000x144xf32, #tpu.memory_space<vmem_shared>>) offsets(%dma_start3A_849 : memref<80xi32, #tpu.memory_space<vmem>>) semaphore(%run_scoped3A_846 : memref<!tpu.dma_semaphore, #tpu.memory_space<semaphore_mem>>) {add = true}
        %dma_wait3A_853 = arith.constant 0 : i32
        %dma_wait3A_854 = tpu.memref_slice %arg7[%run_scoped3A_837, %dma_wait3A_853] : memref<10x80xi32, #tpu.memory_space<vmem>> -> memref<1x80xi32, #tpu.memory_space<vmem>>
        %dma_wait3A_855 = tpu.memref_squeeze %dma_wait3A_854 : memref<1x80xi32, #tpu.memory_space<vmem>> -> memref<80xi32, #tpu.memory_space<vmem>>
        %dma_wait3A_856 = arith.constant 0 : i32
        %dma_wait3A_857 = arith.constant 0 : i32
        %dma_wait3A_858 = tpu.memref_slice %arg11[%dma_wait3A_856, %dma_wait3A_857] : memref<10000x144xf32, #tpu.memory_space<vmem_shared>> -> memref<10000x144xf32, #tpu.memory_space<vmem_shared>>
        tpu.wait_indirect_dma semaphore(%run_scoped3A_846 : memref<!tpu.dma_semaphore, #tpu.memory_space<semaphore_mem>>) src(%arg9 : memref<80x144xf32, #tpu.memory_space<vmem>>) dst(%dma_wait3A_858 : memref<10000x144xf32, #tpu.memory_space<vmem_shared>>)
        tpu.yield
      }) : () -> ()
      %dma_wait3A_838 = arith.constant 9 : i32
      %dma_wait3A_839 = arith.constant 0 : i32
      %dma_wait3A_840 = tpu.memref_slice %arg8[%dma_wait3A_838, %dma_wait3A_839] : memref<10x80xi32, #tpu.memory_space<vmem>> -> memref<1x80xi32, #tpu.memory_space<vmem>>
      %dma_wait3A_841 = tpu.memref_squeeze %dma_wait3A_840 : memref<1x80xi32, #tpu.memory_space<vmem>> -> memref<80xi32, #tpu.memory_space<vmem>>
      %dma_wait3A_842 = arith.constant 0 : i32
      %dma_wait3A_843 = arith.constant 0 : i32
      %dma_wait3A_844 = tpu.memref_slice %arg4[%dma_wait3A_842, %dma_wait3A_843] : memref<40000x144xf32, #tpu.memory_space<hbm>> -> memref<40000x144xf32, #tpu.memory_space<hbm>>
      tpu.wait_indirect_dma semaphore(%arg13 : memref<!tpu.dma_semaphore, #tpu.memory_space<semaphore_mem>>) src(%dma_wait3A_844 : memref<40000x144xf32, #tpu.memory_space<hbm>>) dst(%arg10 : memref<80x144xf32, #tpu.memory_space<vmem>>)
      %run_scoped3A_845 = arith.constant 9 : i32
      "tpu.region"() ({
        %run_scoped3A_846 = tpu.sem_alloc : memref<!tpu.dma_semaphore, #tpu.memory_space<semaphore_mem>>
        %dma_start3A_847 = arith.constant 0 : i32
        %dma_start3A_848 = tpu.memref_slice %arg7[%run_scoped3A_845, %dma_start3A_847] : memref<10x80xi32, #tpu.memory_space<vmem>> -> memref<1x80xi32, #tpu.memory_space<vmem>>
        %dma_start3A_849 = tpu.memref_squeeze %dma_start3A_848 : memref<1x80xi32, #tpu.memory_space<vmem>> -> memref<80xi32, #tpu.memory_space<vmem>>
        %dma_start3A_850 = arith.constant 0 : i32
        %dma_start3A_851 = arith.constant 0 : i32
        %dma_start3A_852 = tpu.memref_slice %arg11[%dma_start3A_850, %dma_start3A_851] : memref<10000x144xf32, #tpu.memory_space<vmem_shared>> -> memref<10000x144xf32, #tpu.memory_space<vmem_shared>>
        tpu.enqueue_indirect_dma source(%arg10 : memref<80x144xf32, #tpu.memory_space<vmem>>) target(%dma_start3A_852 : memref<10000x144xf32, #tpu.memory_space<vmem_shared>>) offsets(%dma_start3A_849 : memref<80xi32, #tpu.memory_space<vmem>>) semaphore(%run_scoped3A_846 : memref<!tpu.dma_semaphore, #tpu.memory_space<semaphore_mem>>) {add = true}
        %dma_wait3A_853 = arith.constant 0 : i32
        %dma_wait3A_854 = tpu.memref_slice %arg7[%run_scoped3A_845, %dma_wait3A_853] : memref<10x80xi32, #tpu.memory_space<vmem>> -> memref<1x80xi32, #tpu.memory_space<vmem>>
        %dma_wait3A_855 = tpu.memref_squeeze %dma_wait3A_854 : memref<1x80xi32, #tpu.memory_space<vmem>> -> memref<80xi32, #tpu.memory_space<vmem>>
        %dma_wait3A_856 = arith.constant 0 : i32
        %dma_wait3A_857 = arith.constant 0 : i32
        %dma_wait3A_858 = tpu.memref_slice %arg11[%dma_wait3A_856, %dma_wait3A_857] : memref<10000x144xf32, #tpu.memory_space<vmem_shared>> -> memref<10000x144xf32, #tpu.memory_space<vmem_shared>>
        tpu.wait_indirect_dma semaphore(%run_scoped3A_846 : memref<!tpu.dma_semaphore, #tpu.memory_space<semaphore_mem>>) src(%arg10 : memref<80x144xf32, #tpu.memory_space<vmem>>) dst(%dma_wait3A_858 : memref<10000x144xf32, #tpu.memory_space<vmem_shared>>)
        tpu.yield
      }) : () -> ()
    }
    %scan3A_37 = arith.constant 25 : i32
    %barrier3A_38 = arith.constant 0 : index
    tpu.barrier barrier_id(%barrier3A_38)
    %mul3A_39 = arith.constant 625 : i32
    %mul3A_40 = arith.muli %arg1, %mul3A_39 : i32
    %mul3A_41 = arith.constant 625 : i32
    %mul3A_42 = arith.muli %arg1, %mul3A_41 : i32
    %run_scoped3A_43 = arith.constant 1 : i32
    "tpu.region"() ({
      %run_scoped3A_45 = tpu.sem_alloc : memref<!tpu.dma_semaphore, #tpu.memory_space<semaphore_mem>>
      %dma_start3A = arith.constant 0 : i32
      %dma_start3A_46 = tpu.memref_slice %arg5[%arg0, %run_scoped3A_43, %mul3A_42, %dma_start3A] : memref<2x2x10000x144xf32, #tpu.memory_space<hbm>> -> memref<1x1x625x144xf32, #tpu.memory_space<hbm>>
      %dma_start3A_47 = tpu.memref_squeeze %dma_start3A_46 : memref<1x1x625x144xf32, #tpu.memory_space<hbm>> -> memref<625x144xf32, #tpu.memory_space<hbm>>
      %dma_start3A_48 = arith.constant 0 : i32
      %dma_start3A_49 = tpu.memref_slice %arg11[%mul3A_40, %dma_start3A_48] : memref<10000x144xf32, #tpu.memory_space<vmem_shared>> -> memref<625x144xf32, #tpu.memory_space<vmem_shared>>
      tpu.enqueue_dma source(%dma_start3A_49 : memref<625x144xf32, #tpu.memory_space<vmem_shared>>) target(%dma_start3A_47 : memref<625x144xf32, #tpu.memory_space<hbm>>) target_semaphore(%run_scoped3A_45 : memref<!tpu.dma_semaphore, #tpu.memory_space<semaphore_mem>>)
      %dma_wait3A = arith.constant 0 : i32
      %dma_wait3A_50 = tpu.memref_slice %arg5[%arg0, %run_scoped3A_43, %mul3A_42, %dma_wait3A] : memref<2x2x10000x144xf32, #tpu.memory_space<hbm>> -> memref<1x1x625x144xf32, #tpu.memory_space<hbm>>
      %dma_wait3A_51 = tpu.memref_squeeze %dma_wait3A_50 : memref<1x1x625x144xf32, #tpu.memory_space<hbm>> -> memref<625x144xf32, #tpu.memory_space<hbm>>
      %dma_wait3A_52 = arith.constant 0 : i32
      %dma_wait3A_53 = tpu.memref_slice %arg11[%mul3A_40, %dma_wait3A_52] : memref<10000x144xf32, #tpu.memory_space<vmem_shared>> -> memref<625x144xf32, #tpu.memory_space<vmem_shared>>
      tpu.wait_dma2 semaphore(%run_scoped3A_45 : memref<!tpu.dma_semaphore, #tpu.memory_space<semaphore_mem>>) src(%dma_wait3A_53 : memref<625x144xf32, #tpu.memory_space<vmem_shared>>) dst(%dma_wait3A_51 : memref<625x144xf32, #tpu.memory_space<hbm>>)
      tpu.yield
    }) : () -> ()
    %barrier3A_44 = arith.constant 0 : index
    tpu.barrier barrier_id(%barrier3A_44)
    return
  }
}

module attributes {stable_mosaic.version = 14 : i64} {
  func.func @_mm_kernel(%arg0: i32, %arg1: i32, %arg2: memref<200x1536xf32, #tpu.memory_space<vmem>>, %arg3: memref<1x1536x144xf32, #tpu.memory_space<vmem>>, %arg4: memref<200x1xf32, #tpu.memory_space<vmem>>, %arg5: memref<200x1xf32, #tpu.memory_space<vmem>>, %arg6: memref<200x144xf32, #tpu.memory_space<vmem>>) attributes {dimension_semantics = [#tpu.dimension_semantics<arbitrary>, #tpu.dimension_semantics<arbitrary>], iteration_bounds = array<i64: 100, 2>, scalar_prefetch = 0 : i64, scratch_operands = 0 : i64, tpu.core_type = #tpu.core_type<tc>, window_params = [{transform_indices = @transform_0, window_bounds = array<i64: 200, 1536>}, {transform_indices = @transform_1, window_bounds = array<i64: 1, 1536, 144>}, {transform_indices = @transform_2, window_bounds = array<i64: 200, 1>}, {transform_indices = @transform_3, window_bounds = array<i64: 200, 1>}, {transform_indices = @transform_4, window_bounds = array<i64: 200, 144>}]} {
    %get3A = arith.constant 0 : index
    %get3A_0 = arith.constant 0 : index
    %get3A_1 = vector.load %arg4[%get3A, %get3A_0] : memref<200x1xf32, #tpu.memory_space<vmem>>, vector<200x1xf32>
    %get3A_2 = arith.constant 0 : index
    %get3A_3 = arith.constant 0 : index
    %get3A_4 = vector.load %arg5[%get3A_2, %get3A_3] : memref<200x1xf32, #tpu.memory_space<vmem>>, vector<200x1xf32>
    %add3A = arith.addf %get3A_1, %get3A_4 : vector<200x1xf32>
    %add3A_5 = arith.constant 1.000000e+00 : f32
    %add3A_6 = vector.broadcast %add3A_5 : f32 to vector<200x1xf32>
    %add3A_7 = arith.addf %add3A, %add3A_6 : vector<200x1xf32>
    %rsqrt3A = math.rsqrt %add3A_7 : vector<200x1xf32>
    %get3A_8 = arith.constant 0 : index
    %get3A_9 = arith.constant 0 : index
    %get3A_10 = vector.load %arg2[%get3A_8, %get3A_9] : memref<200x1536xf32, #tpu.memory_space<vmem>>, vector<200x1536xf32>
    %get3A_11 = arith.constant 0 : index
    %get3A_12 = arith.constant 0 : index
    %get3A_13 = arith.constant 0 : index
    %get3A_14 = vector.load %arg3[%get3A_11, %get3A_12, %get3A_13] : memref<1x1536x144xf32, #tpu.memory_space<vmem>>, vector<1x1536x144xf32>
    %get3A_15 = vector.shape_cast %get3A_14 : vector<1x1536x144xf32> to vector<1536x144xf32>
    %dot_general3A = arith.constant dense<0.000000e+00> : vector<200x144xf32>
    %dot_general3A_16 = tpu.matmul %get3A_10, %get3A_15, %dot_general3A {dimension_numbers = #tpu.dot_dimension_numbers<[1], [0], [0], [1], [0, 0, 1, 1], [], []>, transpose_lhs_hint = false} : vector<200x1536xf32>, vector<1536x144xf32>, vector<200x144xf32> -> vector<200x144xf32>
    %mul3A = vector.broadcast %rsqrt3A : vector<200x1xf32> to vector<200x144xf32>
    %mul3A_17 = arith.mulf %dot_general3A_16, %mul3A : vector<200x144xf32>
    %swap3A = arith.constant 0 : index
    %swap3A_18 = arith.constant 0 : index
    %swap3A_19 = vector.load %arg6[%swap3A, %swap3A_18] : memref<200x144xf32, #tpu.memory_space<vmem>>, vector<200x144xf32>
    tpu.vector_store %arg6[%swap3A, %swap3A_18], %mul3A_17 {strides = array<i32>} : memref<200x144xf32, #tpu.memory_space<vmem>>, vector<200x144xf32>,
    return
  }
  func.func @transform_0(%arg0: i32, %arg1: i32) -> (i32, i32) {
    %c0_i32 = arith.constant 0 : i32
    %c0_i32_0 = arith.constant 0 : i32
    return %arg0, %c0_i32 : i32, i32
  }
  func.func @transform_1(%arg0: i32, %arg1: i32) -> (i32, i32, i32) {
    %c0_i32 = arith.constant 0 : i32
    %c0_i32_0 = arith.constant 0 : i32
    %c0_i32_1 = arith.constant 0 : i32
    return %arg1, %c0_i32, %c0_i32_0 : i32, i32, i32
  }
  func.func @transform_2(%arg0: i32, %arg1: i32) -> (i32, i32) {
    %jit3A = arith.constant 50 : i32
    %eq3A = arith.constant 0 : i32
    %eq3A_0 = arith.cmpi eq, %jit3A, %eq3A : i32
    %jit3A_1 = arith.constant 1 : i32
    %select_n3A = arith.select %eq3A_0, %jit3A_1, %jit3A : i32
    %rem3A = arith.remsi %arg0, %select_n3A : i32
    %ne3A = arith.constant 0 : i32
    %ne3A_2 = arith.cmpi ne, %rem3A, %ne3A : i32
    %lt3A = arith.constant 0 : i32
    %lt3A_3 = arith.cmpi slt, %rem3A, %lt3A : i32
    %lt3A_4 = arith.constant 0 : i32
    %lt3A_5 = arith.cmpi slt, %select_n3A, %lt3A_4 : i32
    %ne3A_6 = arith.xori %lt3A_3, %lt3A_5 : i1
    %and3A = arith.andi %ne3A_6, %ne3A_2 : i1
    %add3A = arith.addi %rem3A, %select_n3A : i32
    %select_n3A_7 = arith.select %and3A, %add3A, %rem3A : i32
    %c0_i32 = arith.constant 0 : i32
    %c0_i32_8 = arith.constant 0 : i32
    return %select_n3A_7, %c0_i32 : i32, i32
  }
  func.func @transform_3(%arg0: i32, %arg1: i32) -> (i32, i32) {
    %jit3A = arith.constant 50 : i32
    %eq3A = arith.constant 0 : i32
    %eq3A_0 = arith.cmpi eq, %jit3A, %eq3A : i32
    %jit3A_1 = arith.constant 1 : i32
    %select_n3A = arith.select %eq3A_0, %jit3A_1, %jit3A : i32
    %rem3A = arith.remsi %arg0, %select_n3A : i32
    %ne3A = arith.constant 0 : i32
    %ne3A_2 = arith.cmpi ne, %rem3A, %ne3A : i32
    %lt3A = arith.constant 0 : i32
    %lt3A_3 = arith.cmpi slt, %rem3A, %lt3A : i32
    %lt3A_4 = arith.constant 0 : i32
    %lt3A_5 = arith.cmpi slt, %select_n3A, %lt3A_4 : i32
    %ne3A_6 = arith.xori %lt3A_3, %lt3A_5 : i1
    %and3A = arith.andi %ne3A_6, %ne3A_2 : i1
    %add3A = arith.addi %rem3A, %select_n3A : i32
    %select_n3A_7 = arith.select %and3A, %add3A, %rem3A : i32
    %c0_i32 = arith.constant 0 : i32
    %c0_i32_8 = arith.constant 0 : i32
    return %select_n3A_7, %c0_i32 : i32, i32
  }
  func.func @transform_4(%arg0: i32, %arg1: i32) -> (i32, i32) {
    %jit3A = arith.constant 50 : i32
    %div3A = arith.divsi %arg0, %jit3A : i32
    %sign3A = arith.constant 0 : i32
    %sign3A_0 = arith.cmpi sgt, %arg0, %sign3A : i32
    %sign3A_1 = arith.extui %sign3A_0 : i1 to i32
    %sign3A_2 = arith.constant 0 : i32
    %sign3A_3 = arith.cmpi slt, %arg0, %sign3A_2 : i32
    %sign3A_4 = arith.extui %sign3A_3 : i1 to i32
    %sign3A_5 = arith.subi %sign3A_1, %sign3A_4 : i32
    %sign3A_6 = arith.constant 0 : i32
    %sign3A_7 = arith.cmpi sgt, %jit3A, %sign3A_6 : i32
    %sign3A_8 = arith.extui %sign3A_7 : i1 to i32
    %sign3A_9 = arith.constant 0 : i32
    %sign3A_10 = arith.cmpi slt, %jit3A, %sign3A_9 : i32
    %sign3A_11 = arith.extui %sign3A_10 : i1 to i32
    %sign3A_12 = arith.subi %sign3A_8, %sign3A_11 : i32
    %ne3A = arith.cmpi ne, %sign3A_5, %sign3A_12 : i32
    %rem3A = arith.remsi %arg0, %jit3A : i32
    %ne3A_13 = arith.constant 0 : i32
    %ne3A_14 = arith.cmpi ne, %rem3A, %ne3A_13 : i32
    %and3A = arith.andi %ne3A, %ne3A_14 : i1
    %sub3A = arith.constant 1 : i32
    %sub3A_15 = arith.subi %div3A, %sub3A : i32
    %select_n3A = arith.select %and3A, %sub3A_15, %div3A : i32
    %mul3A = arith.constant 2 : i32
    %mul3A_16 = arith.muli %select_n3A, %mul3A : i32
    %mul3A_17 = arith.constant 50 : i32
    %mul3A_18 = arith.muli %mul3A_16, %mul3A_17 : i32
    %mul3A_19 = arith.constant 50 : i32
    %mul3A_20 = arith.muli %arg1, %mul3A_19 : i32
    %add3A = arith.addi %mul3A_18, %mul3A_20 : i32
    %jit3A_21 = arith.constant 50 : i32
    %eq3A = arith.constant 0 : i32
    %eq3A_22 = arith.cmpi eq, %jit3A_21, %eq3A : i32
    %jit3A_23 = arith.constant 1 : i32
    %select_n3A_24 = arith.select %eq3A_22, %jit3A_23, %jit3A_21 : i32
    %rem3A_25 = arith.remsi %arg0, %select_n3A_24 : i32
    %ne3A_26 = arith.constant 0 : i32
    %ne3A_27 = arith.cmpi ne, %rem3A_25, %ne3A_26 : i32
    %lt3A = arith.constant 0 : i32
    %lt3A_28 = arith.cmpi slt, %rem3A_25, %lt3A : i32
    %lt3A_29 = arith.constant 0 : i32
    %lt3A_30 = arith.cmpi slt, %select_n3A_24, %lt3A_29 : i32
    %ne3A_31 = arith.xori %lt3A_28, %lt3A_30 : i1
    %and3A_32 = arith.andi %ne3A_31, %ne3A_27 : i1
    %add3A_33 = arith.addi %rem3A_25, %select_n3A_24 : i32
    %select_n3A_34 = arith.select %and3A_32, %add3A_33, %rem3A_25 : i32
    %add3A_35 = arith.addi %add3A, %select_n3A_34 : i32
    %c0_i32 = arith.constant 0 : i32
    %c0_i32_36 = arith.constant 0 : i32
    return %add3A_35, %c0_i32 : i32, i32
  }
}

module attributes {stable_mosaic.version = 14 : i64} {
  func.func @_fin_kernel(%arg0: i32, %arg1: i32, %arg2: memref<1x2x1000x144xf32, #tpu.memory_space<vmem>>, %arg3: memref<1x1000x12xf32, #tpu.memory_space<vmem>>, %arg4: memref<1000x1xf32, #tpu.memory_space<vmem>>, %arg5: memref<1000x1xf32, #tpu.memory_space<vmem>>, %arg6: memref<1x144xf32, #tpu.memory_space<vmem>>, %arg7: memref<2x144x12xf32, #tpu.memory_space<vmem>>, %arg8: memref<12x12xf32, #tpu.memory_space<vmem>>, %arg9: memref<1x12xf32, #tpu.memory_space<vmem>>, %arg10: memref<1x1000x12xf32, #tpu.memory_space<vmem>>) attributes {dimension_semantics = [#tpu.dimension_semantics<arbitrary>, #tpu.dimension_semantics<arbitrary>], iteration_bounds = array<i64: 2, 10>, scalar_prefetch = 0 : i64, scratch_operands = 0 : i64, tpu.core_type = #tpu.core_type<tc>, window_params = [{transform_indices = @transform_0, window_bounds = array<i64: 1, 2, 1000, 144>}, {transform_indices = @transform_1, window_bounds = array<i64: 1, 1000, 12>}, {transform_indices = @transform_2, window_bounds = array<i64: 1000, 1>}, {transform_indices = @transform_3, window_bounds = array<i64: 1000, 1>}, {pipeline_mode = #tpu.pipeline_mode<synchronous>, transform_indices = @transform_4, window_bounds = array<i64: 1, 144>}, {pipeline_mode = #tpu.pipeline_mode<synchronous>, transform_indices = @transform_5, window_bounds = array<i64: 2, 144, 12>}, {pipeline_mode = #tpu.pipeline_mode<synchronous>, transform_indices = @transform_6, window_bounds = array<i64: 12, 12>}, {pipeline_mode = #tpu.pipeline_mode<synchronous>, transform_indices = @transform_7, window_bounds = array<i64: 1, 12>}, {transform_indices = @transform_8, window_bounds = array<i64: 1, 1000, 12>}]} {
    %get3A = arith.constant 0 : index
    %get3A_0 = arith.constant 0 : index
    %get3A_1 = vector.load %arg4[%get3A, %get3A_0] : memref<1000x1xf32, #tpu.memory_space<vmem>>, vector<1000x1xf32>
    %get3A_2 = arith.constant 0 : index
    %get3A_3 = arith.constant 0 : index
    %get3A_4 = vector.load %arg5[%get3A_2, %get3A_3] : memref<1000x1xf32, #tpu.memory_space<vmem>>, vector<1000x1xf32>
    %add3A = arith.addf %get3A_1, %get3A_4 : vector<1000x1xf32>
    %add3A_5 = arith.constant 1.000000e+00 : f32
    %add3A_6 = vector.broadcast %add3A_5 : f32 to vector<1000x1xf32>
    %add3A_7 = arith.addf %add3A, %add3A_6 : vector<1000x1xf32>
    %rsqrt3A = math.rsqrt %add3A_7 : vector<1000x1xf32>
    %broadcast_in_dim3A = arith.constant 0.000000e+00 : f32
    %broadcast_in_dim3A_8 = vector.broadcast %broadcast_in_dim3A : f32 to vector<1000x12xf32>
    %get3A_9 = arith.constant 0 : index
    %get3A_10 = arith.constant 0 : index
    %get3A_11 = arith.constant 0 : index
    %get3A_12 = arith.constant 0 : index
    %get3A_13 = vector.load %arg2[%get3A_9, %get3A_10, %get3A_11, %get3A_12] : memref<1x2x1000x144xf32, #tpu.memory_space<vmem>>, vector<1x1x1000x144xf32>
    %get3A_14 = vector.shape_cast %get3A_13 : vector<1x1x1000x144xf32> to vector<1000x144xf32>
    %mul3A = vector.broadcast %rsqrt3A : vector<1000x1xf32> to vector<1000x144xf32>
    %mul3A_15 = arith.mulf %get3A_14, %mul3A : vector<1000x144xf32>
    %get3A_16 = arith.constant 0 : index
    %get3A_17 = arith.constant 0 : index
    %get3A_18 = vector.load %arg6[%get3A_16, %get3A_17] : memref<1x144xf32, #tpu.memory_space<vmem>>, vector<1x144xf32>
    %add3A_19 = vector.broadcast %get3A_18 : vector<1x144xf32> to vector<1000x144xf32>
    %add3A_20 = arith.addf %mul3A_15, %add3A_19 : vector<1000x144xf32>
    %logistic3A = arith.negf %add3A_20 : vector<1000x144xf32>
    %logistic3A_21 = math.exp %logistic3A : vector<1000x144xf32>
    %logistic3A_22 = arith.constant 1.000000e+00 : f32
    %logistic3A_23 = vector.broadcast %logistic3A_22 : f32 to vector<1000x144xf32>
    %logistic3A_24 = arith.addf %logistic3A_23, %logistic3A_21 : vector<1000x144xf32>
    %logistic3A_25 = arith.divf %logistic3A_23, %logistic3A_24 : vector<1000x144xf32>
    %tanh3A = math.tanh %add3A_20 : vector<1000x144xf32>
    %slice3A = vector.extract_strided_slice %tanh3A {offsets = [0, 12], sizes = [1000, 132], strides = [1, 1]} : vector<1000x144xf32> to vector<1000x132xf32>
    %slice3A_26 = vector.extract_strided_slice %tanh3A {offsets = [0, 0], sizes = [1000, 12], strides = [1, 1]} : vector<1000x144xf32> to vector<1000x12xf32>
    %concatenate3A = tpu.concatenate %slice3A, %slice3A_26 in 1 : vector<1000x132xf32>, vector<1000x12xf32> -> vector<1000x144xf32>
    %sub3A = arith.constant 1.000000e+00 : f32
    %sub3A_27 = vector.broadcast %sub3A : f32 to vector<1000x144xf32>
    %sub3A_28 = arith.subf %sub3A_27, %logistic3A_25 : vector<1000x144xf32>
    %mul3A_29 = arith.mulf %sub3A_28, %concatenate3A : vector<1000x144xf32>
    %get3A_30 = arith.constant 0 : index
    %get3A_31 = arith.constant 0 : index
    %get3A_32 = arith.constant 0 : index
    %get3A_33 = vector.load %arg7[%get3A_30, %get3A_31, %get3A_32] : memref<2x144x12xf32, #tpu.memory_space<vmem>>, vector<1x144x12xf32>
    %get3A_34 = vector.shape_cast %get3A_33 : vector<1x144x12xf32> to vector<144x12xf32>
    %dot_general3A = arith.constant dense<0.000000e+00> : vector<1000x12xf32>
    %dot_general3A_35 = tpu.matmul %mul3A_29, %get3A_34, %dot_general3A {dimension_numbers = #tpu.dot_dimension_numbers<[1], [0], [0], [1], [0, 0, 1, 1], [], []>, transpose_lhs_hint = false} : vector<1000x144xf32>, vector<144x12xf32>, vector<1000x12xf32> -> vector<1000x12xf32>
    %add3A_36 = arith.addf %broadcast_in_dim3A_8, %dot_general3A_35 : vector<1000x12xf32>
    %get3A_37 = arith.constant 0 : index
    %get3A_38 = arith.constant 1 : index
    %get3A_39 = arith.constant 0 : index
    %get3A_40 = arith.constant 0 : index
    %get3A_41 = vector.load %arg2[%get3A_37, %get3A_38, %get3A_39, %get3A_40] : memref<1x2x1000x144xf32, #tpu.memory_space<vmem>>, vector<1x1x1000x144xf32>
    %get3A_42 = vector.shape_cast %get3A_41 : vector<1x1x1000x144xf32> to vector<1000x144xf32>
    %mul3A_43 = vector.broadcast %rsqrt3A : vector<1000x1xf32> to vector<1000x144xf32>
    %mul3A_44 = arith.mulf %get3A_42, %mul3A_43 : vector<1000x144xf32>
    %get3A_45 = arith.constant 0 : index
    %get3A_46 = arith.constant 0 : index
    %get3A_47 = vector.load %arg6[%get3A_45, %get3A_46] : memref<1x144xf32, #tpu.memory_space<vmem>>, vector<1x144xf32>
    %add3A_48 = vector.broadcast %get3A_47 : vector<1x144xf32> to vector<1000x144xf32>
    %add3A_49 = arith.addf %mul3A_44, %add3A_48 : vector<1000x144xf32>
    %logistic3A_50 = arith.negf %add3A_49 : vector<1000x144xf32>
    %logistic3A_51 = math.exp %logistic3A_50 : vector<1000x144xf32>
    %logistic3A_52 = arith.constant 1.000000e+00 : f32
    %logistic3A_53 = vector.broadcast %logistic3A_52 : f32 to vector<1000x144xf32>
    %logistic3A_54 = arith.addf %logistic3A_53, %logistic3A_51 : vector<1000x144xf32>
    %logistic3A_55 = arith.divf %logistic3A_53, %logistic3A_54 : vector<1000x144xf32>
    %tanh3A_56 = math.tanh %add3A_49 : vector<1000x144xf32>
    %slice3A_57 = vector.extract_strided_slice %tanh3A_56 {offsets = [0, 12], sizes = [1000, 132], strides = [1, 1]} : vector<1000x144xf32> to vector<1000x132xf32>
    %slice3A_58 = vector.extract_strided_slice %tanh3A_56 {offsets = [0, 0], sizes = [1000, 12], strides = [1, 1]} : vector<1000x144xf32> to vector<1000x12xf32>
    %concatenate3A_59 = tpu.concatenate %slice3A_57, %slice3A_58 in 1 : vector<1000x132xf32>, vector<1000x12xf32> -> vector<1000x144xf32>
    %sub3A_60 = arith.constant 1.000000e+00 : f32
    %sub3A_61 = vector.broadcast %sub3A_60 : f32 to vector<1000x144xf32>
    %sub3A_62 = arith.subf %sub3A_61, %logistic3A_55 : vector<1000x144xf32>
    %mul3A_63 = arith.mulf %sub3A_62, %concatenate3A_59 : vector<1000x144xf32>
    %get3A_64 = arith.constant 1 : index
    %get3A_65 = arith.constant 0 : index
    %get3A_66 = arith.constant 0 : index
    %get3A_67 = vector.load %arg7[%get3A_64, %get3A_65, %get3A_66] : memref<2x144x12xf32, #tpu.memory_space<vmem>>, vector<1x144x12xf32>
    %get3A_68 = vector.shape_cast %get3A_67 : vector<1x144x12xf32> to vector<144x12xf32>
    %dot_general3A_69 = arith.constant dense<0.000000e+00> : vector<1000x12xf32>
    %dot_general3A_70 = tpu.matmul %mul3A_63, %get3A_68, %dot_general3A_69 {dimension_numbers = #tpu.dot_dimension_numbers<[1], [0], [0], [1], [0, 0, 1, 1], [], []>, transpose_lhs_hint = false} : vector<1000x144xf32>, vector<144x12xf32>, vector<1000x12xf32> -> vector<1000x12xf32>
    %add3A_71 = arith.addf %add3A_36, %dot_general3A_70 : vector<1000x12xf32>
    %get3A_72 = arith.constant 0 : index
    %get3A_73 = arith.constant 0 : index
    %get3A_74 = arith.constant 0 : index
    %get3A_75 = vector.load %arg3[%get3A_72, %get3A_73, %get3A_74] : memref<1x1000x12xf32, #tpu.memory_space<vmem>>, vector<1x1000x12xf32>
    %get3A_76 = vector.shape_cast %get3A_75 : vector<1x1000x12xf32> to vector<1000x12xf32>
    %add3A_77 = arith.addf %add3A_71, %get3A_76 : vector<1000x12xf32>
    %max3A = arith.constant 0.000000e+00 : f32
    %max3A_78 = vector.broadcast %max3A : f32 to vector<1000x12xf32>
    %max3A_79 = arith.maximumf %add3A_77, %max3A_78 : vector<1000x12xf32>
    %get3A_80 = arith.constant 0 : index
    %get3A_81 = arith.constant 0 : index
    %get3A_82 = vector.load %arg8[%get3A_80, %get3A_81] : memref<12x12xf32, #tpu.memory_space<vmem>>, vector<12x12xf32>
    %dot_general3A_83 = arith.constant dense<0.000000e+00> : vector<1000x12xf32>
    %dot_general3A_84 = tpu.matmul %max3A_79, %get3A_82, %dot_general3A_83 {dimension_numbers = #tpu.dot_dimension_numbers<[1], [0], [0], [1], [0, 0, 1, 1], [], []>, transpose_lhs_hint = false} : vector<1000x12xf32>, vector<12x12xf32>, vector<1000x12xf32> -> vector<1000x12xf32>
    %get3A_85 = arith.constant 0 : index
    %get3A_86 = arith.constant 0 : index
    %get3A_87 = vector.load %arg9[%get3A_85, %get3A_86] : memref<1x12xf32, #tpu.memory_space<vmem>>, vector<1x12xf32>
    %add3A_88 = vector.broadcast %get3A_87 : vector<1x12xf32> to vector<1000x12xf32>
    %add3A_89 = arith.addf %dot_general3A_84, %add3A_88 : vector<1000x12xf32>
    %swap3A = arith.constant 0 : index
    %swap3A_90 = arith.constant 0 : index
    %swap3A_91 = arith.constant 0 : index
    %swap3A_92 = vector.load %arg10[%swap3A, %swap3A_90, %swap3A_91] : memref<1x1000x12xf32, #tpu.memory_space<vmem>>, vector<1x1000x12xf32>
    %swap3A_93 = vector.shape_cast %swap3A_92 : vector<1x1000x12xf32> to vector<1000x12xf32>
    %swap3A_94 = vector.shape_cast %add3A_89 : vector<1000x12xf32> to vector<1x1000x12xf32>
    tpu.vector_store %arg10[%swap3A, %swap3A_90, %swap3A_91], %swap3A_94 {strides = array<i32>} : memref<1x1000x12xf32, #tpu.memory_space<vmem>>, vector<1x1000x12xf32>,
    return
  }
  func.func @transform_0(%arg0: i32, %arg1: i32) -> (i32, i32, i32, i32) {
    %c0_i32 = arith.constant 0 : i32
    %c0_i32_0 = arith.constant 0 : i32
    %c0_i32_1 = arith.constant 0 : i32
    return %arg0, %c0_i32, %arg1, %c0_i32_0 : i32, i32, i32, i32
  }
  func.func @transform_1(%arg0: i32, %arg1: i32) -> (i32, i32, i32) {
    %c0_i32 = arith.constant 0 : i32
    %c0_i32_0 = arith.constant 0 : i32
    return %arg0, %arg1, %c0_i32 : i32, i32, i32
  }
  func.func @transform_2(%arg0: i32, %arg1: i32) -> (i32, i32) {
    %c0_i32 = arith.constant 0 : i32
    %c0_i32_0 = arith.constant 0 : i32
    return %arg1, %c0_i32 : i32, i32
  }
  func.func @transform_3(%arg0: i32, %arg1: i32) -> (i32, i32) {
    %c0_i32 = arith.constant 0 : i32
    %c0_i32_0 = arith.constant 0 : i32
    return %arg1, %c0_i32 : i32, i32
  }
  func.func @transform_4(%arg0: i32, %arg1: i32) -> (i32, i32) {
    %c0_i32 = arith.constant 0 : i32
    %c0_i32_0 = arith.constant 0 : i32
    %c0_i32_1 = arith.constant 0 : i32
    return %c0_i32, %c0_i32_0 : i32, i32
  }
  func.func @transform_5(%arg0: i32, %arg1: i32) -> (i32, i32, i32) {
    %c0_i32 = arith.constant 0 : i32
    %c0_i32_0 = arith.constant 0 : i32
    %c0_i32_1 = arith.constant 0 : i32
    %c0_i32_2 = arith.constant 0 : i32
    return %c0_i32, %c0_i32_0, %c0_i32_1 : i32, i32, i32
  }
  func.func @transform_6(%arg0: i32, %arg1: i32) -> (i32, i32) {
    %c0_i32 = arith.constant 0 : i32
    %c0_i32_0 = arith.constant 0 : i32
    %c0_i32_1 = arith.constant 0 : i32
    return %c0_i32, %c0_i32_0 : i32, i32
  }
  func.func @transform_7(%arg0: i32, %arg1: i32) -> (i32, i32) {
    %c0_i32 = arith.constant 0 : i32
    %c0_i32_0 = arith.constant 0 : i32
    %c0_i32_1 = arith.constant 0 : i32
    return %c0_i32, %c0_i32_0 : i32, i32
  }
  func.func @transform_8(%arg0: i32, %arg1: i32) -> (i32, i32, i32) {
    %c0_i32 = arith.constant 0 : i32
    %c0_i32_0 = arith.constant 0 : i32
    return %arg0, %arg1, %c0_i32 : i32, i32, i32
  }
}

</mosaic_0001>

<sc_bundles>
// kernel: kernel.6.cloned.1.call-start
scs
__scs_entry_jumppad:
0x0: {  	(pc) =	sbr.rel $0x88, $3  }
0x1: {  	(tag) =	ssettag $0x0;
	lr =	simm.s32 $0x1  }
0x2: {  	[smem:$0x3F94] =	sst lr;
	_ =	strace $0xD0000000  }
0x3: {  	_ = 	snop  }
0x4: {  	_ = 	snop  }
0x5: {  	_ = 	snop  }
0x6: {  	_ = 	snop  }
0x7: {  	_ = 	snop  }
__scs_overlays_trampoline_lowered:
0x8: {  	[smem:$0x3FA3] =	sst s0  }
0x9: {  	[smem:$0x3FA4] =	sst s1  }
0xa: {  	[smem:$0x3FA5] =	sst s2  }
0xb: {  	[smem:$0x3FA6] =	sst s3  }
0xc: {  	[smem:$0x3FA7] =	sst s4  }
0xd: {  	[smem:$0x3FA8] =	sst s5  }
0xe: {  	[smem:$0x3FA9] =	sst s6  }
0xf: {  	[smem:$0x3FAA] =	sst s7  }
0x10: {  	[smem:$0x3FAB] =	sst s8  }
0x11: {  	[smem:$0x3FAC] =	sst s9;
	s0 =	simm.s32 @!p0 $0x0  }
0x12: {  	s1 =	sld [smem:$0x3F92];
	s0 =	simm.s32 @p0 $0x1  }
0x13: {  	[smem:$0x3FAD] =	sst s0;
	s0 =	simm.s32 @!p1 $0x0  }
0x14: {  	s2 =	sld [smem:$0x3F91];
	s0 =	simm.s32 @p1 $0x1  }
0x15: {  	[smem:$0x3FAE] =	sst s0;
	s0 =	simm.s32 @!p2 $0x0  }
0x16: {  	s3 =	sld [smem:$0x3FDB];
	s0 =	simm.s32 @p2 $0x1  }
0x17: {  	s4 =	simm.s32 $0x1BF5;
	[smem:$0x3FB0] =	sst s0  }
0x18: {  	s0 =	sld [smem:$0x3F93];
	_ =	swait.ge [sflag:s4], $0x0  }
0x19: {  	s7 =	sld [smem:$0x3F94]  }
0x1a: {  	s8 =	sadd.s32 $0xFFFFE003, lr  }
0x1b: {  	s9 =	sadd.s32 $0xFFFFFEF7, lr;
	s5 =	simm.s32 $0xFFFFFFFF;
	p2 =	slt.u32 s8, $0xFFFFF086  }
0x1c: {  	p1 =	slt.u32 s9, $0xF7A;
	s5 =	simm.s32 @!p2 $0x0  }
0x1d: {  	s5 =	simm.s32 @p1 $0x1;
	p0 =	seq.s32 s7, s2  }
0x1e: {  	s7 =	smul.u32 @!p0 $0xF7A, s2;
	p2 =	seq.s32 @!p0 s5, $0x0  }
0x1f: {  	s9 =	smul.u32 $0xF7A, s1;
	s8 =	simm.s32 @!p0 $0x1BF5;
	p2 =	por !p2, p0  }
0x20: {  	[sflag:s8] =	ssyncset.s32 @!p0 $0xFFFFF086;
	s6 =	sadd.s32 @!p0 s3, s7;
	s7 =	simm.s32 @!p0 $0x108  }
0x21: {  	s3 =	sadd.s32 s3, s9;
	s6 =	sadd.s32 @!p0 $0x88, s6;
	s7 =	simm.s32 @p2 $0x1082  }
0x22: {  	[simem:s7], [sflag:s8] =	dma.local @!p0 [hbm:s6], $0xF7A  }
0x23: {  	s9 =	sor.u32 $0xD0000000, s2;
	s6 =	simm.s32 $0x108;
	_ =	swait.ge @!p0 [sflag:s8], $0x0  }
0x24: {  	s3 =	sadd.s32 $0x88, s3;
	s6 =	simm.s32 @!p1 $0x1082;
	[sflag:s4] =	ssyncset.s32 $0xFFFFF086  }
0x25: {  	[simem:s6], [sflag:s4] =	dma.local [hbm:s3], $0xF7A  }
0x26: {  	[smem:$0x3F94] =	sst s1;
	(tag) =	ssettag s2;
	_ =	strace s9  }
0x27: {  	s1 =	sld [smem:$0x3FA4]  }
0x28: {  	s2 =	sld [smem:$0x3FA5]  }
0x29: {  	s4 =	sld [smem:$0x3FA7]  }
0x2a: {  	p0 =	seq.s32 s5, $0x0;
	s5 =	sld [smem:$0x3FA8]  }
0x2b: {  	s6 =	sld [smem:$0x3FA9]  }
0x2c: {  	s7 =	sld [smem:$0x3FAA]  }
0x2d: {  	s3 =	simm.s32 $0x108;
	s8 =	sld [smem:$0x3FAB]  }
0x2e: {  	s3 =	simm.s32 @!p0 $0x1082;
	s9 =	sld [smem:$0x3FAC]  }
0x2f: {  	lr =	sadd.s32 s0, s3;
	s0 =	sld [smem:$0x3FA3]  }
0x30: {  	s3 =	sld [smem:$0x3FA6]  }
0x31: {  	[smem:$0x3FAF] =	sst s10  }
0x32: {  	s10 =	sld [smem:$0x3FAD];
	_ =	sdelay $0x3  }
0x33: {  	p0 =	seq.s32 s10, $0x1;
	s10 =	sld [smem:$0x3FAF];
	_ =	sdelay $0x3  }
0x34: {  	[smem:$0x3FAF] =	sst s10  }
0x35: {  	s10 =	sld [smem:$0x3FAE];
	_ =	sdelay $0x3  }
0x36: {  	p1 =	seq.s32 s10, $0x1;
	s10 =	sld [smem:$0x3FAF];
	_ =	sdelay $0x3  }
0x37: {  	[smem:$0x3FAF] =	sst s10  }
0x38: {  	s10 =	sld [smem:$0x3FB0]  }
0x39: {  	_ = 	snop;
	(pc) =	sbr.ind lr, $3  }
0x3a: {  	_ = 	snop  }
0x3b: {  	_ = 	snop  }
0x3c: {  	p2 =	seq.s32 s10, $0x1;
	s10 =	sld [smem:$0x3FAF]  }
0x3d: {  	_ =	shalt  }
0x3e: {  	_ =	shalt  }
0x3f: {  	_ =	shalt  }
0x40: {  	_ =	shalt  }
0x41: {  	_ =	shalt  }
0x42: {  	_ =	shalt  }
0x43: {  	_ =	shalt  }
0x44: {  	_ =	shalt  }
0x45: {  	_ =	shalt  }
0x46: {  	_ =	shalt  }
0x47: {  	_ =	shalt  }
0x48: {  	_ =	shalt  }
0x49: {  	_ =	shalt  }
0x4a: {  	_ =	shalt  }
0x4b: {  	_ =	shalt  }
0x4c: {  	_ =	shalt  }
0x4d: {  	_ =	shalt  }
0x4e: {  	_ =	shalt  }
0x4f: {  	_ =	shalt  }
0x50: {  	_ =	shalt  }
0x51: {  	_ =	shalt  }
0x52: {  	_ =	shalt  }
0x53: {  	_ =	shalt  }
0x54: {  	_ =	shalt  }
0x55: {  	_ =	shalt  }
0x56: {  	_ =	shalt  }
0x57: {  	_ =	shalt  }
0x58: {  	_ =	shalt  }
0x59: {  	_ =	shalt  }
0x5a: {  	_ =	shalt  }
0x5b: {  	_ =	shalt  }
0x5c: {  	_ =	shalt  }
0x5d: {  	_ =	shalt  }
0x5e: {  	_ =	shalt  }
0x5f: {  	_ =	shalt  }
0x60: {  	_ =	shalt  }
0x61: {  	_ =	shalt  }
0x62: {  	_ =	shalt  }
0x63: {  	_ =	shalt  }
0x64: {  	_ =	shalt  }
0x65: {  	_ =	shalt  }
0x66: {  	_ =	shalt  }
0x67: {  	_ =	shalt  }
0x68: {  	_ =	shalt  }
0x69: {  	_ =	shalt  }
0x6a: {  	_ =	shalt  }
0x6b: {  	_ =	shalt  }
0x6c: {  	_ =	shalt  }
0x6d: {  	_ =	shalt  }
0x6e: {  	_ =	shalt  }
0x6f: {  	_ =	shalt  }
0x70: {  	_ =	shalt  }
0x71: {  	_ =	shalt  }
0x72: {  	_ =	shalt  }
0x73: {  	_ =	shalt  }
0x74: {  	_ =	shalt  }
0x75: {  	_ =	shalt  }
0x76: {  	_ =	shalt  }
0x77: {  	_ =	shalt  }
0x78: {  	_ =	shalt  }
0x79: {  	_ =	shalt  }
0x7a: {  	_ =	shalt  }
0x7b: {  	_ =	shalt  }
0x7c: {  	_ =	shalt  }
0x7d: {  	_ =	shalt  }
0x7e: {  	_ =	shalt  }
0x7f: {  	_ =	shalt  }
0x80: {  	_ =	shalt  }
0x81: {  	_ =	shalt  }
0x82: {  	_ =	shalt  }
0x83: {  	_ =	shalt  }
0x84: {  	_ =	shalt  }
0x85: {  	_ =	shalt  }
0x86: {  	_ =	shalt  }
0x87: {  	_ =	shalt  }
.Lfunc_end0:
.L_simem_size_0:
called_computation_lowered:
.L_overlay_start_0:
0x88: {  	s2 =	sld [smem:$0x3FD9]  }
0x89: {  	s3 =	sld [smem:$0x3FFE];
	_ =	sdelay $0x1  }
0x8a: {  	s1 =	srdreg.scid  }
0x8b: {  	s0 =	sand.u32 $0x1, s1  }
0x8c: {  	s17 =	sshll.u32 s0, $0xA;
	s2 =	sadd.s32 s3, s2  }
0x8d: {  	s2 =	sadd.s32 s2, s17  }
0x8e: {  	[smem:$0x3FBB] =	sst s2  }
0x8f: {  	_ = 	snop  }
0x90: {  	s2 =	sld [smem:$0x3FD0];
	(tm) =	ssettm $0x1  }
0x91: {  	s18 =	sld [smem:$0x3FFB];
	_ =	sdelay $0x3  }
0x92: {  	_ =	strace s18  }
0x93: {  	s3 =	sld [smem:$0x3FFC];
	_ =	sdelay $0x3  }
0x94: {  	_ =	strace s3  }
0x95: {  	s3 =	sld [smem:$0x3FFD];
	_ =	sdelay $0x3  }
0x96: {  	_ =	strace s3  }
0x97: {  	_ =	strace $0x8FFFFFFF  }
0x98: {  	s19 =	sld [smem:$0x3FDB];
	_ =	sdelay $0x1  }
0x99: {  	s4 =	simm.s32 $_scs_section_size  }
0x9a: {  	s5 =	simm.s32 $_size__tile_overlayer_lowered;
	s6 =	simm.s32 $_tile_overlayer_lowered  }
0x9b: {  	s22 =	simm.s32 $0x1BFF;
	s21 =	sshll.u32 s6, $0x1;
	s3 =	sadd.s32 s4, s19  }
0x9c: {  	s7 =	simm.s32 $0x0;
	s20 =	sshll.u32 s5, $0x1;
	s5 =	sadd.s32 s21, s3  }
0x9d: {  	[timem:s7], [sflag:s22] =	dma.local [hbm:s5], s20  }
0x9e: {  	_ =	swait.ge [sflag:s22], s20  }
0x9f: {  	s4 =	ssub.s32 $0x0, s20;
	[sflag:s22] =	ssyncset.done $0x0  }
0xa0: {  	[sflag:s22] =	ssyncadd.s32 s4;
	_ =	sdelay $0x1  }
0xa1: {  	s23 =	simm.s32 $0x1B8B  }
0xa2: {  	_ =	swait.ge [sflag:s23], $0x1  }
0xa3: {  	[sflag:s23] =	ssyncset.done $0x0  }
0xa4: {  	s25 =	simm.s32 $0x1B8E;
	s24 =	sld [smem:$0x3FFE];
	[sflag:s23] =	ssyncadd.s32 $0xFFFFFFFF  }
0xa5: {  	s26 =	simm.s32 $execute0_lowered;
	[smem:$0x3FD2] =	sst s25  }
0xa6: {  	s5 =	sshll.u32 s26, $0x1;
	_ =	strace $0x80000046;
	[dreg:$0x1] =	wrdreg $0xFFFFFFFF  }
0xa7: {  	s28 =	simm.s32 $_size_execute0_lowered;
	s3 =	sadd.s32 s3, s5;
	[dreg:$0x0] =	wrdreg $0x0  }
0xa8: {  	s5 =	sshll.u32 s28, $0x1;
	[dreg:$0x2] =	wrdreg s3  }
0xa9: {  	[dreg:$0x3] =	wrdreg s5  }
0xaa: {  	[dreg:$0x4] =	wrdreg $0xC0  }
0xab: {  	_ =	task [dreg:s7], $0x5FFFF  }
0xac: {  	[dreg:$0x1] =	wrdreg $0xFFFFFFFF  }
0xad: {  	[dreg:$0x0] =	wrdreg $0x60  }
0xae: {  	[dreg:$0x2] =	wrdreg s24  }
0xaf: {  	[dreg:$0x3] =	wrdreg s2  }
0xb0: {  	[dreg:$0x4] =	wrdreg $0x40800  }
0xb1: {  	[dreg:$0x5] =	wrdreg $0x9  }
0xb2: {  	_ =	task.clear_ibuf [dreg:s7], $0x6FFFF;
	_ =	strace $0x90000046  }
0xb3: {  	s29 =	simm.s32 $0x9;
	_ =	strace $0x80000048  }
0xb4: {  	_ =	swait.ge [sflag:s29], $0x1  }
0xb5: {  	[sflag:s29] =	ssyncadd.s32 $0xFFFFFFFF  }
0xb6: {  	_ =	strace $0x90000048  }
0xb7: {  	_ =	sfence  }
0xb8: {  	s30 =	sld [smem:$0x0];
	_ =	sdelay $0x2  }
0xb9: {  	s31 =	sshll.u32 s1, $0xD;
	s1 =	sshrl.u32 s1, $0x2  }
0xba: {  	s3 =	sand.u32 $0x4000, s31;
	s1 =	sadd.s32 s1, s30  }
0xbb: {  	s0 =	sor.u32 s3, s0;
	s1 =	sshll.u32 s1, $0x11  }
0xbc: {  	s0 =	sor.u32 s1, s0  }
0xbd: {  	s0 =	sadd.s32 $0x8F2B, s0  }
0xbe: {  	[sflag:s0] =	ssyncadd.remote.s32 $0x1  }
0xbf: {  	_ =	sfence.sel $0xFFFF  }
0xc0: {  	[dreg:$0x0] =	wrdreg $0xFFFFFFFF;
	(pc) =	sbr.abs _section_cstart, $3  }
0xc1: {  	[dreg:$0x1] =	wrdreg $0xFFFFFFFF  }
0xc2: {  	_ =	task.clear_ibuf [dreg:s7], $0x2FFFF;
	_ =	strace $0x9FFFFFFF  }
0xc3: {  	(tm) =	ssettm $0x7FFFFFFF  }
tec
execute0_lowered:
.L_overlay_start_1:
0x0: {  	(tag) =	ssettag $0x1  }
0x1: {  	s3 =	rddreg [dreg:$0x0]  }
0x2: {  	s5 =	rddreg [dreg:$0x1]  }
0x3: {  	s1 =	rddreg [dreg:$0x2]  }
0x4: {  	s0 =	rddreg [dreg:$0x3]  }
0x5: {  	s2 =	simm.s32 $0x0;
	s4 =	srdreg.scid;
	s7 =	stileid.u32  }
0x6: {  	s11 =	simm.s32 $0x0;
	[smem:$0x7FF] =	sst s2;
	s4 =	sand.u32 $0x1, s4  }
0x7: {  	s10 =	sshll.u32 s7, $0xC;
	p0 =	sne.s32 s7, $0x0;
	_ =	strace $0x80000047  }
0x8: {  	s6 =	sshll.u32 s4, $0xB;
	s8 =	ssub.s32 $0x2, s4;
	s31 =	sshll.u32 s4, $0x4  }
0x9: {  	s7 =	sshrl.u32 @!p0 s1, $0x3;
	s6 =	sadd.s32 s6, s3;
	s9 =	sshrl.u32 s8, $0x1  }
0xa: {  	s3 =	sadd.s32 $0x25000, s3;
	s5 =	sadd.s32 s5, s31;
	s8 =	ssub.s32 s8, s9  }
0xb: {  	s6 =	sadd.s32 s10, s6;
	s9 =	simm.s32 $0x50;
	s10 =	simm.s32 $0x4000  }
0xc: {  	v0 =	vimm.f32 $1.000000000e+00;
	s4 =	sadd.s32 $0x15000, s6;
	s6 =	smax.u32 s8, $0x1;
	s8 =	simm.s32 $0x1  }
.LBB2_1:
0xd: {  	[tilespmem:$0x4000] =	vst v0  }
0xe: {  	[tilespmem:$0x4010] =	vst v0  }
0xf: {  	[tilespmem:$0x4020] =	vst v0  }
0x10: {  	[tilespmem:$0x4030] =	vst v0  }
0x11: {  	[tilespmem:$0x4040] =	vst v0;
	s12 =	simm.s32 @!p0 $0x1C01  }
0x12: {  	[spmem:s7], [sflag:s12] =	dma.local @!p0 [hbm:s3], $0x4F0  }
0x13: {  	s12 =	simm.s32 @!p0 $0x1  }
0x14: {  	_ =	swait.ge @!p0 [sflag:s12], $0x4F0  }
0x15: {  	[sflag:s12] =	ssyncset.done @!p0 $0x0  }
0x16: {  	[sflag:s12] =	ssyncadd.s32 @!p0 $0xFFFFFB10  }
0x17: {  	[tilespmem:s2], [sflag:$0x1] =	stream.linear.gather [hbm4b:s4+s2], $0x3E80, $0x38;
	[tilespmem:$0x42F8] =	vst v63  }
0x18: {  	_ =	swait.ge [sflag:s8], $0x3E80  }
0x19: {  	[sflag:s8] =	ssyncset.done $0x0  }
0x1a: {  	[sflag:s8] =	ssyncadd.s32 $0xFFFFC180  }
0x1b: {  	s31 =	simm.s32 $0x0;
	[bflag:$0x0] =	sbarrier.arrive $0xFFFF  }
0x1c: {  	[spmem:s1] =	stream.indirect.scatter.add.f32 [tilespmem:s10], [sflag:$0x1], $0x1, s31, s9, $0xb8;
	[tilespmem:$0x42F8] =	vst v63  }
0x1d: {  	_ =	swait.ge [sflag:s8], $0x50  }
0x1e: {  	s12 =	simm.s32 $0x200;
	[sflag:s8] =	ssyncset.done $0x0  }
.LBB2_2:
0x1f: {  	s13 =	sshra.s32 s12, $0x2;
	[sflag:s8] =	ssyncadd.s32 $0xFFFFFFB0;
	p1 =	sne.s32 s12, $0xF800  }
0x20: {  	[spmem:s1] =	stream.indirect.scatter.add.f32 [tilespmem:s10], [sflag:$0x1], $0x1, s13, s9, $0xb8;
	[tilespmem:$0x42F8] =	vst v63  }
.Ltmp0:
0x21: {  	_ = 	snop;
	(pc) =	sbr.rel @p1 .LBB2_2-.Ltmp0, $4  }
0x22: {  	_ = 	snop  }
0x23: {  	s12 =	sadd.s32 $0x200, s12  }
0x24: {  	_ =	swait.ge [sflag:s8], $0x50  }
0x25: {  	[sflag:s8] =	ssyncset.done $0x0  }
0x26: {  	[sflag:s8] =	ssyncadd.s32 $0xFFFFFFB0;
	s12 =	simm.s32 @!p0 $0x1;
	s11 =	sadd.s32 $0x1, s11  }
0x27: {  	s13 =	simm.s32 @!p0 $0x20;
	s14 =	simm.s32 @!p0 $0x10;
	p1 =	sne.s32 s11, s6  }
.Ltmp1:
0x28: {  	s15 =	simm.s32 @!p0 $0x1C01;
	[bflag:$0x0] =	sbarrier.arrive $0xFFFF;
	(pc) =	sbr.rel @p1 .LBB2_1-.Ltmp1, $4  }
0x29: {  	[hbm:s5@s13], [sflag:s15] =	dma.strided @!p0 [spmem:s7@s14], $0x4F0, s12, $0x10   }
0x2a: {  	_ =	swait.ge @!p0 [sflag:s12], $0x4F0  }
0x2b: {  	[sflag:s12] =	ssyncset.done @!p0 $0x0  }
0x2c: {  	[sflag:s12] =	ssyncadd.s32 @!p0 $0xFFFFFB10  }
0x2d: {  	_ =	sfence.sel $0x180000  }
0x2e: {  	[bflag:$0x0] =	sbarrier.arrive $0xFFFF  }
0x2f: {  	_ =	strace $0x90000047  }
0x30: {  	s0 =	sadd.s32 @!p0 $0x100000, s0;
	[bflag:$0x2] =	sbarrier.arrive $0xFFFF  }
0x31: {  	[sflag:s0] =	ssyncadd.tile.s32 @!p0 $0x1;
	_ =	shalt  }
.Lfunc_end2:
_tile_overlayer_lowered:
.L_overlay_start_2:
0x32: {  	(tag) =	ssettag $0x2  }
0x33: {  	s0 =	rddreg [dreg:$0x0];
	s2 =	stileid.u32  }
0x34: {  	s1 =	rddreg [dreg:$0x1];
	p0 =	sne.s32 s2, $0x0  }
0x35: {  	s3 =	rddreg [dreg:$0x2];
	[bflag:$0x3] =	sbarrier.arrive $0xFFFF;
	s2 =	simm.s32 @!p0 $0x1C01  }
0x36: {  	[timem:s3], [sflag:s2] =	dma.local @!p0 [hbm:s0], s1  }
0x37: {  	s0 =	simm.s32 @!p0 $0x1  }
0x38: {  	_ =	swait.ge @!p0 [sflag:s0], s1  }
0x39: {  	s1 =	ssub.s32 @!p0 $0x0, s1;
	[sflag:s0] =	ssyncset.done @!p0 $0x0  }
0x3a: {  	[sflag:s0] =	ssyncadd.s32 @!p0 s1  }
0x3b: {  	[bflag:$0x3] =	sbarrier.arrive $0xFFFF  }
0x3c: {  	_ =	shalt  }

// kernel: kernel.9.cloned.1.call-start
scs
__scs_entry_jumppad:
0x0: {  	(pc) =	sbr.rel $0x88, $3  }
0x1: {  	(tag) =	ssettag $0x0;
	lr =	simm.s32 $0x1  }
0x2: {  	[smem:$0x3F94] =	sst lr;
	_ =	strace $0xD0000000  }
0x3: {  	_ = 	snop  }
0x4: {  	_ = 	snop  }
0x5: {  	_ = 	snop  }
0x6: {  	_ = 	snop  }
0x7: {  	_ = 	snop  }
__scs_overlays_trampoline_lowered:
0x8: {  	[smem:$0x3FA3] =	sst s0  }
0x9: {  	[smem:$0x3FA4] =	sst s1  }
0xa: {  	[smem:$0x3FA5] =	sst s2  }
0xb: {  	[smem:$0x3FA6] =	sst s3  }
0xc: {  	[smem:$0x3FA7] =	sst s4  }
0xd: {  	[smem:$0x3FA8] =	sst s5  }
0xe: {  	[smem:$0x3FA9] =	sst s6  }
0xf: {  	[smem:$0x3FAA] =	sst s7  }
0x10: {  	[smem:$0x3FAB] =	sst s8  }
0x11: {  	[smem:$0x3FAC] =	sst s9;
	s0 =	simm.s32 @!p0 $0x0  }
0x12: {  	s1 =	sld [smem:$0x3F92];
	s0 =	simm.s32 @p0 $0x1  }
0x13: {  	[smem:$0x3FAD] =	sst s0;
	s0 =	simm.s32 @!p1 $0x0  }
0x14: {  	s2 =	sld [smem:$0x3F91];
	s0 =	simm.s32 @p1 $0x1  }
0x15: {  	[smem:$0x3FAE] =	sst s0;
	s0 =	simm.s32 @!p2 $0x0  }
0x16: {  	s3 =	sld [smem:$0x3FDB];
	s0 =	simm.s32 @p2 $0x1  }
0x17: {  	s4 =	simm.s32 $0x1BF5;
	[smem:$0x3FB0] =	sst s0  }
0x18: {  	s0 =	sld [smem:$0x3F93];
	_ =	swait.ge [sflag:s4], $0x0  }
0x19: {  	s7 =	sld [smem:$0x3F94]  }
0x1a: {  	s8 =	sadd.s32 $0xFFFFE003, lr  }
0x1b: {  	s9 =	sadd.s32 $0xFFFFFEF7, lr;
	s5 =	simm.s32 $0xFFFFFFFF;
	p2 =	slt.u32 s8, $0xFFFFF086  }
0x1c: {  	p1 =	slt.u32 s9, $0xF7A;
	s5 =	simm.s32 @!p2 $0x0  }
0x1d: {  	s5 =	simm.s32 @p1 $0x1;
	p0 =	seq.s32 s7, s2  }
0x1e: {  	s7 =	smul.u32 @!p0 $0xF7A, s2;
	p2 =	seq.s32 @!p0 s5, $0x0  }
0x1f: {  	s9 =	smul.u32 $0xF7A, s1;
	s8 =	simm.s32 @!p0 $0x1BF5;
	p2 =	por !p2, p0  }
0x20: {  	[sflag:s8] =	ssyncset.s32 @!p0 $0xFFFFF086;
	s6 =	sadd.s32 @!p0 s3, s7;
	s7 =	simm.s32 @!p0 $0x108  }
0x21: {  	s3 =	sadd.s32 s3, s9;
	s6 =	sadd.s32 @!p0 $0x88, s6;
	s7 =	simm.s32 @p2 $0x1082  }
0x22: {  	[simem:s7], [sflag:s8] =	dma.local @!p0 [hbm:s6], $0xF7A  }
0x23: {  	s9 =	sor.u32 $0xD0000000, s2;
	s6 =	simm.s32 $0x108;
	_ =	swait.ge @!p0 [sflag:s8], $0x0  }
0x24: {  	s3 =	sadd.s32 $0x88, s3;
	s6 =	simm.s32 @!p1 $0x1082;
	[sflag:s4] =	ssyncset.s32 $0xFFFFF086  }
0x25: {  	[simem:s6], [sflag:s4] =	dma.local [hbm:s3], $0xF7A  }
0x26: {  	[smem:$0x3F94] =	sst s1;
	(tag) =	ssettag s2;
	_ =	strace s9  }
0x27: {  	s1 =	sld [smem:$0x3FA4]  }
0x28: {  	s2 =	sld [smem:$0x3FA5]  }
0x29: {  	s4 =	sld [smem:$0x3FA7]  }
0x2a: {  	p0 =	seq.s32 s5, $0x0;
	s5 =	sld [smem:$0x3FA8]  }
0x2b: {  	s6 =	sld [smem:$0x3FA9]  }
0x2c: {  	s7 =	sld [smem:$0x3FAA]  }
0x2d: {  	s3 =	simm.s32 $0x108;
	s8 =	sld [smem:$0x3FAB]  }
0x2e: {  	s3 =	simm.s32 @!p0 $0x1082;
	s9 =	sld [smem:$0x3FAC]  }
0x2f: {  	lr =	sadd.s32 s0, s3;
	s0 =	sld [smem:$0x3FA3]  }
0x30: {  	s3 =	sld [smem:$0x3FA6]  }
0x31: {  	[smem:$0x3FAF] =	sst s10  }
0x32: {  	s10 =	sld [smem:$0x3FAD];
	_ =	sdelay $0x3  }
0x33: {  	p0 =	seq.s32 s10, $0x1;
	s10 =	sld [smem:$0x3FAF];
	_ =	sdelay $0x3  }
0x34: {  	[smem:$0x3FAF] =	sst s10  }
0x35: {  	s10 =	sld [smem:$0x3FAE];
	_ =	sdelay $0x3  }
0x36: {  	p1 =	seq.s32 s10, $0x1;
	s10 =	sld [smem:$0x3FAF];
	_ =	sdelay $0x3  }
0x37: {  	[smem:$0x3FAF] =	sst s10  }
0x38: {  	s10 =	sld [smem:$0x3FB0]  }
0x39: {  	_ = 	snop;
	(pc) =	sbr.ind lr, $3  }
0x3a: {  	_ = 	snop  }
0x3b: {  	_ = 	snop  }
0x3c: {  	p2 =	seq.s32 s10, $0x1;
	s10 =	sld [smem:$0x3FAF]  }
0x3d: {  	_ =	shalt  }
0x3e: {  	_ =	shalt  }
0x3f: {  	_ =	shalt  }
0x40: {  	_ =	shalt  }
0x41: {  	_ =	shalt  }
0x42: {  	_ =	shalt  }
0x43: {  	_ =	shalt  }
0x44: {  	_ =	shalt  }
0x45: {  	_ =	shalt  }
0x46: {  	_ =	shalt  }
0x47: {  	_ =	shalt  }
0x48: {  	_ =	shalt  }
0x49: {  	_ =	shalt  }
0x4a: {  	_ =	shalt  }
0x4b: {  	_ =	shalt  }
0x4c: {  	_ =	shalt  }
0x4d: {  	_ =	shalt  }
0x4e: {  	_ =	shalt  }
0x4f: {  	_ =	shalt  }
0x50: {  	_ =	shalt  }
0x51: {  	_ =	shalt  }
0x52: {  	_ =	shalt  }
0x53: {  	_ =	shalt  }
0x54: {  	_ =	shalt  }
0x55: {  	_ =	shalt  }
0x56: {  	_ =	shalt  }
0x57: {  	_ =	shalt  }
0x58: {  	_ =	shalt  }
0x59: {  	_ =	shalt  }
0x5a: {  	_ =	shalt  }
0x5b: {  	_ =	shalt  }
0x5c: {  	_ =	shalt  }
0x5d: {  	_ =	shalt  }
0x5e: {  	_ =	shalt  }
0x5f: {  	_ =	shalt  }
0x60: {  	_ =	shalt  }
0x61: {  	_ =	shalt  }
0x62: {  	_ =	shalt  }
0x63: {  	_ =	shalt  }
0x64: {  	_ =	shalt  }
0x65: {  	_ =	shalt  }
0x66: {  	_ =	shalt  }
0x67: {  	_ =	shalt  }
0x68: {  	_ =	shalt  }
0x69: {  	_ =	shalt  }
0x6a: {  	_ =	shalt  }
0x6b: {  	_ =	shalt  }
0x6c: {  	_ =	shalt  }
0x6d: {  	_ =	shalt  }
0x6e: {  	_ =	shalt  }
0x6f: {  	_ =	shalt  }
0x70: {  	_ =	shalt  }
0x71: {  	_ =	shalt  }
0x72: {  	_ =	shalt  }
0x73: {  	_ =	shalt  }
0x74: {  	_ =	shalt  }
0x75: {  	_ =	shalt  }
0x76: {  	_ =	shalt  }
0x77: {  	_ =	shalt  }
0x78: {  	_ =	shalt  }
0x79: {  	_ =	shalt  }
0x7a: {  	_ =	shalt  }
0x7b: {  	_ =	shalt  }
0x7c: {  	_ =	shalt  }
0x7d: {  	_ =	shalt  }
0x7e: {  	_ =	shalt  }
0x7f: {  	_ =	shalt  }
0x80: {  	_ =	shalt  }
0x81: {  	_ =	shalt  }
0x82: {  	_ =	shalt  }
0x83: {  	_ =	shalt  }
0x84: {  	_ =	shalt  }
0x85: {  	_ =	shalt  }
0x86: {  	_ =	shalt  }
0x87: {  	_ =	shalt  }
.Lfunc_end0:
.L_simem_size_0:
called_computation.1_lowered:
.L_overlay_start_0:
0x88: {  	s2 =	sld [smem:$0x3FD9]  }
0x89: {  	s3 =	sld [smem:$0x3FFE];
	_ =	sdelay $0x1  }
0x8a: {  	s1 =	srdreg.scid  }
0x8b: {  	s0 =	sand.u32 $0x1, s1  }
0x8c: {  	s16 =	sshll.u32 s0, $0xA;
	s2 =	sadd.s32 s3, s2  }
0x8d: {  	s2 =	sadd.s32 s2, s16  }
0x8e: {  	[smem:$0x3FBB] =	sst s2  }
0x8f: {  	_ = 	snop  }
0x90: {  	(tm) =	ssettm $0x1  }
0x91: {  	s17 =	sld [smem:$0x3FFB];
	_ =	sdelay $0x3  }
0x92: {  	_ =	strace s17  }
0x93: {  	s2 =	sld [smem:$0x3FFC];
	_ =	sdelay $0x3  }
0x94: {  	_ =	strace s2  }
0x95: {  	s2 =	sld [smem:$0x3FFD];
	_ =	sdelay $0x3  }
0x96: {  	_ =	strace s2  }
0x97: {  	_ =	strace $0x8FFFFFFF  }
0x98: {  	s18 =	sld [smem:$0x3FDB];
	_ =	sdelay $0x1  }
0x99: {  	s19 =	simm.s32 $_scs_section_size  }
0x9a: {  	s4 =	simm.s32 $_size__tile_overlayer_lowered;
	s5 =	simm.s32 $_tile_overlayer_lowered  }
0x9b: {  	s22 =	simm.s32 $0x1BFF;
	s21 =	sshll.u32 s5, $0x1;
	s2 =	sadd.s32 s19, s18  }
0x9c: {  	s6 =	simm.s32 $0x0;
	s20 =	sshll.u32 s4, $0x1;
	s4 =	sadd.s32 s21, s2  }
0x9d: {  	[timem:s6], [sflag:s22] =	dma.local [hbm:s4], s20  }
0x9e: {  	_ =	swait.ge [sflag:s22], s20  }
0x9f: {  	s3 =	ssub.s32 $0x0, s20;
	[sflag:s22] =	ssyncset.done $0x0  }
0xa0: {  	[sflag:s22] =	ssyncadd.s32 s3;
	_ =	sdelay $0x1  }
0xa1: {  	s23 =	simm.s32 $0x1B8B  }
0xa2: {  	_ =	swait.ge [sflag:s23], $0x1  }
0xa3: {  	[sflag:s23] =	ssyncset.done $0x0  }
0xa4: {  	s25 =	simm.s32 $0x1B8E;
	s24 =	sld [smem:$0x3FFE];
	[sflag:s23] =	ssyncadd.s32 $0xFFFFFFFF  }
0xa5: {  	s26 =	simm.s32 $execute0_lowered;
	[smem:$0x3FD2] =	sst s25  }
0xa6: {  	s4 =	sshll.u32 s26, $0x1;
	_ =	strace $0x80000049;
	[dreg:$0x1] =	wrdreg $0xFFFFFFFF  }
0xa7: {  	s28 =	simm.s32 $_size_execute0_lowered;
	s2 =	sadd.s32 s2, s4;
	[dreg:$0x0] =	wrdreg $0x0  }
0xa8: {  	s4 =	sshll.u32 s28, $0x1;
	[dreg:$0x2] =	wrdreg s2  }
0xa9: {  	[dreg:$0x3] =	wrdreg s4  }
0xaa: {  	[dreg:$0x4] =	wrdreg $0xC0  }
0xab: {  	_ =	task [dreg:s6], $0x5FFFF  }
0xac: {  	[dreg:$0x1] =	wrdreg $0xFFFFFFFF  }
0xad: {  	[dreg:$0x0] =	wrdreg $0x60  }
0xae: {  	[dreg:$0x2] =	wrdreg s24  }
0xaf: {  	[dreg:$0x3] =	wrdreg $0x63600  }
0xb0: {  	[dreg:$0x4] =	wrdreg $0x9  }
0xb1: {  	_ =	task.clear_ibuf [dreg:s6], $0x5FFFF;
	_ =	strace $0x90000049  }
0xb2: {  	s29 =	simm.s32 $0x9;
	_ =	strace $0x8000004B  }
0xb3: {  	_ =	swait.ge [sflag:s29], $0x1  }
0xb4: {  	[sflag:s29] =	ssyncadd.s32 $0xFFFFFFFF  }
0xb5: {  	_ =	strace $0x9000004B  }
0xb6: {  	_ =	sfence  }
0xb7: {  	s30 =	sld [smem:$0x0];
	_ =	sdelay $0x2  }
0xb8: {  	s31 =	sshll.u32 s1, $0xD;
	s1 =	sshrl.u32 s1, $0x2  }
0xb9: {  	s3 =	sand.u32 $0x4000, s31;
	s1 =	sadd.s32 s1, s30  }
0xba: {  	s0 =	sor.u32 s3, s0;
	s1 =	sshll.u32 s1, $0x11  }
0xbb: {  	s0 =	sor.u32 s1, s0  }
0xbc: {  	s0 =	sadd.s32 $0x8F2B, s0  }
0xbd: {  	[sflag:s0] =	ssyncadd.remote.s32 $0x1  }
0xbe: {  	_ =	sfence.sel $0xFFFF  }
0xbf: {  	[dreg:$0x0] =	wrdreg $0xFFFFFFFF;
	(pc) =	sbr.abs _section_cstart, $3  }
0xc0: {  	[dreg:$0x1] =	wrdreg $0xFFFFFFFF  }
0xc1: {  	_ =	task.clear_ibuf [dreg:s6], $0x2FFFF;
	_ =	strace $0x9FFFFFFF  }
0xc2: {  	(tm) =	ssettm $0x7FFFFFFF  }
0xc3: {  	_ =	shalt  }
tec
execute0_lowered:
.L_overlay_start_1:
0x0: {  	(tag) =	ssettag $0x1  }
0x1: {  	s0 =	rddreg [dreg:$0x0];
	s10 =	stileid.u32  }
0x2: {  	s1 =	srdreg.scid;
	s2 =	rddreg [dreg:$0x1]  }
0x3: {  	s3 =	simm.s32 $0x0;
	s14 =	simm.s32 $0x3;
	s15 =	simm.s32 $0x320  }
0x4: {  	s16 =	simm.s32 $0x50;
	s18 =	simm.s32 $0x960;
	s20 =	simm.s32 $0x3660  }
0x5: {  	s28 =	simm.s32 $0x730;
	s29 =	simm.s32 $0x3C0;
	s5 =	smul.u32 $0x15F90, s10  }
0x6: {  	s30 =	simm.s32 $0x780;
	s31 =	simm.s32 $0x410;
	s6 =	smul.u32 $0x9C4, s10  }
0x7: {  	s1 =	sand.u32 $0x1, s1;
	[smem:$0x7FF] =	sst s3;
	s8 =	smul.u32 $0x271, s10  }
0x8: {  	s23 =	sshll.u32 s10, $0x6;
	s10 =	simm.s32 $0x8C0;
	s4 =	smul.u32 $0x2BF200, s1  }
0x9: {  	_ =	strace $0x8000004A;
	s13 =	smul.u32 $0x4E20, s1;
	s1 =	ssub.s32 $0x2, s1  }
0xa: {  	s19 =	sor.u32 $0x1C03, s23;
	s23 =	simm.s32 $0x2;
	s6 =	sadd.s32 s6, s0  }
0xb: {  	s21 =	sshrl.u32 s1, $0x1;
	[dreg:$0x4] =	wrdreg s19;
	s4 =	sadd.s32 s5, s4  }
0xc: {  	s9 =	sadd.s32 s8, s13;
	s17 =	sadd.s32 $0x2710, s13;
	s1 =	ssub.s32 s1, s21  }
0xd: {  	s5 =	sadd.s32 s5, s2;
	s11 =	sadd.s32 $0xB200, s6;
	s12 =	sadd.s32 $0x1400, s6  }
0xe: {  	s21 =	simm.s32 $0x1;
	v0 =	vmov s13;
	s6 =	simm.s32 $0x550;
	s13 =	simm.s32 $0x910  }
0xf: {  	s7 =	sshrl.u32 s4, $0x3;
	s4 =	sadd.s32 $0x15000, s0;
	s22 =	smul.u32 $0x12, s9  }
0x10: {  	s8 =	sadd.s32 s8, s17;
	s26 =	smax.u32 s1, $0x1;
	s1 =	simm.s32 $0x7D0  }
0x11: {  	s9 =	simm.s32 $0x500;
	s0 =	sadd.s32 s7, s0;
	s8 =	smul.u32 $0x12, s8  }
0x12: {  	[dreg:$0x8] =	wrdreg s26;
	s26 =	simm.s32 $0x370;
	s7 =	sadd.s32 s4, s22  }
0x13: {  	s24 =	sadd.s32 $0xC4E00, s0;
	s0 =	sadd.s32 $0xF0D20, s0;
	[dreg:$0x3] =	wrdreg s7  }
0x14: {  	s22 =	sshrl.u32 s5, $0x3;
	s5 =	simm.s32 $0x820;
	[dreg:$0x5] =	wrdreg s24  }
0x15: {  	s25 =	sadd.s32 s4, s8;
	[dreg:$0x7] =	wrdreg s0;
	s0 =	simm.s32 $0x0  }
0x16: {  	[dreg:$0x9] =	wrdreg s22;
	s7 =	simm.s32 $0x4B0;
	s8 =	simm.s32 $0x870  }
0x17: {  	v1 =	vmov s17;
	s24 =	simm.s32 $0x5A0;
	[dreg:$0x6] =	wrdreg s25;
	s25 =	simm.s32 $0x5F0  }
.LBB2_1:
0x18: {  	[dreg:$0xa] =	wrdreg s0  }
0x19: {  	s17 =	rddreg [dreg:$0x3]  }
0x1a: {  	[spmem:s22], [sflag:s19] =	dma.local [hbm:s17], $0x2BF2  }
0x1b: {  	_ =	swait.ge [sflag:s14], $0x2BF2  }
0x1c: {  	[sflag:s14] =	ssyncset.done $0x0  }
0x1d: {  	s0 =	simm.s32 $0x460;
	[sflag:s14] =	ssyncadd.s32 $0xFFFFD40E  }
0x1e: {  	s17 =	simm.s32 $0x0;
	s22 =	simm.s32 $0x640;
	[bflag:$0x0] =	sbarrier.arrive $0xFFFF  }
.LBB2_2:
0x1f: {  	s19 =	sadd.s32 s17, s12  }
0x20: {  	[tilespmem:s3], [sflag:$0x3] =	stream.linear.gather [hbm4b:s19+s3], $0x320, $0x38;
	[tilespmem:$0x1C2F0] =	vst v63  }
0x21: {  	_ =	swait.ge [sflag:s14], $0x320  }
0x22: {  	[sflag:s14] =	ssyncset.done $0x0  }
0x23: {  	s19 =	sadd.s32 s17, s11;
	[sflag:s14] =	ssyncadd.s32 $0xFFFFFCE0  }
0x24: {  	[tilespmem:s15], [sflag:$0x3] =	stream.linear.gather [hbm4b:s19+s3], $0x320, $0x38;
	[tilespmem:$0x1C2F0] =	vst v63  }
0x25: {  	_ =	swait.ge [sflag:s14], $0x320  }
0x26: {  	[sflag:s14] =	ssyncset.done $0x0  }
0x27: {  	[sflag:s14] =	ssyncadd.s32 $0xFFFFFCE0  }
0x28: {  	v2 =	vld [tilespmem:$0x0]  }
0x29: {  	v3 =	vld [tilespmem:$0x10]  }
0x2a: {  	v4 =	vld [tilespmem:$0x20]  }
0x2b: {  	v5 =	vld [tilespmem:$0x30]  }
0x2c: {  	v6 =	vld [tilespmem:$0x40]  }
0x2d: {  	v7 =	vld [tilespmem:$0x50];
	v2 =	vadd.s32 v0, v2  }
0x2e: {  	[tilespmem:$0x640] =	vst v2;
	v2 =	vadd.s32 v0, v3;
	v3 =	vld [tilespmem:$0x60]  }
0x2f: {  	v29 =	vld [tilespmem:$0x70];
	[tilespmem:$0x650] =	vst v2;
	v2 =	vadd.s32 v0, v4  }
0x30: {  	v30 =	vld [tilespmem:$0x80];
	[tilespmem:$0x660] =	vst v2;
	v2 =	vadd.s32 v0, v5  }
0x31: {  	v31 =	vld [tilespmem:$0x90];
	[tilespmem:$0x670] =	vst v2;
	v2 =	vadd.s32 v0, v6  }
0x32: {  	v32 =	vld [tilespmem:$0xA0];
	[tilespmem:$0x680] =	vst v2;
	v2 =	vadd.s32 v0, v7  }
0x33: {  	[tilespmem:$0x690] =	vst v2;
	v2 =	vadd.s32 v0, v3;
	v3 =	vld [tilespmem:$0xB0]  }
0x34: {  	v33 =	vld [tilespmem:$0xC0];
	[tilespmem:$0x6A0] =	vst v2;
	v2 =	vadd.s32 v0, v29  }
0x35: {  	v34 =	vld [tilespmem:$0xD0];
	[tilespmem:$0x6B0] =	vst v2;
	v2 =	vadd.s32 v0, v30  }
0x36: {  	v35 =	vld [tilespmem:$0xE0];
	[tilespmem:$0x6C0] =	vst v2;
	v2 =	vadd.s32 v0, v31  }
0x37: {  	v36 =	vld [tilespmem:$0xF0];
	[tilespmem:$0x6D0] =	vst v2;
	v2 =	vadd.s32 v0, v32  }
0x38: {  	[tilespmem:$0x6E0] =	vst v2;
	v2 =	vadd.s32 v0, v3;
	v3 =	vld [tilespmem:$0x100]  }
0x39: {  	v37 =	vld [tilespmem:$0x110];
	[tilespmem:$0x6F0] =	vst v2;
	v2 =	vadd.s32 v0, v33  }
0x3a: {  	v38 =	vld [tilespmem:$0x120];
	[tilespmem:$0x700] =	vst v2;
	v2 =	vadd.s32 v0, v34  }
0x3b: {  	v39 =	vld [tilespmem:$0x130];
	[tilespmem:$0x710] =	vst v2;
	v2 =	vadd.s32 v0, v35  }
0x3c: {  	v40 =	vld [tilespmem:$0x140];
	[tilespmem:$0x720] =	vst v2;
	v2 =	vadd.s32 v0, v36  }
0x3d: {  	[tilespmem:$0x730] =	vst v2;
	v2 =	vadd.s32 v0, v3;
	v3 =	vld [tilespmem:$0x150]  }
0x3e: {  	v41 =	vld [tilespmem:$0x160];
	[tilespmem:$0x740] =	vst v2;
	v2 =	vadd.s32 v0, v37  }
0x3f: {  	v42 =	vld [tilespmem:$0x170];
	[tilespmem:$0x750] =	vst v2;
	v2 =	vadd.s32 v0, v38  }
0x40: {  	v43 =	vld [tilespmem:$0x180];
	[tilespmem:$0x760] =	vst v2;
	v2 =	vadd.s32 v0, v39  }
0x41: {  	v44 =	vld [tilespmem:$0x190];
	[tilespmem:$0x770] =	vst v2;
	v2 =	vadd.s32 v0, v40  }
0x42: {  	[tilespmem:$0x780] =	vst v2;
	v2 =	vadd.s32 v0, v3;
	v3 =	vld [tilespmem:$0x1A0]  }
0x43: {  	v45 =	vld [tilespmem:$0x1B0];
	[tilespmem:$0x790] =	vst v2;
	v2 =	vadd.s32 v0, v41  }
0x44: {  	v46 =	vld [tilespmem:$0x1C0];
	[tilespmem:$0x7A0] =	vst v2;
	v2 =	vadd.s32 v0, v42  }
0x45: {  	v47 =	vld [tilespmem:$0x1D0];
	[tilespmem:$0x7B0] =	vst v2;
	v2 =	vadd.s32 v0, v43  }
0x46: {  	v48 =	vld [tilespmem:$0x1E0];
	[tilespmem:$0x7C0] =	vst v2;
	v2 =	vadd.s32 v0, v44  }
0x47: {  	[tilespmem:$0x7D0] =	vst v2;
	v2 =	vadd.s32 v0, v3;
	v3 =	vld [tilespmem:$0x1F0]  }
0x48: {  	v49 =	vld [tilespmem:$0x200];
	[tilespmem:$0x7E0] =	vst v2;
	v2 =	vadd.s32 v0, v45  }
0x49: {  	v50 =	vld [tilespmem:$0x210];
	[tilespmem:$0x7F0] =	vst v2;
	v2 =	vadd.s32 v0, v46  }
0x4a: {  	v51 =	vld [tilespmem:$0x220];
	[tilespmem:$0x800] =	vst v2;
	v2 =	vadd.s32 v0, v47  }
0x4b: {  	v52 =	vld [tilespmem:$0x230];
	[tilespmem:$0x810] =	vst v2;
	v2 =	vadd.s32 v0, v48  }
0x4c: {  	[tilespmem:$0x820] =	vst v2;
	v2 =	vadd.s32 v0, v3;
	v3 =	vld [tilespmem:$0x240]  }
0x4d: {  	v53 =	vld [tilespmem:$0x250];
	[tilespmem:$0x830] =	vst v2;
	v2 =	vadd.s32 v0, v49  }
0x4e: {  	v54 =	vld [tilespmem:$0x260];
	[tilespmem:$0x840] =	vst v2;
	v2 =	vadd.s32 v0, v50  }
0x4f: {  	v55 =	vld [tilespmem:$0x270];
	[tilespmem:$0x850] =	vst v2;
	v2 =	vadd.s32 v0, v51  }
0x50: {  	v56 =	vld [tilespmem:$0x280];
	[tilespmem:$0x860] =	vst v2;
	v2 =	vadd.s32 v0, v52  }
0x51: {  	[tilespmem:$0x870] =	vst v2;
	v2 =	vadd.s32 v0, v3;
	v3 =	vld [tilespmem:$0x290]  }
0x52: {  	v57 =	vld [tilespmem:$0x2A0];
	[tilespmem:$0x880] =	vst v2;
	v2 =	vadd.s32 v0, v53  }
0x53: {  	v58 =	vld [tilespmem:$0x2B0];
	[tilespmem:$0x890] =	vst v2;
	v2 =	vadd.s32 v0, v54  }
0x54: {  	v59 =	vld [tilespmem:$0x2C0];
	[tilespmem:$0x8A0] =	vst v2;
	v2 =	vadd.s32 v0, v55  }
0x55: {  	v60 =	vld [tilespmem:$0x2D0];
	[tilespmem:$0x8B0] =	vst v2;
	v2 =	vadd.s32 v0, v56  }
0x56: {  	[tilespmem:$0x8C0] =	vst v2;
	v2 =	vadd.s32 v0, v3;
	v3 =	vld [tilespmem:$0x2E0]  }
0x57: {  	v61 =	vld [tilespmem:$0x2F0];
	[tilespmem:$0x8D0] =	vst v2;
	v2 =	vadd.s32 v0, v57  }
0x58: {  	v62 =	vld [tilespmem:$0x300];
	[tilespmem:$0x8E0] =	vst v2;
	v2 =	vadd.s32 v0, v58  }
0x59: {  	v63 =	vld [tilespmem:$0x310];
	[tilespmem:$0x8F0] =	vst v2;
	v2 =	vadd.s32 v0, v59  }
0x5a: {  	[tilespmem:$0x900] =	vst v2;
	v2 =	vadd.s32 v0, v60  }
0x5b: {  	[tilespmem:$0x910] =	vst v2;
	v2 =	vadd.s32 v0, v3  }
0x5c: {  	[tilespmem:$0x920] =	vst v2;
	v2 =	vadd.s32 v0, v61  }
0x5d: {  	[tilespmem:$0x930] =	vst v2;
	v2 =	vadd.s32 v0, v62  }
0x5e: {  	[tilespmem:$0x940] =	vst v2;
	v2 =	vadd.s32 v0, v63  }
0x5f: {  	[tilespmem:$0x950] =	vst v2  }
0x60: {  	[tilespmem:s18], [sflag:$0x1] =	stream.indirect.gather [hbm4b:s4+s16], $0x90, s22, s16, $0xb8;
	[tilespmem:$0x1C2F0] =	vst v63  }
0x61: {  	s19 =	simm.s32 $0x690  }
0x62: {  	[tilespmem:s20], [sflag:$0x2] =	stream.indirect.gather [hbm4b:s4+s16], $0x90, s19, s16, $0xb8;
	[tilespmem:$0x1C2F0] =	vst v63  }
0x63: {  	_ =	swait.ge [sflag:s21], $0x2D00  }
0x64: {  	[sflag:s21] =	ssyncset.done $0x0  }
0x65: {  	[sflag:s21] =	ssyncadd.s32 $0xFFFFD300  }
0x66: {  	[spmem:s2] =	stream.indirect.scatter.add.f32 [tilespmem:s18], [sflag:$0x3], $0x90, s15, s16, $0xb8;
	[tilespmem:$0x1C2F0] =	vst v63  }
0x67: {  	_ =	swait.ge [sflag:s14], $0x2D00  }
0x68: {  	[sflag:s14] =	ssyncset.done $0x0  }
0x69: {  	s19 =	simm.s32 $0x6E0;
	[sflag:s14] =	ssyncadd.s32 $0xFFFFD300  }
0x6a: {  	[tilespmem:s18], [sflag:$0x1] =	stream.indirect.gather [hbm4b:s4+s16], $0x90, s19, s16, $0xb8;
	[tilespmem:$0x1C2F0] =	vst v63  }
0x6b: {  	_ =	swait.ge [sflag:s23], $0x2D00  }
0x6c: {  	[sflag:s23] =	ssyncset.done $0x0  }
0x6d: {  	[sflag:s23] =	ssyncadd.s32 $0xFFFFD300  }
0x6e: {  	[spmem:s2] =	stream.indirect.scatter.add.f32 [tilespmem:s20], [sflag:$0x3], $0x90, s26, s16, $0xb8;
	[tilespmem:$0x1C2F0] =	vst v63  }
0x6f: {  	_ =	swait.ge [sflag:s14], $0x2D00  }
0x70: {  	[sflag:s14] =	ssyncset.done $0x0  }
0x71: {  	[sflag:s14] =	ssyncadd.s32 $0xFFFFD300  }
0x72: {  	[tilespmem:s20], [sflag:$0x2] =	stream.indirect.gather [hbm4b:s4+s16], $0x90, s28, s16, $0xb8;
	[tilespmem:$0x1C2F0] =	vst v63  }
0x73: {  	_ =	swait.ge [sflag:s21], $0x2D00  }
0x74: {  	[sflag:s21] =	ssyncset.done $0x0  }
0x75: {  	[sflag:s21] =	ssyncadd.s32 $0xFFFFD300  }
0x76: {  	[spmem:s2] =	stream.indirect.scatter.add.f32 [tilespmem:s18], [sflag:$0x3], $0x90, s29, s16, $0xb8;
	[tilespmem:$0x1C2F0] =	vst v63  }
0x77: {  	_ =	swait.ge [sflag:s14], $0x2D00  }
0x78: {  	[sflag:s14] =	ssyncset.done $0x0  }
0x79: {  	[sflag:s14] =	ssyncadd.s32 $0xFFFFD300  }
0x7a: {  	[tilespmem:s18], [sflag:$0x1] =	stream.indirect.gather [hbm4b:s4+s16], $0x90, s30, s16, $0xb8;
	[tilespmem:$0x1C2F0] =	vst v63  }
0x7b: {  	_ =	swait.ge [sflag:s23], $0x2D00  }
0x7c: {  	[sflag:s23] =	ssyncset.done $0x0  }
0x7d: {  	[sflag:s23] =	ssyncadd.s32 $0xFFFFD300  }
0x7e: {  	[spmem:s2] =	stream.indirect.scatter.add.f32 [tilespmem:s20], [sflag:$0x3], $0x90, s31, s16, $0xb8;
	[tilespmem:$0x1C2F0] =	vst v63  }
0x7f: {  	_ =	swait.ge [sflag:s14], $0x2D00  }
0x80: {  	[sflag:s14] =	ssyncset.done $0x0  }
0x81: {  	[sflag:s14] =	ssyncadd.s32 $0xFFFFD300  }
0x82: {  	[tilespmem:s20], [sflag:$0x2] =	stream.indirect.gather [hbm4b:s4+s16], $0x90, s1, s16, $0xb8;
	[tilespmem:$0x1C2F0] =	vst v63  }
0x83: {  	_ =	swait.ge [sflag:s21], $0x2D00  }
0x84: {  	[sflag:s21] =	ssyncset.done $0x0  }
0x85: {  	[sflag:s21] =	ssyncadd.s32 $0xFFFFD300  }
0x86: {  	[spmem:s2] =	stream.indirect.scatter.add.f32 [tilespmem:s18], [sflag:$0x3], $0x90, s0, s16, $0xb8;
	[tilespmem:$0x1C2F0] =	vst v63  }
0x87: {  	_ =	swait.ge [sflag:s14], $0x2D00  }
0x88: {  	[sflag:s14] =	ssyncset.done $0x0  }
0x89: {  	[sflag:s14] =	ssyncadd.s32 $0xFFFFD300  }
0x8a: {  	[tilespmem:s18], [sflag:$0x1] =	stream.indirect.gather [hbm4b:s4+s16], $0x90, s5, s16, $0xb8;
	[tilespmem:$0x1C2F0] =	vst v63  }
0x8b: {  	_ =	swait.ge [sflag:s23], $0x2D00  }
0x8c: {  	[sflag:s23] =	ssyncset.done $0x0  }
0x8d: {  	[sflag:s23] =	ssyncadd.s32 $0xFFFFD300  }
0x8e: {  	[spmem:s2] =	stream.indirect.scatter.add.f32 [tilespmem:s20], [sflag:$0x3], $0x90, s7, s16, $0xb8;
	[tilespmem:$0x1C2F0] =	vst v63  }
0x8f: {  	_ =	swait.ge [sflag:s14], $0x2D00  }
0x90: {  	[sflag:s14] =	ssyncset.done $0x0  }
0x91: {  	[sflag:s14] =	ssyncadd.s32 $0xFFFFD300  }
0x92: {  	[tilespmem:s20], [sflag:$0x2] =	stream.indirect.gather [hbm4b:s4+s16], $0x90, s8, s16, $0xb8;
	[tilespmem:$0x1C2F0] =	vst v63  }
0x93: {  	_ =	swait.ge [sflag:s21], $0x2D00  }
0x94: {  	[sflag:s21] =	ssyncset.done $0x0  }
0x95: {  	[sflag:s21] =	ssyncadd.s32 $0xFFFFD300  }
0x96: {  	[spmem:s2] =	stream.indirect.scatter.add.f32 [tilespmem:s18], [sflag:$0x3], $0x90, s9, s16, $0xb8;
	[tilespmem:$0x1C2F0] =	vst v63  }
0x97: {  	_ =	swait.ge [sflag:s14], $0x2D00  }
0x98: {  	[sflag:s14] =	ssyncset.done $0x0  }
0x99: {  	[sflag:s14] =	ssyncadd.s32 $0xFFFFD300  }
0x9a: {  	[tilespmem:s18], [sflag:$0x1] =	stream.indirect.gather [hbm4b:s4+s16], $0x90, s10, s16, $0xb8;
	[tilespmem:$0x1C2F0] =	vst v63  }
0x9b: {  	_ =	swait.ge [sflag:s23], $0x2D00  }
0x9c: {  	[sflag:s23] =	ssyncset.done $0x0  }
0x9d: {  	[sflag:s23] =	ssyncadd.s32 $0xFFFFD300  }
0x9e: {  	[spmem:s2] =	stream.indirect.scatter.add.f32 [tilespmem:s20], [sflag:$0x3], $0x90, s6, s16, $0xb8;
	[tilespmem:$0x1C2F0] =	vst v63  }
0x9f: {  	_ =	swait.ge [sflag:s14], $0x2D00  }
0xa0: {  	[sflag:s14] =	ssyncset.done $0x0  }
0xa1: {  	[sflag:s14] =	ssyncadd.s32 $0xFFFFD300  }
0xa2: {  	[tilespmem:s20], [sflag:$0x2] =	stream.indirect.gather [hbm4b:s4+s16], $0x90, s13, s16, $0xb8;
	[tilespmem:$0x1C2F0] =	vst v63  }
0xa3: {  	_ =	swait.ge [sflag:s21], $0x2D00  }
0xa4: {  	[sflag:s21] =	ssyncset.done $0x0  }
0xa5: {  	[sflag:s21] =	ssyncadd.s32 $0xFFFFD300  }
0xa6: {  	[spmem:s2] =	stream.indirect.scatter.add.f32 [tilespmem:s18], [sflag:$0x3], $0x90, s24, s16, $0xb8;
	[tilespmem:$0x1C2F0] =	vst v63  }
0xa7: {  	_ =	swait.ge [sflag:s14], $0x2D00  }
0xa8: {  	[sflag:s14] =	ssyncset.done $0x0  }
0xa9: {  	[sflag:s14] =	ssyncadd.s32 $0xFFFFD300  }
0xaa: {  	_ =	swait.ge [sflag:s23], $0x2D00  }
0xab: {  	p0 =	sne.s32 s17, $0x960;
	[sflag:s23] =	ssyncset.done $0x0  }
.Ltmp0:
0xac: {  	[sflag:s23] =	ssyncadd.s32 $0xFFFFD300;
	(pc) =	sbr.rel @p0 .LBB2_2-.Ltmp0, $4  }
0xad: {  	[spmem:s2] =	stream.indirect.scatter.add.f32 [tilespmem:s20], [sflag:$0x3], $0x90, s25, s16, $0xb8;
	[tilespmem:$0x1C2F0] =	vst v63  }
0xae: {  	_ =	swait.ge [sflag:s14], $0x2D00  }
0xaf: {  	[sflag:s14] =	ssyncset.done $0x0  }
0xb0: {  	s17 =	sadd.s32 $0x64, s17;
	[sflag:s14] =	ssyncadd.s32 $0xFFFFD300  }
0xb1: {  	[bflag:$0x0] =	sbarrier.arrive $0xFFFF  }
0xb2: {  	s17 =	rddreg [dreg:$0x4]  }
0xb3: {  	s19 =	rddreg [dreg:$0x5]  }
0xb4: {  	s22 =	rddreg [dreg:$0x9]  }
0xb5: {  	[hbm:s19], [sflag:s17] =	dma.local [spmem:s22], $0x2BF2  }
0xb6: {  	_ =	swait.ge [sflag:s14], $0x2BF2  }
0xb7: {  	[sflag:s14] =	ssyncset.done $0x0  }
0xb8: {  	[sflag:s14] =	ssyncadd.s32 $0xFFFFD40E  }
0xb9: {  	[bflag:$0x0] =	sbarrier.arrive $0xFFFF  }
0xba: {  	s19 =	rddreg [dreg:$0x6]  }
0xbb: {  	[spmem:s22], [sflag:s17] =	dma.local [hbm:s19], $0x2BF2  }
0xbc: {  	_ =	swait.ge [sflag:s14], $0x2BF2  }
0xbd: {  	[sflag:s14] =	ssyncset.done $0x0  }
0xbe: {  	[sflag:s14] =	ssyncadd.s32 $0xFFFFD40E  }
0xbf: {  	s22 =	simm.s32 $0x640;
	s17 =	simm.s32 $0x0;
	[bflag:$0x0] =	sbarrier.arrive $0xFFFF  }
.LBB2_4:
0xc0: {  	s19 =	sadd.s32 s17, s12  }
0xc1: {  	[tilespmem:s3], [sflag:$0x3] =	stream.linear.gather [hbm4b:s19+s3], $0x320, $0x38;
	[tilespmem:$0x1C2F0] =	vst v63  }
0xc2: {  	_ =	swait.ge [sflag:s14], $0x320  }
0xc3: {  	[sflag:s14] =	ssyncset.done $0x0  }
0xc4: {  	s19 =	sadd.s32 s17, s11;
	[sflag:s14] =	ssyncadd.s32 $0xFFFFFCE0  }
0xc5: {  	[tilespmem:s15], [sflag:$0x3] =	stream.linear.gather [hbm4b:s19+s3], $0x320, $0x38;
	[tilespmem:$0x1C2F0] =	vst v63  }
0xc6: {  	_ =	swait.ge [sflag:s14], $0x320  }
0xc7: {  	[sflag:s14] =	ssyncset.done $0x0  }
0xc8: {  	[sflag:s14] =	ssyncadd.s32 $0xFFFFFCE0  }
0xc9: {  	v2 =	vld [tilespmem:$0x0]  }
0xca: {  	v3 =	vld [tilespmem:$0x10]  }
0xcb: {  	v4 =	vld [tilespmem:$0x20]  }
0xcc: {  	v5 =	vld [tilespmem:$0x30]  }
0xcd: {  	v6 =	vld [tilespmem:$0x40]  }
0xce: {  	v7 =	vld [tilespmem:$0x50];
	v2 =	vadd.s32 v1, v2  }
0xcf: {  	[tilespmem:$0x640] =	vst v2;
	v2 =	vadd.s32 v1, v3;
	v3 =	vld [tilespmem:$0x60]  }
0xd0: {  	v29 =	vld [tilespmem:$0x70];
	[tilespmem:$0x650] =	vst v2;
	v2 =	vadd.s32 v1, v4  }
0xd1: {  	v30 =	vld [tilespmem:$0x80];
	[tilespmem:$0x660] =	vst v2;
	v2 =	vadd.s32 v1, v5  }
0xd2: {  	v31 =	vld [tilespmem:$0x90];
	[tilespmem:$0x670] =	vst v2;
	v2 =	vadd.s32 v1, v6  }
0xd3: {  	v32 =	vld [tilespmem:$0xA0];
	[tilespmem:$0x680] =	vst v2;
	v2 =	vadd.s32 v1, v7  }
0xd4: {  	[tilespmem:$0x690] =	vst v2;
	v2 =	vadd.s32 v1, v3;
	v3 =	vld [tilespmem:$0xB0]  }
0xd5: {  	v33 =	vld [tilespmem:$0xC0];
	[tilespmem:$0x6A0] =	vst v2;
	v2 =	vadd.s32 v1, v29  }
0xd6: {  	v34 =	vld [tilespmem:$0xD0];
	[tilespmem:$0x6B0] =	vst v2;
	v2 =	vadd.s32 v1, v30  }
0xd7: {  	v35 =	vld [tilespmem:$0xE0];
	[tilespmem:$0x6C0] =	vst v2;
	v2 =	vadd.s32 v1, v31  }
0xd8: {  	v36 =	vld [tilespmem:$0xF0];
	[tilespmem:$0x6D0] =	vst v2;
	v2 =	vadd.s32 v1, v32  }
0xd9: {  	[tilespmem:$0x6E0] =	vst v2;
	v2 =	vadd.s32 v1, v3;
	v3 =	vld [tilespmem:$0x100]  }
0xda: {  	v37 =	vld [tilespmem:$0x110];
	[tilespmem:$0x6F0] =	vst v2;
	v2 =	vadd.s32 v1, v33  }
0xdb: {  	v38 =	vld [tilespmem:$0x120];
	[tilespmem:$0x700] =	vst v2;
	v2 =	vadd.s32 v1, v34  }
0xdc: {  	v39 =	vld [tilespmem:$0x130];
	[tilespmem:$0x710] =	vst v2;
	v2 =	vadd.s32 v1, v35  }
0xdd: {  	v40 =	vld [tilespmem:$0x140];
	[tilespmem:$0x720] =	vst v2;
	v2 =	vadd.s32 v1, v36  }
0xde: {  	[tilespmem:$0x730] =	vst v2;
	v2 =	vadd.s32 v1, v3;
	v3 =	vld [tilespmem:$0x150]  }
0xdf: {  	v41 =	vld [tilespmem:$0x160];
	[tilespmem:$0x740] =	vst v2;
	v2 =	vadd.s32 v1, v37  }
0xe0: {  	v42 =	vld [tilespmem:$0x170];
	[tilespmem:$0x750] =	vst v2;
	v2 =	vadd.s32 v1, v38  }
0xe1: {  	v43 =	vld [tilespmem:$0x180];
	[tilespmem:$0x760] =	vst v2;
	v2 =	vadd.s32 v1, v39  }
0xe2: {  	v44 =	vld [tilespmem:$0x190];
	[tilespmem:$0x770] =	vst v2;
	v2 =	vadd.s32 v1, v40  }
0xe3: {  	[tilespmem:$0x780] =	vst v2;
	v2 =	vadd.s32 v1, v3;
	v3 =	vld [tilespmem:$0x1A0]  }
0xe4: {  	v45 =	vld [tilespmem:$0x1B0];
	[tilespmem:$0x790] =	vst v2;
	v2 =	vadd.s32 v1, v41  }
0xe5: {  	v46 =	vld [tilespmem:$0x1C0];
	[tilespmem:$0x7A0] =	vst v2;
	v2 =	vadd.s32 v1, v42  }
0xe6: {  	v47 =	vld [tilespmem:$0x1D0];
	[tilespmem:$0x7B0] =	vst v2;
	v2 =	vadd.s32 v1, v43  }
0xe7: {  	v48 =	vld [tilespmem:$0x1E0];
	[tilespmem:$0x7C0] =	vst v2;
	v2 =	vadd.s32 v1, v44  }
0xe8: {  	[tilespmem:$0x7D0] =	vst v2;
	v2 =	vadd.s32 v1, v3;
	v3 =	vld [tilespmem:$0x1F0]  }
0xe9: {  	v49 =	vld [tilespmem:$0x200];
	[tilespmem:$0x7E0] =	vst v2;
	v2 =	vadd.s32 v1, v45  }
0xea: {  	v50 =	vld [tilespmem:$0x210];
	[tilespmem:$0x7F0] =	vst v2;
	v2 =	vadd.s32 v1, v46  }
0xeb: {  	v51 =	vld [tilespmem:$0x220];
	[tilespmem:$0x800] =	vst v2;
	v2 =	vadd.s32 v1, v47  }
0xec: {  	v52 =	vld [tilespmem:$0x230];
	[tilespmem:$0x810] =	vst v2;
	v2 =	vadd.s32 v1, v48  }
0xed: {  	[tilespmem:$0x820] =	vst v2;
	v2 =	vadd.s32 v1, v3;
	v3 =	vld [tilespmem:$0x240]  }
0xee: {  	v53 =	vld [tilespmem:$0x250];
	[tilespmem:$0x830] =	vst v2;
	v2 =	vadd.s32 v1, v49  }
0xef: {  	v54 =	vld [tilespmem:$0x260];
	[tilespmem:$0x840] =	vst v2;
	v2 =	vadd.s32 v1, v50  }
0xf0: {  	v55 =	vld [tilespmem:$0x270];
	[tilespmem:$0x850] =	vst v2;
	v2 =	vadd.s32 v1, v51  }
0xf1: {  	v56 =	vld [tilespmem:$0x280];
	[tilespmem:$0x860] =	vst v2;
	v2 =	vadd.s32 v1, v52  }
0xf2: {  	[tilespmem:$0x870] =	vst v2;
	v2 =	vadd.s32 v1, v3;
	v3 =	vld [tilespmem:$0x290]  }
0xf3: {  	v57 =	vld [tilespmem:$0x2A0];
	[tilespmem:$0x880] =	vst v2;
	v2 =	vadd.s32 v1, v53  }
0xf4: {  	v58 =	vld [tilespmem:$0x2B0];
	[tilespmem:$0x890] =	vst v2;
	v2 =	vadd.s32 v1, v54  }
0xf5: {  	v59 =	vld [tilespmem:$0x2C0];
	[tilespmem:$0x8A0] =	vst v2;
	v2 =	vadd.s32 v1, v55  }
0xf6: {  	v60 =	vld [tilespmem:$0x2D0];
	[tilespmem:$0x8B0] =	vst v2;
	v2 =	vadd.s32 v1, v56  }
0xf7: {  	[tilespmem:$0x8C0] =	vst v2;
	v2 =	vadd.s32 v1, v3;
	v3 =	vld [tilespmem:$0x2E0]  }
0xf8: {  	v61 =	vld [tilespmem:$0x2F0];
	[tilespmem:$0x8D0] =	vst v2;
	v2 =	vadd.s32 v1, v57  }
0xf9: {  	v62 =	vld [tilespmem:$0x300];
	[tilespmem:$0x8E0] =	vst v2;
	v2 =	vadd.s32 v1, v58  }
0xfa: {  	v63 =	vld [tilespmem:$0x310];
	[tilespmem:$0x8F0] =	vst v2;
	v2 =	vadd.s32 v1, v59  }
0xfb: {  	[tilespmem:$0x900] =	vst v2;
	v2 =	vadd.s32 v1, v60  }
0xfc: {  	[tilespmem:$0x910] =	vst v2;
	v2 =	vadd.s32 v1, v3  }
0xfd: {  	[tilespmem:$0x920] =	vst v2;
	v2 =	vadd.s32 v1, v61  }
0xfe: {  	[tilespmem:$0x930] =	vst v2;
	v2 =	vadd.s32 v1, v62  }
0xff: {  	[tilespmem:$0x940] =	vst v2;
	v2 =	vadd.s32 v1, v63  }
0x100: {  	[tilespmem:$0x950] =	vst v2  }
0x101: {  	[tilespmem:s18], [sflag:$0x1] =	stream.indirect.gather [hbm4b:s4+s16], $0x90, s22, s16, $0xb8;
	[tilespmem:$0x1C2F0] =	vst v63  }
0x102: {  	s19 =	simm.s32 $0x690  }
0x103: {  	[tilespmem:s20], [sflag:$0x2] =	stream.indirect.gather [hbm4b:s4+s16], $0x90, s19, s16, $0xb8;
	[tilespmem:$0x1C2F0] =	vst v63  }
0x104: {  	_ =	swait.ge [sflag:s21], $0x2D00  }
0x105: {  	[sflag:s21] =	ssyncset.done $0x0  }
0x106: {  	[sflag:s21] =	ssyncadd.s32 $0xFFFFD300  }
0x107: {  	[spmem:s2] =	stream.indirect.scatter.add.f32 [tilespmem:s18], [sflag:$0x3], $0x90, s15, s16, $0xb8;
	[tilespmem:$0x1C2F0] =	vst v63  }
0x108: {  	_ =	swait.ge [sflag:s14], $0x2D00  }
0x109: {  	[sflag:s14] =	ssyncset.done $0x0  }
0x10a: {  	s19 =	simm.s32 $0x6E0;
	[sflag:s14] =	ssyncadd.s32 $0xFFFFD300  }
0x10b: {  	[tilespmem:s18], [sflag:$0x1] =	stream.indirect.gather [hbm4b:s4+s16], $0x90, s19, s16, $0xb8;
	[tilespmem:$0x1C2F0] =	vst v63  }
0x10c: {  	_ =	swait.ge [sflag:s23], $0x2D00  }
0x10d: {  	[sflag:s23] =	ssyncset.done $0x0  }
0x10e: {  	[sflag:s23] =	ssyncadd.s32 $0xFFFFD300  }
0x10f: {  	[spmem:s2] =	stream.indirect.scatter.add.f32 [tilespmem:s20], [sflag:$0x3], $0x90, s26, s16, $0xb8;
	[tilespmem:$0x1C2F0] =	vst v63  }
0x110: {  	_ =	swait.ge [sflag:s14], $0x2D00  }
0x111: {  	[sflag:s14] =	ssyncset.done $0x0  }
0x112: {  	[sflag:s14] =	ssyncadd.s32 $0xFFFFD300  }
0x113: {  	[tilespmem:s20], [sflag:$0x2] =	stream.indirect.gather [hbm4b:s4+s16], $0x90, s28, s16, $0xb8;
	[tilespmem:$0x1C2F0] =	vst v63  }
0x114: {  	_ =	swait.ge [sflag:s21], $0x2D00  }
0x115: {  	[sflag:s21] =	ssyncset.done $0x0  }
0x116: {  	[sflag:s21] =	ssyncadd.s32 $0xFFFFD300  }
0x117: {  	[spmem:s2] =	stream.indirect.scatter.add.f32 [tilespmem:s18], [sflag:$0x3], $0x90, s29, s16, $0xb8;
	[tilespmem:$0x1C2F0] =	vst v63  }
0x118: {  	_ =	swait.ge [sflag:s14], $0x2D00  }
0x119: {  	[sflag:s14] =	ssyncset.done $0x0  }
0x11a: {  	[sflag:s14] =	ssyncadd.s32 $0xFFFFD300  }
0x11b: {  	[tilespmem:s18], [sflag:$0x1] =	stream.indirect.gather [hbm4b:s4+s16], $0x90, s30, s16, $0xb8;
	[tilespmem:$0x1C2F0] =	vst v63  }
0x11c: {  	_ =	swait.ge [sflag:s23], $0x2D00  }
0x11d: {  	[sflag:s23] =	ssyncset.done $0x0  }
0x11e: {  	[sflag:s23] =	ssyncadd.s32 $0xFFFFD300  }
0x11f: {  	[spmem:s2] =	stream.indirect.scatter.add.f32 [tilespmem:s20], [sflag:$0x3], $0x90, s31, s16, $0xb8;
	[tilespmem:$0x1C2F0] =	vst v63  }
0x120: {  	_ =	swait.ge [sflag:s14], $0x2D00  }
0x121: {  	[sflag:s14] =	ssyncset.done $0x0  }
0x122: {  	[sflag:s14] =	ssyncadd.s32 $0xFFFFD300  }
0x123: {  	[tilespmem:s20], [sflag:$0x2] =	stream.indirect.gather [hbm4b:s4+s16], $0x90, s1, s16, $0xb8;
	[tilespmem:$0x1C2F0] =	vst v63  }
0x124: {  	_ =	swait.ge [sflag:s21], $0x2D00  }
0x125: {  	[sflag:s21] =	ssyncset.done $0x0  }
0x126: {  	[sflag:s21] =	ssyncadd.s32 $0xFFFFD300  }
0x127: {  	[spmem:s2] =	stream.indirect.scatter.add.f32 [tilespmem:s18], [sflag:$0x3], $0x90, s0, s16, $0xb8;
	[tilespmem:$0x1C2F0] =	vst v63  }
0x128: {  	_ =	swait.ge [sflag:s14], $0x2D00  }
0x129: {  	[sflag:s14] =	ssyncset.done $0x0  }
0x12a: {  	[sflag:s14] =	ssyncadd.s32 $0xFFFFD300  }
0x12b: {  	[tilespmem:s18], [sflag:$0x1] =	stream.indirect.gather [hbm4b:s4+s16], $0x90, s5, s16, $0xb8;
	[tilespmem:$0x1C2F0] =	vst v63  }
0x12c: {  	_ =	swait.ge [sflag:s23], $0x2D00  }
0x12d: {  	[sflag:s23] =	ssyncset.done $0x0  }
0x12e: {  	[sflag:s23] =	ssyncadd.s32 $0xFFFFD300  }
0x12f: {  	[spmem:s2] =	stream.indirect.scatter.add.f32 [tilespmem:s20], [sflag:$0x3], $0x90, s7, s16, $0xb8;
	[tilespmem:$0x1C2F0] =	vst v63  }
0x130: {  	_ =	swait.ge [sflag:s14], $0x2D00  }
0x131: {  	[sflag:s14] =	ssyncset.done $0x0  }
0x132: {  	[sflag:s14] =	ssyncadd.s32 $0xFFFFD300  }
0x133: {  	[tilespmem:s20], [sflag:$0x2] =	stream.indirect.gather [hbm4b:s4+s16], $0x90, s8, s16, $0xb8;
	[tilespmem:$0x1C2F0] =	vst v63  }
0x134: {  	_ =	swait.ge [sflag:s21], $0x2D00  }
0x135: {  	[sflag:s21] =	ssyncset.done $0x0  }
0x136: {  	[sflag:s21] =	ssyncadd.s32 $0xFFFFD300  }
0x137: {  	[spmem:s2] =	stream.indirect.scatter.add.f32 [tilespmem:s18], [sflag:$0x3], $0x90, s9, s16, $0xb8;
	[tilespmem:$0x1C2F0] =	vst v63  }
0x138: {  	_ =	swait.ge [sflag:s14], $0x2D00  }
0x139: {  	[sflag:s14] =	ssyncset.done $0x0  }
0x13a: {  	[sflag:s14] =	ssyncadd.s32 $0xFFFFD300  }
0x13b: {  	[tilespmem:s18], [sflag:$0x1] =	stream.indirect.gather [hbm4b:s4+s16], $0x90, s10, s16, $0xb8;
	[tilespmem:$0x1C2F0] =	vst v63  }
0x13c: {  	_ =	swait.ge [sflag:s23], $0x2D00  }
0x13d: {  	[sflag:s23] =	ssyncset.done $0x0  }
0x13e: {  	[sflag:s23] =	ssyncadd.s32 $0xFFFFD300  }
0x13f: {  	[spmem:s2] =	stream.indirect.scatter.add.f32 [tilespmem:s20], [sflag:$0x3], $0x90, s6, s16, $0xb8;
	[tilespmem:$0x1C2F0] =	vst v63  }
0x140: {  	_ =	swait.ge [sflag:s14], $0x2D00  }
0x141: {  	[sflag:s14] =	ssyncset.done $0x0  }
0x142: {  	[sflag:s14] =	ssyncadd.s32 $0xFFFFD300  }
0x143: {  	[tilespmem:s20], [sflag:$0x2] =	stream.indirect.gather [hbm4b:s4+s16], $0x90, s13, s16, $0xb8;
	[tilespmem:$0x1C2F0] =	vst v63  }
0x144: {  	_ =	swait.ge [sflag:s21], $0x2D00  }
0x145: {  	[sflag:s21] =	ssyncset.done $0x0  }
0x146: {  	[sflag:s21] =	ssyncadd.s32 $0xFFFFD300  }
0x147: {  	[spmem:s2] =	stream.indirect.scatter.add.f32 [tilespmem:s18], [sflag:$0x3], $0x90, s24, s16, $0xb8;
	[tilespmem:$0x1C2F0] =	vst v63  }
0x148: {  	_ =	swait.ge [sflag:s14], $0x2D00  }
0x149: {  	[sflag:s14] =	ssyncset.done $0x0  }
0x14a: {  	[sflag:s14] =	ssyncadd.s32 $0xFFFFD300  }
0x14b: {  	_ =	swait.ge [sflag:s23], $0x2D00  }
0x14c: {  	p0 =	sne.s32 s17, $0x960;
	[sflag:s23] =	ssyncset.done $0x0  }
.Ltmp1:
0x14d: {  	[sflag:s23] =	ssyncadd.s32 $0xFFFFD300;
	(pc) =	sbr.rel @p0 .LBB2_4-.Ltmp1, $4  }
0x14e: {  	[spmem:s2] =	stream.indirect.scatter.add.f32 [tilespmem:s20], [sflag:$0x3], $0x90, s25, s16, $0xb8;
	[tilespmem:$0x1C2F0] =	vst v63  }
0x14f: {  	_ =	swait.ge [sflag:s14], $0x2D00  }
0x150: {  	[sflag:s14] =	ssyncset.done $0x0  }
0x151: {  	s17 =	sadd.s32 $0x64, s17;
	[sflag:s14] =	ssyncadd.s32 $0xFFFFD300  }
0x152: {  	[bflag:$0x0] =	sbarrier.arrive $0xFFFF  }
0x153: {  	s19 =	rddreg [dreg:$0x4]  }
0x154: {  	s17 =	rddreg [dreg:$0x7]  }
0x155: {  	s22 =	rddreg [dreg:$0x9]  }
0x156: {  	[hbm:s17], [sflag:s19] =	dma.local [spmem:s22], $0x2BF2  }
0x157: {  	_ =	swait.ge [sflag:s14], $0x2BF2  }
0x158: {  	s0 =	rddreg [dreg:$0xa]  }
0x159: {  	s17 =	rddreg [dreg:$0x8];
	s0 =	sadd.s32 $0x1, s0  }
0x15a: {  	p0 =	sne.s32 s0, s17  }
.Ltmp2:
0x15b: {  	_ = 	snop;
	(pc) =	sbr.rel @p0 .LBB2_1-.Ltmp2, $3  }
0x15c: {  	[sflag:s14] =	ssyncset.done $0x0  }
0x15d: {  	[sflag:s14] =	ssyncadd.s32 $0xFFFFD40E  }
0x15e: {  	[bflag:$0x0] =	sbarrier.arrive $0xFFFF;
	_ =	sdelay $0x1  }
0x15f: {  	_ =	sfence.sel $0x180000  }
0x160: {  	[bflag:$0x0] =	sbarrier.arrive $0xFFFF  }
0x161: {  	_ =	strace $0x9000004A  }
0x162: {  	s0 =	stileid.u32;
	[bflag:$0x2] =	sbarrier.arrive $0xFFFF  }
0x163: {  	p0 =	sne.s32 s0, $0x0;
	s0 =	rddreg [dreg:$0x2]  }
0x164: {  	s0 =	sadd.s32 @!p0 $0x100000, s0  }
0x165: {  	[sflag:s0] =	ssyncadd.tile.s32 @!p0 $0x1;
	_ =	shalt  }
.Lfunc_end2:
_tile_overlayer_lowered:
.L_overlay_start_2:
0x166: {  	(tag) =	ssettag $0x2  }
0x167: {  	s0 =	rddreg [dreg:$0x0];
	s2 =	stileid.u32  }
0x168: {  	s1 =	rddreg [dreg:$0x1];
	p0 =	sne.s32 s2, $0x0  }
0x169: {  	s3 =	rddreg [dreg:$0x2];
	[bflag:$0x3] =	sbarrier.arrive $0xFFFF;
	s2 =	simm.s32 @!p0 $0x1C03  }
0x16a: {  	[timem:s3], [sflag:s2] =	dma.local @!p0 [hbm:s0], s1  }
0x16b: {  	s0 =	simm.s32 @!p0 $0x3  }
0x16c: {  	_ =	swait.ge @!p0 [sflag:s0], s1  }
0x16d: {  	s1 =	ssub.s32 @!p0 $0x0, s1;
	[sflag:s0] =	ssyncset.done @!p0 $0x0  }
0x16e: {  	[sflag:s0] =	ssyncadd.s32 @!p0 s1  }
0x16f: {  	[bflag:$0x3] =	sbarrier.arrive $0xFFFF  }
0x170: {  	_ =	shalt  }

</sc_bundles>
